<compile_context>
chip_gen: v7x
topology: tpu7x:2x2x1
jax: 0.10.2.dev20260603
libtpu: 0.0.44.dev20260713+nightly
codegen_flags: <defaults>
</compile_context>

<pallas_src>
import functools

import jax
import jax.numpy as jnp
from jax import lax
from jax.experimental import pallas as pl
from jax.experimental.pallas import tpu as pltpu
from jax.experimental.pallas import tpu_sc as plsc

N_EXP = 16
TOPK = 2
ALPHA = 0.01
HID = 2048
ROWS = 8192
BLK = 1024

L = 16
N_SUB = 16
TPT = ROWS // N_SUB
N_GRP = TPT // L
LOSS_SCALE = ALPHA * N_EXP / (float(ROWS) * float(ROWS * TOPK))


def _lane_allsum(v):
    for sh in (8, 4, 2, 1):
        idx = lax.iota(jnp.int32, L) ^ sh
        v = v + lax.gather(
            v, idx[:, None],
            dimension_numbers=lax.GatherDimensionNumbers(
                offset_dims=(), collapsed_slice_dims=(0,),
                start_index_map=(0,)),
            slice_sizes=(1,), unique_indices=True,
            mode=lax.GatherScatterMode.PROMISE_IN_BOUNDS)
    return v


def _logits_body(x_ref, w_ref, lt_ref):
    lt_ref[...] = lax.dot_general(w_ref[...], x_ref[...],
                                  (((1,), (1,)), ((), ())),
                                  preferred_element_type=jnp.float32)


def _tc_logits(xf, w):
    return pl.pallas_call(
        _logits_body,
        grid=(ROWS // BLK,),
        in_specs=[
            pl.BlockSpec((BLK, HID), lambda i: (i, 0)),
            pl.BlockSpec((N_EXP, HID), lambda i: (0, 0)),
        ],
        out_specs=pl.BlockSpec((N_EXP, BLK), lambda i: (0, i)),
        out_shape=jax.ShapeDtypeStruct((N_EXP, ROWS), jnp.float32),
        compiler_params=pltpu.CompilerParams(
            dimension_semantics=("arbitrary",),
        ),
    )(xf, w)


@functools.partial(
    pl.kernel,
    out_type=[
        jax.ShapeDtypeStruct((TOPK, ROWS), jnp.int32),
        jax.ShapeDtypeStruct((TOPK, ROWS), jnp.float32),
        jax.ShapeDtypeStruct((N_SUB, 2, N_EXP), jnp.float32),
    ],
    mesh=plsc.VectorSubcoreMesh(core_axis_name="c", subcore_axis_name="s",
                                num_cores=1),
    scratch_types=[
        pltpu.VMEM((N_EXP, TPT), jnp.float32),
        pltpu.VMEM((TPT,), jnp.int32),
        pltpu.VMEM((TPT,), jnp.int32),
        pltpu.VMEM((TPT,), jnp.float32),
        pltpu.VMEM((TPT,), jnp.float32),
        pltpu.VMEM((N_EXP, L), jnp.float32),
        pltpu.VMEM((N_EXP, L), jnp.float32),
        pltpu.VMEM((2, N_EXP), jnp.float32),
    ],
)
def _sc_gate(lt_hbm, idx_hbm, wgt_hbm, parts_hbm,
             slab, i1_v, i2_v, w1_v, w2_v, pi_v, cnt_v, part_v):
    wid = lax.axis_index("s")
    base = wid * TPT
    pltpu.sync_copy(lt_hbm.at[:, pl.ds(base, TPT)], slab)

    zero = jnp.zeros((L,), jnp.float32)
    for e in range(N_EXP):
        pi_v[e, :] = zero
        cnt_v[e, :] = zero

    def grp(g, carry):
        b = g * L
        vs = [slab[e, pl.ds(b, L)] for e in range(N_EXP)]
        m1 = vs[0]
        i1 = jnp.zeros((L,), jnp.int32)
        m2 = jnp.full((L,), -jnp.inf, jnp.float32)
        i2 = jnp.zeros((L,), jnp.int32)
        for e in range(1, N_EXP):
            v = vs[e]
            es = jnp.full((L,), e, jnp.int32)
            gt1 = v > m1
            gt2 = v > m2
            m2 = jnp.where(gt1, m1, jnp.where(gt2, v, m2))
            i2 = jnp.where(gt1, i1, jnp.where(gt2, es, i2))
            m1 = jnp.where(gt1, v, m1)
            i1 = jnp.where(gt1, es, i1)

        den = jnp.zeros((L,), jnp.float32)
        ts = []
        for e in range(N_EXP):
            t = jnp.exp(vs[e] - m1)
            ts.append(t)
            den = den + t
        rden = 1.0 / den
        one = jnp.full((L,), 1.0, jnp.float32)
        zer = jnp.zeros((L,), jnp.float32)
        for e in range(N_EXP):
            pi_v[e, :] = pi_v[e, :] + ts[e] * rden
            es = jnp.full((L,), e, jnp.int32)
            inc = (jnp.where(i1 == es, one, zer)
                   + jnp.where(i2 == es, one, zer))
            cnt_v[e, :] = cnt_v[e, :] + inc

        e2 = jnp.exp(m2 - m1)
        w1 = 1.0 / (1.0 + e2)
        w2 = 1.0 - w1
        i1_v[pl.ds(b, L)] = i1
        i2_v[pl.ds(b, L)] = i2
        w1_v[pl.ds(b, L)] = w1
        w2_v[pl.ds(b, L)] = w2
        return carry

    lax.fori_loop(0, N_GRP, grp, 0)

    pltpu.sync_copy(i1_v, idx_hbm.at[0, pl.ds(base, TPT)])
    pltpu.sync_copy(i2_v, idx_hbm.at[1, pl.ds(base, TPT)])
    pltpu.sync_copy(w1_v, wgt_hbm.at[0, pl.ds(base, TPT)])
    pltpu.sync_copy(w2_v, wgt_hbm.at[1, pl.ds(base, TPT)])

    iota = lax.iota(jnp.int32, L)
    one = jnp.full((L,), 1.0, jnp.float32)
    zer = jnp.zeros((L,), jnp.float32)
    pi_tot = jnp.zeros((L,), jnp.float32)
    cnt_tot = jnp.zeros((L,), jnp.float32)
    for e in range(N_EXP):
        oh = jnp.where(iota == e, one, zer)
        pi_tot = pi_tot + oh * _lane_allsum(pi_v[e, :])
        cnt_tot = cnt_tot + oh * _lane_allsum(cnt_v[e, :])
    part_v[0, :] = pi_tot
    part_v[1, :] = cnt_tot
    pltpu.sync_copy(part_v, parts_hbm.at[wid])


def _loss_body(parts_ref, loss_ref):
    p = parts_ref[...]
    pi_tot = jnp.sum(p[:, 0, :], axis=0)
    cnt_tot = jnp.sum(p[:, 1, :], axis=0)
    loss_ref[...] = (jnp.sum(pi_tot * cnt_tot) * LOSS_SCALE).reshape(1, 1)


def _tc_loss(parts):
    return pl.pallas_call(
        _loss_body,
        out_shape=jax.ShapeDtypeStruct((1, 1), jnp.float32),
    )(parts)


@jax.jit
def kernel(x, weight):
    xf = x.reshape(-1, HID)
    lt = _tc_logits(xf, weight)
    idx_t, wgt_t, parts = _sc_gate(lt)
    loss = _tc_loss(parts)
    return idx_t.T, wgt_t.T, loss[0, 0]

# --- scband reference (transcript-rebuilt; emitter-appended) ---
"""Pipeline reference for scband-moe-gate-15710990369658 (READ-ONLY COPY).

The authoritative reference and input builder live on the scoring server;
editing this copy changes nothing except your own understanding.
"""

import jax, jax.numpy as jnp
import numpy as np

TOP_K = 2
N_EXPERTS = 16
HIDDEN = 2048
ALPHA = 0.01

def setup_inputs(seed: int = 0) -> dict:
    key = jax.random.key(seed)
    k1, k2 = jax.random.split(key)
    x = jax.random.normal(k1, (2, 4096, HIDDEN), dtype=jnp.float32)
    # kaiming_uniform_(a=sqrt(5)) on [E, H] -> U(-1/sqrt(fan_in), 1/sqrt(fan_in)) with fan_in=H
    bound = 1.0 / np.sqrt(HIDDEN)
    weight = jax.random.uniform(k2, (N_EXPERTS, HIDDEN), minval=-bound, maxval=bound, dtype=jnp.float32)
    return {"x": x, "weight": weight}

def reference(x, weight):
    bsize, data_len, hdim = x.shape
    xf = x.reshape(-1, hdim)
    logits = xf @ weight.T
    scores = jax.nn.softmax(logits, axis=-1)
    topk_weight, topk_idx = jax.lax.top_k(scores, TOP_K)
    denominator = jnp.sum(topk_weight, axis=-1, keepdims=True) + 1e-20
    topk_weight = topk_weight / denominator
    # training branch with seq_moe_loss=False (alpha > 0): switch-style load-balance loss
    mask_ce = jax.nn.one_hot(topk_idx.reshape(-1), N_EXPERTS, dtype=jnp.float32)
    ce = mask_ce.mean(axis=0)
    pi = scores.mean(axis=0)
    fi = ce * N_EXPERTS
    moe_loss = jnp.sum(pi * fi) * ALPHA
    return topk_idx, topk_weight, moe_loss

if __name__ == "__main__":
    import jax
    _d = setup_inputs()
    print(jax.jit(kernel)(*tuple(_d.values())))

</pallas_src>

<mosaic_0001>
#map = affine_map<(d0, d1) -> (0, 0)>
#map1 = affine_map<(d0, d1) -> (0, 0, 0)>
module attributes {stable_mosaic.version = 14 : i64} {
  func.func @_sc_gate(%arg0: i32, %arg1: i32, %arg2: memref<16x8192xf32, #tpu.memory_space<hbm>>, %arg3: memref<2x8192xi32, #tpu.memory_space<hbm>>, %arg4: memref<2x8192xf32, #tpu.memory_space<hbm>>, %arg5: memref<16x2x16xf32, #tpu.memory_space<hbm>>, %arg6: memref<16x512xf32, #tpu.memory_space<vmem>>, %arg7: memref<512xi32, #tpu.memory_space<vmem>>, %arg8: memref<512xi32, #tpu.memory_space<vmem>>, %arg9: memref<512xf32, #tpu.memory_space<vmem>>, %arg10: memref<512xf32, #tpu.memory_space<vmem>>, %arg11: memref<16x16xf32, #tpu.memory_space<vmem>>, %arg12: memref<16x16xf32, #tpu.memory_space<vmem>>, %arg13: memref<2x16xf32, #tpu.memory_space<vmem>>) attributes {dimension_semantics = [#tpu.dimension_semantics<core_parallel>, #tpu.dimension_semantics<subcore_parallel>], iteration_bounds = array<i64: 1, 16>, scalar_prefetch = 0 : i64, scratch_operands = 8 : i64, tpu.core_type = #tpu.core_type<sc_vector_subcore>, window_params = [{transform_indices = #map}, {transform_indices = #map}, {transform_indices = #map}, {transform_indices = #map1}]} {
    %mul3A = arith.constant 512 : i32
    %mul3A_0 = arith.muli %arg1, %mul3A : i32
    "tpu.region"() ({
      %run_scoped3A_1527 = tpu.sem_alloc : memref<!tpu.dma_semaphore, #tpu.memory_space<semaphore_mem>>
      %dma_start3A = arith.constant 0 : i32
      %dma_start3A_1528 = tpu.memref_slice %arg2[%dma_start3A, %mul3A_0] : memref<16x8192xf32, #tpu.memory_space<hbm>> -> memref<16x512xf32, #tpu.memory_space<hbm>>
      %dma_start3A_1529 = arith.constant 0 : i32
      %dma_start3A_1530 = tpu.memref_slice %arg2[%dma_start3A_1529, %mul3A_0] : memref<16x8192xf32, #tpu.memory_space<hbm>> -> memref<16x512xf32, #tpu.memory_space<hbm>>
      tpu.enqueue_dma source(%dma_start3A_1530 : memref<16x512xf32, #tpu.memory_space<hbm>>) target(%arg6 : memref<16x512xf32, #tpu.memory_space<vmem>>) target_semaphore(%run_scoped3A_1527 : memref<!tpu.dma_semaphore, #tpu.memory_space<semaphore_mem>>)
      %dma_wait3A = arith.constant 0 : i32
      %dma_wait3A_1531 = tpu.memref_slice %arg2[%dma_wait3A, %mul3A_0] : memref<16x8192xf32, #tpu.memory_space<hbm>> -> memref<16x512xf32, #tpu.memory_space<hbm>>
      %dma_wait3A_1532 = arith.constant 0 : i32
      %dma_wait3A_1533 = tpu.memref_slice %arg2[%dma_wait3A_1532, %mul3A_0] : memref<16x8192xf32, #tpu.memory_space<hbm>> -> memref<16x512xf32, #tpu.memory_space<hbm>>
      tpu.wait_dma2 semaphore(%run_scoped3A_1527 : memref<!tpu.dma_semaphore, #tpu.memory_space<semaphore_mem>>) src(%dma_wait3A_1533 : memref<16x512xf32, #tpu.memory_space<hbm>>) dst(%arg6 : memref<16x512xf32, #tpu.memory_space<vmem>>)
      tpu.yield
    }) : () -> ()
    %broadcast_in_dim3A = arith.constant 0.000000e+00 : f32
    %broadcast_in_dim3A_1 = vector.broadcast %broadcast_in_dim3A : f32 to vector<16xf32>
    %swap3A = arith.constant 0 : i32
    %swap3A_2 = arith.index_cast %swap3A : i32 to index
    %swap3A_3 = arith.constant 0 : index
    %swap3A_4 = tpu.vector_load %arg11[%swap3A_2, %swap3A_3] {strides = array<i32>} : memref<16x16xf32, #tpu.memory_space<vmem>>, vector<1x16xf32>,
    %swap3A_5 = vector.shape_cast %swap3A_4 : vector<1x16xf32> to vector<16xf32>
    %swap3A_6 = vector.shape_cast %broadcast_in_dim3A_1 : vector<16xf32> to vector<1x16xf32>
    tpu.vector_store %arg11[%swap3A_2, %swap3A_3], %swap3A_6 {strides = array<i32>} : memref<16x16xf32, #tpu.memory_space<vmem>>, vector<1x16xf32>,
    %swap3A_7 = arith.constant 0 : i32
    %swap3A_8 = arith.index_cast %swap3A_7 : i32 to index
    %swap3A_9 = arith.constant 0 : index
    %swap3A_10 = tpu.vector_load %arg12[%swap3A_8, %swap3A_9] {strides = array<i32>} : memref<16x16xf32, #tpu.memory_space<vmem>>, vector<1x16xf32>,
    %swap3A_11 = vector.shape_cast %swap3A_10 : vector<1x16xf32> to vector<16xf32>
    %swap3A_12 = vector.shape_cast %broadcast_in_dim3A_1 : vector<16xf32> to vector<1x16xf32>
    tpu.vector_store %arg12[%swap3A_8, %swap3A_9], %swap3A_12 {strides = array<i32>} : memref<16x16xf32, #tpu.memory_space<vmem>>, vector<1x16xf32>,
    %swap3A_13 = arith.constant 1 : i32
    %swap3A_14 = arith.index_cast %swap3A_13 : i32 to index
    %swap3A_15 = arith.constant 0 : index
    %swap3A_16 = tpu.vector_load %arg11[%swap3A_14, %swap3A_15] {strides = array<i32>} : memref<16x16xf32, #tpu.memory_space<vmem>>, vector<1x16xf32>,
    %swap3A_17 = vector.shape_cast %swap3A_16 : vector<1x16xf32> to vector<16xf32>
    %swap3A_18 = vector.shape_cast %broadcast_in_dim3A_1 : vector<16xf32> to vector<1x16xf32>
    tpu.vector_store %arg11[%swap3A_14, %swap3A_15], %swap3A_18 {strides = array<i32>} : memref<16x16xf32, #tpu.memory_space<vmem>>, vector<1x16xf32>,
    %swap3A_19 = arith.constant 1 : i32
    %swap3A_20 = arith.index_cast %swap3A_19 : i32 to index
    %swap3A_21 = arith.constant 0 : index
    %swap3A_22 = tpu.vector_load %arg12[%swap3A_20, %swap3A_21] {strides = array<i32>} : memref<16x16xf32, #tpu.memory_space<vmem>>, vector<1x16xf32>,
    %swap3A_23 = vector.shape_cast %swap3A_22 : vector<1x16xf32> to vector<16xf32>
    %swap3A_24 = vector.shape_cast %broadcast_in_dim3A_1 : vector<16xf32> to vector<1x16xf32>
    tpu.vector_store %arg12[%swap3A_20, %swap3A_21], %swap3A_24 {strides = array<i32>} : memref<16x16xf32, #tpu.memory_space<vmem>>, vector<1x16xf32>,
    %swap3A_25 = arith.constant 2 : i32
    %swap3A_26 = arith.index_cast %swap3A_25 : i32 to index
    %swap3A_27 = arith.constant 0 : index
    %swap3A_28 = tpu.vector_load %arg11[%swap3A_26, %swap3A_27] {strides = array<i32>} : memref<16x16xf32, #tpu.memory_space<vmem>>, vector<1x16xf32>,
    %swap3A_29 = vector.shape_cast %swap3A_28 : vector<1x16xf32> to vector<16xf32>
    %swap3A_30 = vector.shape_cast %broadcast_in_dim3A_1 : vector<16xf32> to vector<1x16xf32>
    tpu.vector_store %arg11[%swap3A_26, %swap3A_27], %swap3A_30 {strides = array<i32>} : memref<16x16xf32, #tpu.memory_space<vmem>>, vector<1x16xf32>,
    %swap3A_31 = arith.constant 2 : i32
    %swap3A_32 = arith.index_cast %swap3A_31 : i32 to index
    %swap3A_33 = arith.constant 0 : index
    %swap3A_34 = tpu.vector_load %arg12[%swap3A_32, %swap3A_33] {strides = array<i32>} : memref<16x16xf32, #tpu.memory_space<vmem>>, vector<1x16xf32>,
    %swap3A_35 = vector.shape_cast %swap3A_34 : vector<1x16xf32> to vector<16xf32>
    %swap3A_36 = vector.shape_cast %broadcast_in_dim3A_1 : vector<16xf32> to vector<1x16xf32>
    tpu.vector_store %arg12[%swap3A_32, %swap3A_33], %swap3A_36 {strides = array<i32>} : memref<16x16xf32, #tpu.memory_space<vmem>>, vector<1x16xf32>,
    %swap3A_37 = arith.constant 3 : i32
    %swap3A_38 = arith.index_cast %swap3A_37 : i32 to index
    %swap3A_39 = arith.constant 0 : index
    %swap3A_40 = tpu.vector_load %arg11[%swap3A_38, %swap3A_39] {strides = array<i32>} : memref<16x16xf32, #tpu.memory_space<vmem>>, vector<1x16xf32>,
    %swap3A_41 = vector.shape_cast %swap3A_40 : vector<1x16xf32> to vector<16xf32>
    %swap3A_42 = vector.shape_cast %broadcast_in_dim3A_1 : vector<16xf32> to vector<1x16xf32>
    tpu.vector_store %arg11[%swap3A_38, %swap3A_39], %swap3A_42 {strides = array<i32>} : memref<16x16xf32, #tpu.memory_space<vmem>>, vector<1x16xf32>,
    %swap3A_43 = arith.constant 3 : i32
    %swap3A_44 = arith.index_cast %swap3A_43 : i32 to index
    %swap3A_45 = arith.constant 0 : index
    %swap3A_46 = tpu.vector_load %arg12[%swap3A_44, %swap3A_45] {strides = array<i32>} : memref<16x16xf32, #tpu.memory_space<vmem>>, vector<1x16xf32>,
    %swap3A_47 = vector.shape_cast %swap3A_46 : vector<1x16xf32> to vector<16xf32>
    %swap3A_48 = vector.shape_cast %broadcast_in_dim3A_1 : vector<16xf32> to vector<1x16xf32>
    tpu.vector_store %arg12[%swap3A_44, %swap3A_45], %swap3A_48 {strides = array<i32>} : memref<16x16xf32, #tpu.memory_space<vmem>>, vector<1x16xf32>,
    %swap3A_49 = arith.constant 4 : i32
    %swap3A_50 = arith.index_cast %swap3A_49 : i32 to index
    %swap3A_51 = arith.constant 0 : index
    %swap3A_52 = tpu.vector_load %arg11[%swap3A_50, %swap3A_51] {strides = array<i32>} : memref<16x16xf32, #tpu.memory_space<vmem>>, vector<1x16xf32>,
    %swap3A_53 = vector.shape_cast %swap3A_52 : vector<1x16xf32> to vector<16xf32>
    %swap3A_54 = vector.shape_cast %broadcast_in_dim3A_1 : vector<16xf32> to vector<1x16xf32>
    tpu.vector_store %arg11[%swap3A_50, %swap3A_51], %swap3A_54 {strides = array<i32>} : memref<16x16xf32, #tpu.memory_space<vmem>>, vector<1x16xf32>,
    %swap3A_55 = arith.constant 4 : i32
    %swap3A_56 = arith.index_cast %swap3A_55 : i32 to index
    %swap3A_57 = arith.constant 0 : index
    %swap3A_58 = tpu.vector_load %arg12[%swap3A_56, %swap3A_57] {strides = array<i32>} : memref<16x16xf32, #tpu.memory_space<vmem>>, vector<1x16xf32>,
    %swap3A_59 = vector.shape_cast %swap3A_58 : vector<1x16xf32> to vector<16xf32>
    %swap3A_60 = vector.shape_cast %broadcast_in_dim3A_1 : vector<16xf32> to vector<1x16xf32>
    tpu.vector_store %arg12[%swap3A_56, %swap3A_57], %swap3A_60 {strides = array<i32>} : memref<16x16xf32, #tpu.memory_space<vmem>>, vector<1x16xf32>,
    %swap3A_61 = arith.constant 5 : i32
    %swap3A_62 = arith.index_cast %swap3A_61 : i32 to index
    %swap3A_63 = arith.constant 0 : index
    %swap3A_64 = tpu.vector_load %arg11[%swap3A_62, %swap3A_63] {strides = array<i32>} : memref<16x16xf32, #tpu.memory_space<vmem>>, vector<1x16xf32>,
    %swap3A_65 = vector.shape_cast %swap3A_64 : vector<1x16xf32> to vector<16xf32>
    %swap3A_66 = vector.shape_cast %broadcast_in_dim3A_1 : vector<16xf32> to vector<1x16xf32>
    tpu.vector_store %arg11[%swap3A_62, %swap3A_63], %swap3A_66 {strides = array<i32>} : memref<16x16xf32, #tpu.memory_space<vmem>>, vector<1x16xf32>,
    %swap3A_67 = arith.constant 5 : i32
    %swap3A_68 = arith.index_cast %swap3A_67 : i32 to index
    %swap3A_69 = arith.constant 0 : index
    %swap3A_70 = tpu.vector_load %arg12[%swap3A_68, %swap3A_69] {strides = array<i32>} : memref<16x16xf32, #tpu.memory_space<vmem>>, vector<1x16xf32>,
    %swap3A_71 = vector.shape_cast %swap3A_70 : vector<1x16xf32> to vector<16xf32>
    %swap3A_72 = vector.shape_cast %broadcast_in_dim3A_1 : vector<16xf32> to vector<1x16xf32>
    tpu.vector_store %arg12[%swap3A_68, %swap3A_69], %swap3A_72 {strides = array<i32>} : memref<16x16xf32, #tpu.memory_space<vmem>>, vector<1x16xf32>,
    %swap3A_73 = arith.constant 6 : i32
    %swap3A_74 = arith.index_cast %swap3A_73 : i32 to index
    %swap3A_75 = arith.constant 0 : index
    %swap3A_76 = tpu.vector_load %arg11[%swap3A_74, %swap3A_75] {strides = array<i32>} : memref<16x16xf32, #tpu.memory_space<vmem>>, vector<1x16xf32>,
    %swap3A_77 = vector.shape_cast %swap3A_76 : vector<1x16xf32> to vector<16xf32>
    %swap3A_78 = vector.shape_cast %broadcast_in_dim3A_1 : vector<16xf32> to vector<1x16xf32>
    tpu.vector_store %arg11[%swap3A_74, %swap3A_75], %swap3A_78 {strides = array<i32>} : memref<16x16xf32, #tpu.memory_space<vmem>>, vector<1x16xf32>,
    %swap3A_79 = arith.constant 6 : i32
    %swap3A_80 = arith.index_cast %swap3A_79 : i32 to index
    %swap3A_81 = arith.constant 0 : index
    %swap3A_82 = tpu.vector_load %arg12[%swap3A_80, %swap3A_81] {strides = array<i32>} : memref<16x16xf32, #tpu.memory_space<vmem>>, vector<1x16xf32>,
    %swap3A_83 = vector.shape_cast %swap3A_82 : vector<1x16xf32> to vector<16xf32>
    %swap3A_84 = vector.shape_cast %broadcast_in_dim3A_1 : vector<16xf32> to vector<1x16xf32>
    tpu.vector_store %arg12[%swap3A_80, %swap3A_81], %swap3A_84 {strides = array<i32>} : memref<16x16xf32, #tpu.memory_space<vmem>>, vector<1x16xf32>,
    %swap3A_85 = arith.constant 7 : i32
    %swap3A_86 = arith.index_cast %swap3A_85 : i32 to index
    %swap3A_87 = arith.constant 0 : index
    %swap3A_88 = tpu.vector_load %arg11[%swap3A_86, %swap3A_87] {strides = array<i32>} : memref<16x16xf32, #tpu.memory_space<vmem>>, vector<1x16xf32>,
    %swap3A_89 = vector.shape_cast %swap3A_88 : vector<1x16xf32> to vector<16xf32>
    %swap3A_90 = vector.shape_cast %broadcast_in_dim3A_1 : vector<16xf32> to vector<1x16xf32>
    tpu.vector_store %arg11[%swap3A_86, %swap3A_87], %swap3A_90 {strides = array<i32>} : memref<16x16xf32, #tpu.memory_space<vmem>>, vector<1x16xf32>,
    %swap3A_91 = arith.constant 7 : i32
    %swap3A_92 = arith.index_cast %swap3A_91 : i32 to index
    %swap3A_93 = arith.constant 0 : index
    %swap3A_94 = tpu.vector_load %arg12[%swap3A_92, %swap3A_93] {strides = array<i32>} : memref<16x16xf32, #tpu.memory_space<vmem>>, vector<1x16xf32>,
    %swap3A_95 = vector.shape_cast %swap3A_94 : vector<1x16xf32> to vector<16xf32>
    %swap3A_96 = vector.shape_cast %broadcast_in_dim3A_1 : vector<16xf32> to vector<1x16xf32>
    tpu.vector_store %arg12[%swap3A_92, %swap3A_93], %swap3A_96 {strides = array<i32>} : memref<16x16xf32, #tpu.memory_space<vmem>>, vector<1x16xf32>,
    %swap3A_97 = arith.constant 8 : i32
    %swap3A_98 = arith.index_cast %swap3A_97 : i32 to index
    %swap3A_99 = arith.constant 0 : index
    %swap3A_100 = tpu.vector_load %arg11[%swap3A_98, %swap3A_99] {strides = array<i32>} : memref<16x16xf32, #tpu.memory_space<vmem>>, vector<1x16xf32>,
    %swap3A_101 = vector.shape_cast %swap3A_100 : vector<1x16xf32> to vector<16xf32>
    %swap3A_102 = vector.shape_cast %broadcast_in_dim3A_1 : vector<16xf32> to vector<1x16xf32>
    tpu.vector_store %arg11[%swap3A_98, %swap3A_99], %swap3A_102 {strides = array<i32>} : memref<16x16xf32, #tpu.memory_space<vmem>>, vector<1x16xf32>,
    %swap3A_103 = arith.constant 8 : i32
    %swap3A_104 = arith.index_cast %swap3A_103 : i32 to index
    %swap3A_105 = arith.constant 0 : index
    %swap3A_106 = tpu.vector_load %arg12[%swap3A_104, %swap3A_105] {strides = array<i32>} : memref<16x16xf32, #tpu.memory_space<vmem>>, vector<1x16xf32>,
    %swap3A_107 = vector.shape_cast %swap3A_106 : vector<1x16xf32> to vector<16xf32>
    %swap3A_108 = vector.shape_cast %broadcast_in_dim3A_1 : vector<16xf32> to vector<1x16xf32>
    tpu.vector_store %arg12[%swap3A_104, %swap3A_105], %swap3A_108 {strides = array<i32>} : memref<16x16xf32, #tpu.memory_space<vmem>>, vector<1x16xf32>,
    %swap3A_109 = arith.constant 9 : i32
    %swap3A_110 = arith.index_cast %swap3A_109 : i32 to index
    %swap3A_111 = arith.constant 0 : index
    %swap3A_112 = tpu.vector_load %arg11[%swap3A_110, %swap3A_111] {strides = array<i32>} : memref<16x16xf32, #tpu.memory_space<vmem>>, vector<1x16xf32>,
    %swap3A_113 = vector.shape_cast %swap3A_112 : vector<1x16xf32> to vector<16xf32>
    %swap3A_114 = vector.shape_cast %broadcast_in_dim3A_1 : vector<16xf32> to vector<1x16xf32>
    tpu.vector_store %arg11[%swap3A_110, %swap3A_111], %swap3A_114 {strides = array<i32>} : memref<16x16xf32, #tpu.memory_space<vmem>>, vector<1x16xf32>,
    %swap3A_115 = arith.constant 9 : i32
    %swap3A_116 = arith.index_cast %swap3A_115 : i32 to index
    %swap3A_117 = arith.constant 0 : index
    %swap3A_118 = tpu.vector_load %arg12[%swap3A_116, %swap3A_117] {strides = array<i32>} : memref<16x16xf32, #tpu.memory_space<vmem>>, vector<1x16xf32>,
    %swap3A_119 = vector.shape_cast %swap3A_118 : vector<1x16xf32> to vector<16xf32>
    %swap3A_120 = vector.shape_cast %broadcast_in_dim3A_1 : vector<16xf32> to vector<1x16xf32>
    tpu.vector_store %arg12[%swap3A_116, %swap3A_117], %swap3A_120 {strides = array<i32>} : memref<16x16xf32, #tpu.memory_space<vmem>>, vector<1x16xf32>,
    %swap3A_121 = arith.constant 10 : i32
    %swap3A_122 = arith.index_cast %swap3A_121 : i32 to index
    %swap3A_123 = arith.constant 0 : index
    %swap3A_124 = tpu.vector_load %arg11[%swap3A_122, %swap3A_123] {strides = array<i32>} : memref<16x16xf32, #tpu.memory_space<vmem>>, vector<1x16xf32>,
    %swap3A_125 = vector.shape_cast %swap3A_124 : vector<1x16xf32> to vector<16xf32>
    %swap3A_126 = vector.shape_cast %broadcast_in_dim3A_1 : vector<16xf32> to vector<1x16xf32>
    tpu.vector_store %arg11[%swap3A_122, %swap3A_123], %swap3A_126 {strides = array<i32>} : memref<16x16xf32, #tpu.memory_space<vmem>>, vector<1x16xf32>,
    %swap3A_127 = arith.constant 10 : i32
    %swap3A_128 = arith.index_cast %swap3A_127 : i32 to index
    %swap3A_129 = arith.constant 0 : index
    %swap3A_130 = tpu.vector_load %arg12[%swap3A_128, %swap3A_129] {strides = array<i32>} : memref<16x16xf32, #tpu.memory_space<vmem>>, vector<1x16xf32>,
    %swap3A_131 = vector.shape_cast %swap3A_130 : vector<1x16xf32> to vector<16xf32>
    %swap3A_132 = vector.shape_cast %broadcast_in_dim3A_1 : vector<16xf32> to vector<1x16xf32>
    tpu.vector_store %arg12[%swap3A_128, %swap3A_129], %swap3A_132 {strides = array<i32>} : memref<16x16xf32, #tpu.memory_space<vmem>>, vector<1x16xf32>,
    %swap3A_133 = arith.constant 11 : i32
    %swap3A_134 = arith.index_cast %swap3A_133 : i32 to index
    %swap3A_135 = arith.constant 0 : index
    %swap3A_136 = tpu.vector_load %arg11[%swap3A_134, %swap3A_135] {strides = array<i32>} : memref<16x16xf32, #tpu.memory_space<vmem>>, vector<1x16xf32>,
    %swap3A_137 = vector.shape_cast %swap3A_136 : vector<1x16xf32> to vector<16xf32>
    %swap3A_138 = vector.shape_cast %broadcast_in_dim3A_1 : vector<16xf32> to vector<1x16xf32>
    tpu.vector_store %arg11[%swap3A_134, %swap3A_135], %swap3A_138 {strides = array<i32>} : memref<16x16xf32, #tpu.memory_space<vmem>>, vector<1x16xf32>,
    %swap3A_139 = arith.constant 11 : i32
    %swap3A_140 = arith.index_cast %swap3A_139 : i32 to index
    %swap3A_141 = arith.constant 0 : index
    %swap3A_142 = tpu.vector_load %arg12[%swap3A_140, %swap3A_141] {strides = array<i32>} : memref<16x16xf32, #tpu.memory_space<vmem>>, vector<1x16xf32>,
    %swap3A_143 = vector.shape_cast %swap3A_142 : vector<1x16xf32> to vector<16xf32>
    %swap3A_144 = vector.shape_cast %broadcast_in_dim3A_1 : vector<16xf32> to vector<1x16xf32>
    tpu.vector_store %arg12[%swap3A_140, %swap3A_141], %swap3A_144 {strides = array<i32>} : memref<16x16xf32, #tpu.memory_space<vmem>>, vector<1x16xf32>,
    %swap3A_145 = arith.constant 12 : i32
    %swap3A_146 = arith.index_cast %swap3A_145 : i32 to index
    %swap3A_147 = arith.constant 0 : index
    %swap3A_148 = tpu.vector_load %arg11[%swap3A_146, %swap3A_147] {strides = array<i32>} : memref<16x16xf32, #tpu.memory_space<vmem>>, vector<1x16xf32>,
    %swap3A_149 = vector.shape_cast %swap3A_148 : vector<1x16xf32> to vector<16xf32>
    %swap3A_150 = vector.shape_cast %broadcast_in_dim3A_1 : vector<16xf32> to vector<1x16xf32>
    tpu.vector_store %arg11[%swap3A_146, %swap3A_147], %swap3A_150 {strides = array<i32>} : memref<16x16xf32, #tpu.memory_space<vmem>>, vector<1x16xf32>,
    %swap3A_151 = arith.constant 12 : i32
    %swap3A_152 = arith.index_cast %swap3A_151 : i32 to index
    %swap3A_153 = arith.constant 0 : index
    %swap3A_154 = tpu.vector_load %arg12[%swap3A_152, %swap3A_153] {strides = array<i32>} : memref<16x16xf32, #tpu.memory_space<vmem>>, vector<1x16xf32>,
    %swap3A_155 = vector.shape_cast %swap3A_154 : vector<1x16xf32> to vector<16xf32>
    %swap3A_156 = vector.shape_cast %broadcast_in_dim3A_1 : vector<16xf32> to vector<1x16xf32>
    tpu.vector_store %arg12[%swap3A_152, %swap3A_153], %swap3A_156 {strides = array<i32>} : memref<16x16xf32, #tpu.memory_space<vmem>>, vector<1x16xf32>,
    %swap3A_157 = arith.constant 13 : i32
    %swap3A_158 = arith.index_cast %swap3A_157 : i32 to index
    %swap3A_159 = arith.constant 0 : index
    %swap3A_160 = tpu.vector_load %arg11[%swap3A_158, %swap3A_159] {strides = array<i32>} : memref<16x16xf32, #tpu.memory_space<vmem>>, vector<1x16xf32>,
    %swap3A_161 = vector.shape_cast %swap3A_160 : vector<1x16xf32> to vector<16xf32>
    %swap3A_162 = vector.shape_cast %broadcast_in_dim3A_1 : vector<16xf32> to vector<1x16xf32>
    tpu.vector_store %arg11[%swap3A_158, %swap3A_159], %swap3A_162 {strides = array<i32>} : memref<16x16xf32, #tpu.memory_space<vmem>>, vector<1x16xf32>,
    %swap3A_163 = arith.constant 13 : i32
    %swap3A_164 = arith.index_cast %swap3A_163 : i32 to index
    %swap3A_165 = arith.constant 0 : index
    %swap3A_166 = tpu.vector_load %arg12[%swap3A_164, %swap3A_165] {strides = array<i32>} : memref<16x16xf32, #tpu.memory_space<vmem>>, vector<1x16xf32>,
    %swap3A_167 = vector.shape_cast %swap3A_166 : vector<1x16xf32> to vector<16xf32>
    %swap3A_168 = vector.shape_cast %broadcast_in_dim3A_1 : vector<16xf32> to vector<1x16xf32>
    tpu.vector_store %arg12[%swap3A_164, %swap3A_165], %swap3A_168 {strides = array<i32>} : memref<16x16xf32, #tpu.memory_space<vmem>>, vector<1x16xf32>,
    %swap3A_169 = arith.constant 14 : i32
    %swap3A_170 = arith.index_cast %swap3A_169 : i32 to index
    %swap3A_171 = arith.constant 0 : index
    %swap3A_172 = tpu.vector_load %arg11[%swap3A_170, %swap3A_171] {strides = array<i32>} : memref<16x16xf32, #tpu.memory_space<vmem>>, vector<1x16xf32>,
    %swap3A_173 = vector.shape_cast %swap3A_172 : vector<1x16xf32> to vector<16xf32>
    %swap3A_174 = vector.shape_cast %broadcast_in_dim3A_1 : vector<16xf32> to vector<1x16xf32>
    tpu.vector_store %arg11[%swap3A_170, %swap3A_171], %swap3A_174 {strides = array<i32>} : memref<16x16xf32, #tpu.memory_space<vmem>>, vector<1x16xf32>,
    %swap3A_175 = arith.constant 14 : i32
    %swap3A_176 = arith.index_cast %swap3A_175 : i32 to index
    %swap3A_177 = arith.constant 0 : index
    %swap3A_178 = tpu.vector_load %arg12[%swap3A_176, %swap3A_177] {strides = array<i32>} : memref<16x16xf32, #tpu.memory_space<vmem>>, vector<1x16xf32>,
    %swap3A_179 = vector.shape_cast %swap3A_178 : vector<1x16xf32> to vector<16xf32>
    %swap3A_180 = vector.shape_cast %broadcast_in_dim3A_1 : vector<16xf32> to vector<1x16xf32>
    tpu.vector_store %arg12[%swap3A_176, %swap3A_177], %swap3A_180 {strides = array<i32>} : memref<16x16xf32, #tpu.memory_space<vmem>>, vector<1x16xf32>,
    %swap3A_181 = arith.constant 15 : i32
    %swap3A_182 = arith.index_cast %swap3A_181 : i32 to index
    %swap3A_183 = arith.constant 0 : index
    %swap3A_184 = tpu.vector_load %arg11[%swap3A_182, %swap3A_183] {strides = array<i32>} : memref<16x16xf32, #tpu.memory_space<vmem>>, vector<1x16xf32>,
    %swap3A_185 = vector.shape_cast %swap3A_184 : vector<1x16xf32> to vector<16xf32>
    %swap3A_186 = vector.shape_cast %broadcast_in_dim3A_1 : vector<16xf32> to vector<1x16xf32>
    tpu.vector_store %arg11[%swap3A_182, %swap3A_183], %swap3A_186 {strides = array<i32>} : memref<16x16xf32, #tpu.memory_space<vmem>>, vector<1x16xf32>,
    %swap3A_187 = arith.constant 15 : i32
    %swap3A_188 = arith.index_cast %swap3A_187 : i32 to index
    %swap3A_189 = arith.constant 0 : index
    %swap3A_190 = tpu.vector_load %arg12[%swap3A_188, %swap3A_189] {strides = array<i32>} : memref<16x16xf32, #tpu.memory_space<vmem>>, vector<1x16xf32>,
    %swap3A_191 = vector.shape_cast %swap3A_190 : vector<1x16xf32> to vector<16xf32>
    %swap3A_192 = vector.shape_cast %broadcast_in_dim3A_1 : vector<16xf32> to vector<1x16xf32>
    tpu.vector_store %arg12[%swap3A_188, %swap3A_189], %swap3A_192 {strides = array<i32>} : memref<16x16xf32, #tpu.memory_space<vmem>>, vector<1x16xf32>,
    %scan3A = arith.constant 0 : i32
    %scan3A_193 = arith.constant 0 : i32
    %scan3A_194 = arith.constant 32 : i32
    %scan3A_195 = arith.addi %scan3A_193, %scan3A_194 : i32
    %scan3A_196 = arith.constant 1 : i32
    scf.for %scan3A_1527 = %scan3A_193 to %scan3A_195 step %scan3A_196  : i32 {
      %mul3A_1528 = arith.constant 16 : i32
      %mul3A_1529 = arith.muli %scan3A_1527, %mul3A_1528 : i32
      %get3A_1530 = arith.constant 0 : i32
      %get3A_1531 = arith.index_cast %get3A_1530 : i32 to index
      %get3A_1532 = arith.index_cast %mul3A_1529 : i32 to index
      %get3A_1533 = tpu.vector_load %arg6[%get3A_1531, %get3A_1532] {strides = array<i32>} : memref<16x512xf32, #tpu.memory_space<vmem>>, vector<1x16xf32>,
      %get3A_1534 = vector.shape_cast %get3A_1533 : vector<1x16xf32> to vector<16xf32>
      %get3A_1535 = arith.constant 1 : i32
      %get3A_1536 = arith.index_cast %get3A_1535 : i32 to index
      %get3A_1537 = arith.index_cast %mul3A_1529 : i32 to index
      %get3A_1538 = tpu.vector_load %arg6[%get3A_1536, %get3A_1537] {strides = array<i32>} : memref<16x512xf32, #tpu.memory_space<vmem>>, vector<1x16xf32>,
      %get3A_1539 = vector.shape_cast %get3A_1538 : vector<1x16xf32> to vector<16xf32>
      %get3A_1540 = arith.constant 2 : i32
      %get3A_1541 = arith.index_cast %get3A_1540 : i32 to index
      %get3A_1542 = arith.index_cast %mul3A_1529 : i32 to index
      %get3A_1543 = tpu.vector_load %arg6[%get3A_1541, %get3A_1542] {strides = array<i32>} : memref<16x512xf32, #tpu.memory_space<vmem>>, vector<1x16xf32>,
      %get3A_1544 = vector.shape_cast %get3A_1543 : vector<1x16xf32> to vector<16xf32>
      %get3A_1545 = arith.constant 3 : i32
      %get3A_1546 = arith.index_cast %get3A_1545 : i32 to index
      %get3A_1547 = arith.index_cast %mul3A_1529 : i32 to index
      %get3A_1548 = tpu.vector_load %arg6[%get3A_1546, %get3A_1547] {strides = array<i32>} : memref<16x512xf32, #tpu.memory_space<vmem>>, vector<1x16xf32>,
      %get3A_1549 = vector.shape_cast %get3A_1548 : vector<1x16xf32> to vector<16xf32>
      %get3A_1550 = arith.constant 4 : i32
      %get3A_1551 = arith.index_cast %get3A_1550 : i32 to index
      %get3A_1552 = arith.index_cast %mul3A_1529 : i32 to index
      %get3A_1553 = tpu.vector_load %arg6[%get3A_1551, %get3A_1552] {strides = array<i32>} : memref<16x512xf32, #tpu.memory_space<vmem>>, vector<1x16xf32>,
      %get3A_1554 = vector.shape_cast %get3A_1553 : vector<1x16xf32> to vector<16xf32>
      %get3A_1555 = arith.constant 5 : i32
      %get3A_1556 = arith.index_cast %get3A_1555 : i32 to index
      %get3A_1557 = arith.index_cast %mul3A_1529 : i32 to index
      %get3A_1558 = tpu.vector_load %arg6[%get3A_1556, %get3A_1557] {strides = array<i32>} : memref<16x512xf32, #tpu.memory_space<vmem>>, vector<1x16xf32>,
      %get3A_1559 = vector.shape_cast %get3A_1558 : vector<1x16xf32> to vector<16xf32>
      %get3A_1560 = arith.constant 6 : i32
      %get3A_1561 = arith.index_cast %get3A_1560 : i32 to index
      %get3A_1562 = arith.index_cast %mul3A_1529 : i32 to index
      %get3A_1563 = tpu.vector_load %arg6[%get3A_1561, %get3A_1562] {strides = array<i32>} : memref<16x512xf32, #tpu.memory_space<vmem>>, vector<1x16xf32>,
      %get3A_1564 = vector.shape_cast %get3A_1563 : vector<1x16xf32> to vector<16xf32>
      %get3A_1565 = arith.constant 7 : i32
      %get3A_1566 = arith.index_cast %get3A_1565 : i32 to index
      %get3A_1567 = arith.index_cast %mul3A_1529 : i32 to index
      %get3A_1568 = tpu.vector_load %arg6[%get3A_1566, %get3A_1567] {strides = array<i32>} : memref<16x512xf32, #tpu.memory_space<vmem>>, vector<1x16xf32>,
      %get3A_1569 = vector.shape_cast %get3A_1568 : vector<1x16xf32> to vector<16xf32>
      %get3A_1570 = arith.constant 8 : i32
      %get3A_1571 = arith.index_cast %get3A_1570 : i32 to index
      %get3A_1572 = arith.index_cast %mul3A_1529 : i32 to index
      %get3A_1573 = tpu.vector_load %arg6[%get3A_1571, %get3A_1572] {strides = array<i32>} : memref<16x512xf32, #tpu.memory_space<vmem>>, vector<1x16xf32>,
      %get3A_1574 = vector.shape_cast %get3A_1573 : vector<1x16xf32> to vector<16xf32>
      %get3A_1575 = arith.constant 9 : i32
      %get3A_1576 = arith.index_cast %get3A_1575 : i32 to index
      %get3A_1577 = arith.index_cast %mul3A_1529 : i32 to index
      %get3A_1578 = tpu.vector_load %arg6[%get3A_1576, %get3A_1577] {strides = array<i32>} : memref<16x512xf32, #tpu.memory_space<vmem>>, vector<1x16xf32>,
      %get3A_1579 = vector.shape_cast %get3A_1578 : vector<1x16xf32> to vector<16xf32>
      %get3A_1580 = arith.constant 10 : i32
      %get3A_1581 = arith.index_cast %get3A_1580 : i32 to index
      %get3A_1582 = arith.index_cast %mul3A_1529 : i32 to index
      %get3A_1583 = tpu.vector_load %arg6[%get3A_1581, %get3A_1582] {strides = array<i32>} : memref<16x512xf32, #tpu.memory_space<vmem>>, vector<1x16xf32>,
      %get3A_1584 = vector.shape_cast %get3A_1583 : vector<1x16xf32> to vector<16xf32>
      %get3A_1585 = arith.constant 11 : i32
      %get3A_1586 = arith.index_cast %get3A_1585 : i32 to index
      %get3A_1587 = arith.index_cast %mul3A_1529 : i32 to index
      %get3A_1588 = tpu.vector_load %arg6[%get3A_1586, %get3A_1587] {strides = array<i32>} : memref<16x512xf32, #tpu.memory_space<vmem>>, vector<1x16xf32>,
      %get3A_1589 = vector.shape_cast %get3A_1588 : vector<1x16xf32> to vector<16xf32>
      %get3A_1590 = arith.constant 12 : i32
      %get3A_1591 = arith.index_cast %get3A_1590 : i32 to index
      %get3A_1592 = arith.index_cast %mul3A_1529 : i32 to index
      %get3A_1593 = tpu.vector_load %arg6[%get3A_1591, %get3A_1592] {strides = array<i32>} : memref<16x512xf32, #tpu.memory_space<vmem>>, vector<1x16xf32>,
      %get3A_1594 = vector.shape_cast %get3A_1593 : vector<1x16xf32> to vector<16xf32>
      %get3A_1595 = arith.constant 13 : i32
      %get3A_1596 = arith.index_cast %get3A_1595 : i32 to index
      %get3A_1597 = arith.index_cast %mul3A_1529 : i32 to index
      %get3A_1598 = tpu.vector_load %arg6[%get3A_1596, %get3A_1597] {strides = array<i32>} : memref<16x512xf32, #tpu.memory_space<vmem>>, vector<1x16xf32>,
      %get3A_1599 = vector.shape_cast %get3A_1598 : vector<1x16xf32> to vector<16xf32>
      %get3A_1600 = arith.constant 14 : i32
      %get3A_1601 = arith.index_cast %get3A_1600 : i32 to index
      %get3A_1602 = arith.index_cast %mul3A_1529 : i32 to index
      %get3A_1603 = tpu.vector_load %arg6[%get3A_1601, %get3A_1602] {strides = array<i32>} : memref<16x512xf32, #tpu.memory_space<vmem>>, vector<1x16xf32>,
      %get3A_1604 = vector.shape_cast %get3A_1603 : vector<1x16xf32> to vector<16xf32>
      %get3A_1605 = arith.constant 15 : i32
      %get3A_1606 = arith.index_cast %get3A_1605 : i32 to index
      %get3A_1607 = arith.index_cast %mul3A_1529 : i32 to index
      %get3A_1608 = tpu.vector_load %arg6[%get3A_1606, %get3A_1607] {strides = array<i32>} : memref<16x512xf32, #tpu.memory_space<vmem>>, vector<1x16xf32>,
      %get3A_1609 = vector.shape_cast %get3A_1608 : vector<1x16xf32> to vector<16xf32>
      %broadcast_in_dim3A_1610 = arith.constant 0 : i32
      %broadcast_in_dim3A_1611 = vector.broadcast %broadcast_in_dim3A_1610 : i32 to vector<16xi32>
      %broadcast_in_dim3A_1612 = arith.constant 0xFF800000 : f32
      %broadcast_in_dim3A_1613 = vector.broadcast %broadcast_in_dim3A_1612 : f32 to vector<16xf32>
      %broadcast_in_dim3A_1614 = arith.constant 0 : i32
      %broadcast_in_dim3A_1615 = vector.broadcast %broadcast_in_dim3A_1614 : i32 to vector<16xi32>
      %broadcast_in_dim3A_1616 = arith.constant 1 : i32
      %broadcast_in_dim3A_1617 = vector.broadcast %broadcast_in_dim3A_1616 : i32 to vector<16xi32>
      %gt3A = arith.cmpf ogt, %get3A_1539, %get3A_1534 : vector<16xf32>
      %gt3A_1618 = arith.cmpf ogt, %get3A_1539, %broadcast_in_dim3A_1613 : vector<16xf32>
      %select_n3A_1619 = arith.select %gt3A_1618, %get3A_1539, %broadcast_in_dim3A_1613 : vector<16xi1>, vector<16xf32>
      %select_n3A_1620 = arith.select %gt3A, %get3A_1534, %select_n3A_1619 : vector<16xi1>, vector<16xf32>
      %select_n3A_1621 = arith.select %gt3A_1618, %broadcast_in_dim3A_1617, %broadcast_in_dim3A_1615 : vector<16xi1>, vector<16xi32>
      %select_n3A_1622 = arith.select %gt3A, %broadcast_in_dim3A_1611, %select_n3A_1621 : vector<16xi1>, vector<16xi32>
      %select_n3A_1623 = arith.select %gt3A, %get3A_1539, %get3A_1534 : vector<16xi1>, vector<16xf32>
      %select_n3A_1624 = arith.select %gt3A, %broadcast_in_dim3A_1617, %broadcast_in_dim3A_1611 : vector<16xi1>, vector<16xi32>
      %broadcast_in_dim3A_1625 = arith.constant 2 : i32
      %broadcast_in_dim3A_1626 = vector.broadcast %broadcast_in_dim3A_1625 : i32 to vector<16xi32>
      %gt3A_1627 = arith.cmpf ogt, %get3A_1544, %select_n3A_1623 : vector<16xf32>
      %gt3A_1628 = arith.cmpf ogt, %get3A_1544, %select_n3A_1620 : vector<16xf32>
      %select_n3A_1629 = arith.select %gt3A_1628, %get3A_1544, %select_n3A_1620 : vector<16xi1>, vector<16xf32>
      %select_n3A_1630 = arith.select %gt3A_1627, %select_n3A_1623, %select_n3A_1629 : vector<16xi1>, vector<16xf32>
      %select_n3A_1631 = arith.select %gt3A_1628, %broadcast_in_dim3A_1626, %select_n3A_1622 : vector<16xi1>, vector<16xi32>
      %select_n3A_1632 = arith.select %gt3A_1627, %select_n3A_1624, %select_n3A_1631 : vector<16xi1>, vector<16xi32>
      %select_n3A_1633 = arith.select %gt3A_1627, %get3A_1544, %select_n3A_1623 : vector<16xi1>, vector<16xf32>
      %select_n3A_1634 = arith.select %gt3A_1627, %broadcast_in_dim3A_1626, %select_n3A_1624 : vector<16xi1>, vector<16xi32>
      %broadcast_in_dim3A_1635 = arith.constant 3 : i32
      %broadcast_in_dim3A_1636 = vector.broadcast %broadcast_in_dim3A_1635 : i32 to vector<16xi32>
      %gt3A_1637 = arith.cmpf ogt, %get3A_1549, %select_n3A_1633 : vector<16xf32>
      %gt3A_1638 = arith.cmpf ogt, %get3A_1549, %select_n3A_1630 : vector<16xf32>
      %select_n3A_1639 = arith.select %gt3A_1638, %get3A_1549, %select_n3A_1630 : vector<16xi1>, vector<16xf32>
      %select_n3A_1640 = arith.select %gt3A_1637, %select_n3A_1633, %select_n3A_1639 : vector<16xi1>, vector<16xf32>
      %select_n3A_1641 = arith.select %gt3A_1638, %broadcast_in_dim3A_1636, %select_n3A_1632 : vector<16xi1>, vector<16xi32>
      %select_n3A_1642 = arith.select %gt3A_1637, %select_n3A_1634, %select_n3A_1641 : vector<16xi1>, vector<16xi32>
      %select_n3A_1643 = arith.select %gt3A_1637, %get3A_1549, %select_n3A_1633 : vector<16xi1>, vector<16xf32>
      %select_n3A_1644 = arith.select %gt3A_1637, %broadcast_in_dim3A_1636, %select_n3A_1634 : vector<16xi1>, vector<16xi32>
      %broadcast_in_dim3A_1645 = arith.constant 4 : i32
      %broadcast_in_dim3A_1646 = vector.broadcast %broadcast_in_dim3A_1645 : i32 to vector<16xi32>
      %gt3A_1647 = arith.cmpf ogt, %get3A_1554, %select_n3A_1643 : vector<16xf32>
      %gt3A_1648 = arith.cmpf ogt, %get3A_1554, %select_n3A_1640 : vector<16xf32>
      %select_n3A_1649 = arith.select %gt3A_1648, %get3A_1554, %select_n3A_1640 : vector<16xi1>, vector<16xf32>
      %select_n3A_1650 = arith.select %gt3A_1647, %select_n3A_1643, %select_n3A_1649 : vector<16xi1>, vector<16xf32>
      %select_n3A_1651 = arith.select %gt3A_1648, %broadcast_in_dim3A_1646, %select_n3A_1642 : vector<16xi1>, vector<16xi32>
      %select_n3A_1652 = arith.select %gt3A_1647, %select_n3A_1644, %select_n3A_1651 : vector<16xi1>, vector<16xi32>
      %select_n3A_1653 = arith.select %gt3A_1647, %get3A_1554, %select_n3A_1643 : vector<16xi1>, vector<16xf32>
      %select_n3A_1654 = arith.select %gt3A_1647, %broadcast_in_dim3A_1646, %select_n3A_1644 : vector<16xi1>, vector<16xi32>
      %broadcast_in_dim3A_1655 = arith.constant 5 : i32
      %broadcast_in_dim3A_1656 = vector.broadcast %broadcast_in_dim3A_1655 : i32 to vector<16xi32>
      %gt3A_1657 = arith.cmpf ogt, %get3A_1559, %select_n3A_1653 : vector<16xf32>
      %gt3A_1658 = arith.cmpf ogt, %get3A_1559, %select_n3A_1650 : vector<16xf32>
      %select_n3A_1659 = arith.select %gt3A_1658, %get3A_1559, %select_n3A_1650 : vector<16xi1>, vector<16xf32>
      %select_n3A_1660 = arith.select %gt3A_1657, %select_n3A_1653, %select_n3A_1659 : vector<16xi1>, vector<16xf32>
      %select_n3A_1661 = arith.select %gt3A_1658, %broadcast_in_dim3A_1656, %select_n3A_1652 : vector<16xi1>, vector<16xi32>
      %select_n3A_1662 = arith.select %gt3A_1657, %select_n3A_1654, %select_n3A_1661 : vector<16xi1>, vector<16xi32>
      %select_n3A_1663 = arith.select %gt3A_1657, %get3A_1559, %select_n3A_1653 : vector<16xi1>, vector<16xf32>
      %select_n3A_1664 = arith.select %gt3A_1657, %broadcast_in_dim3A_1656, %select_n3A_1654 : vector<16xi1>, vector<16xi32>
      %broadcast_in_dim3A_1665 = arith.constant 6 : i32
      %broadcast_in_dim3A_1666 = vector.broadcast %broadcast_in_dim3A_1665 : i32 to vector<16xi32>
      %gt3A_1667 = arith.cmpf ogt, %get3A_1564, %select_n3A_1663 : vector<16xf32>
      %gt3A_1668 = arith.cmpf ogt, %get3A_1564, %select_n3A_1660 : vector<16xf32>
      %select_n3A_1669 = arith.select %gt3A_1668, %get3A_1564, %select_n3A_1660 : vector<16xi1>, vector<16xf32>
      %select_n3A_1670 = arith.select %gt3A_1667, %select_n3A_1663, %select_n3A_1669 : vector<16xi1>, vector<16xf32>
      %select_n3A_1671 = arith.select %gt3A_1668, %broadcast_in_dim3A_1666, %select_n3A_1662 : vector<16xi1>, vector<16xi32>
      %select_n3A_1672 = arith.select %gt3A_1667, %select_n3A_1664, %select_n3A_1671 : vector<16xi1>, vector<16xi32>
      %select_n3A_1673 = arith.select %gt3A_1667, %get3A_1564, %select_n3A_1663 : vector<16xi1>, vector<16xf32>
      %select_n3A_1674 = arith.select %gt3A_1667, %broadcast_in_dim3A_1666, %select_n3A_1664 : vector<16xi1>, vector<16xi32>
      %broadcast_in_dim3A_1675 = arith.constant 7 : i32
      %broadcast_in_dim3A_1676 = vector.broadcast %broadcast_in_dim3A_1675 : i32 to vector<16xi32>
      %gt3A_1677 = arith.cmpf ogt, %get3A_1569, %select_n3A_1673 : vector<16xf32>
      %gt3A_1678 = arith.cmpf ogt, %get3A_1569, %select_n3A_1670 : vector<16xf32>
      %select_n3A_1679 = arith.select %gt3A_1678, %get3A_1569, %select_n3A_1670 : vector<16xi1>, vector<16xf32>
      %select_n3A_1680 = arith.select %gt3A_1677, %select_n3A_1673, %select_n3A_1679 : vector<16xi1>, vector<16xf32>
      %select_n3A_1681 = arith.select %gt3A_1678, %broadcast_in_dim3A_1676, %select_n3A_1672 : vector<16xi1>, vector<16xi32>
      %select_n3A_1682 = arith.select %gt3A_1677, %select_n3A_1674, %select_n3A_1681 : vector<16xi1>, vector<16xi32>
      %select_n3A_1683 = arith.select %gt3A_1677, %get3A_1569, %select_n3A_1673 : vector<16xi1>, vector<16xf32>
      %select_n3A_1684 = arith.select %gt3A_1677, %broadcast_in_dim3A_1676, %select_n3A_1674 : vector<16xi1>, vector<16xi32>
      %broadcast_in_dim3A_1685 = arith.constant 8 : i32
      %broadcast_in_dim3A_1686 = vector.broadcast %broadcast_in_dim3A_1685 : i32 to vector<16xi32>
      %gt3A_1687 = arith.cmpf ogt, %get3A_1574, %select_n3A_1683 : vector<16xf32>
      %gt3A_1688 = arith.cmpf ogt, %get3A_1574, %select_n3A_1680 : vector<16xf32>
      %select_n3A_1689 = arith.select %gt3A_1688, %get3A_1574, %select_n3A_1680 : vector<16xi1>, vector<16xf32>
      %select_n3A_1690 = arith.select %gt3A_1687, %select_n3A_1683, %select_n3A_1689 : vector<16xi1>, vector<16xf32>
      %select_n3A_1691 = arith.select %gt3A_1688, %broadcast_in_dim3A_1686, %select_n3A_1682 : vector<16xi1>, vector<16xi32>
      %select_n3A_1692 = arith.select %gt3A_1687, %select_n3A_1684, %select_n3A_1691 : vector<16xi1>, vector<16xi32>
      %select_n3A_1693 = arith.select %gt3A_1687, %get3A_1574, %select_n3A_1683 : vector<16xi1>, vector<16xf32>
      %select_n3A_1694 = arith.select %gt3A_1687, %broadcast_in_dim3A_1686, %select_n3A_1684 : vector<16xi1>, vector<16xi32>
      %broadcast_in_dim3A_1695 = arith.constant 9 : i32
      %broadcast_in_dim3A_1696 = vector.broadcast %broadcast_in_dim3A_1695 : i32 to vector<16xi32>
      %gt3A_1697 = arith.cmpf ogt, %get3A_1579, %select_n3A_1693 : vector<16xf32>
      %gt3A_1698 = arith.cmpf ogt, %get3A_1579, %select_n3A_1690 : vector<16xf32>
      %select_n3A_1699 = arith.select %gt3A_1698, %get3A_1579, %select_n3A_1690 : vector<16xi1>, vector<16xf32>
      %select_n3A_1700 = arith.select %gt3A_1697, %select_n3A_1693, %select_n3A_1699 : vector<16xi1>, vector<16xf32>
      %select_n3A_1701 = arith.select %gt3A_1698, %broadcast_in_dim3A_1696, %select_n3A_1692 : vector<16xi1>, vector<16xi32>
      %select_n3A_1702 = arith.select %gt3A_1697, %select_n3A_1694, %select_n3A_1701 : vector<16xi1>, vector<16xi32>
      %select_n3A_1703 = arith.select %gt3A_1697, %get3A_1579, %select_n3A_1693 : vector<16xi1>, vector<16xf32>
      %select_n3A_1704 = arith.select %gt3A_1697, %broadcast_in_dim3A_1696, %select_n3A_1694 : vector<16xi1>, vector<16xi32>
      %broadcast_in_dim3A_1705 = arith.constant 10 : i32
      %broadcast_in_dim3A_1706 = vector.broadcast %broadcast_in_dim3A_1705 : i32 to vector<16xi32>
      %gt3A_1707 = arith.cmpf ogt, %get3A_1584, %select_n3A_1703 : vector<16xf32>
      %gt3A_1708 = arith.cmpf ogt, %get3A_1584, %select_n3A_1700 : vector<16xf32>
      %select_n3A_1709 = arith.select %gt3A_1708, %get3A_1584, %select_n3A_1700 : vector<16xi1>, vector<16xf32>
      %select_n3A_1710 = arith.select %gt3A_1707, %select_n3A_1703, %select_n3A_1709 : vector<16xi1>, vector<16xf32>
      %select_n3A_1711 = arith.select %gt3A_1708, %broadcast_in_dim3A_1706, %select_n3A_1702 : vector<16xi1>, vector<16xi32>
      %select_n3A_1712 = arith.select %gt3A_1707, %select_n3A_1704, %select_n3A_1711 : vector<16xi1>, vector<16xi32>
      %select_n3A_1713 = arith.select %gt3A_1707, %get3A_1584, %select_n3A_1703 : vector<16xi1>, vector<16xf32>
      %select_n3A_1714 = arith.select %gt3A_1707, %broadcast_in_dim3A_1706, %select_n3A_1704 : vector<16xi1>, vector<16xi32>
      %broadcast_in_dim3A_1715 = arith.constant 11 : i32
      %broadcast_in_dim3A_1716 = vector.broadcast %broadcast_in_dim3A_1715 : i32 to vector<16xi32>
      %gt3A_1717 = arith.cmpf ogt, %get3A_1589, %select_n3A_1713 : vector<16xf32>
      %gt3A_1718 = arith.cmpf ogt, %get3A_1589, %select_n3A_1710 : vector<16xf32>
      %select_n3A_1719 = arith.select %gt3A_1718, %get3A_1589, %select_n3A_1710 : vector<16xi1>, vector<16xf32>
      %select_n3A_1720 = arith.select %gt3A_1717, %select_n3A_1713, %select_n3A_1719 : vector<16xi1>, vector<16xf32>
      %select_n3A_1721 = arith.select %gt3A_1718, %broadcast_in_dim3A_1716, %select_n3A_1712 : vector<16xi1>, vector<16xi32>
      %select_n3A_1722 = arith.select %gt3A_1717, %select_n3A_1714, %select_n3A_1721 : vector<16xi1>, vector<16xi32>
      %select_n3A_1723 = arith.select %gt3A_1717, %get3A_1589, %select_n3A_1713 : vector<16xi1>, vector<16xf32>
      %select_n3A_1724 = arith.select %gt3A_1717, %broadcast_in_dim3A_1716, %select_n3A_1714 : vector<16xi1>, vector<16xi32>
      %broadcast_in_dim3A_1725 = arith.constant 12 : i32
      %broadcast_in_dim3A_1726 = vector.broadcast %broadcast_in_dim3A_1725 : i32 to vector<16xi32>
      %gt3A_1727 = arith.cmpf ogt, %get3A_1594, %select_n3A_1723 : vector<16xf32>
      %gt3A_1728 = arith.cmpf ogt, %get3A_1594, %select_n3A_1720 : vector<16xf32>
      %select_n3A_1729 = arith.select %gt3A_1728, %get3A_1594, %select_n3A_1720 : vector<16xi1>, vector<16xf32>
      %select_n3A_1730 = arith.select %gt3A_1727, %select_n3A_1723, %select_n3A_1729 : vector<16xi1>, vector<16xf32>
      %select_n3A_1731 = arith.select %gt3A_1728, %broadcast_in_dim3A_1726, %select_n3A_1722 : vector<16xi1>, vector<16xi32>
      %select_n3A_1732 = arith.select %gt3A_1727, %select_n3A_1724, %select_n3A_1731 : vector<16xi1>, vector<16xi32>
      %select_n3A_1733 = arith.select %gt3A_1727, %get3A_1594, %select_n3A_1723 : vector<16xi1>, vector<16xf32>
      %select_n3A_1734 = arith.select %gt3A_1727, %broadcast_in_dim3A_1726, %select_n3A_1724 : vector<16xi1>, vector<16xi32>
      %broadcast_in_dim3A_1735 = arith.constant 13 : i32
      %broadcast_in_dim3A_1736 = vector.broadcast %broadcast_in_dim3A_1735 : i32 to vector<16xi32>
      %gt3A_1737 = arith.cmpf ogt, %get3A_1599, %select_n3A_1733 : vector<16xf32>
      %gt3A_1738 = arith.cmpf ogt, %get3A_1599, %select_n3A_1730 : vector<16xf32>
      %select_n3A_1739 = arith.select %gt3A_1738, %get3A_1599, %select_n3A_1730 : vector<16xi1>, vector<16xf32>
      %select_n3A_1740 = arith.select %gt3A_1737, %select_n3A_1733, %select_n3A_1739 : vector<16xi1>, vector<16xf32>
      %select_n3A_1741 = arith.select %gt3A_1738, %broadcast_in_dim3A_1736, %select_n3A_1732 : vector<16xi1>, vector<16xi32>
      %select_n3A_1742 = arith.select %gt3A_1737, %select_n3A_1734, %select_n3A_1741 : vector<16xi1>, vector<16xi32>
      %select_n3A_1743 = arith.select %gt3A_1737, %get3A_1599, %select_n3A_1733 : vector<16xi1>, vector<16xf32>
      %select_n3A_1744 = arith.select %gt3A_1737, %broadcast_in_dim3A_1736, %select_n3A_1734 : vector<16xi1>, vector<16xi32>
      %broadcast_in_dim3A_1745 = arith.constant 14 : i32
      %broadcast_in_dim3A_1746 = vector.broadcast %broadcast_in_dim3A_1745 : i32 to vector<16xi32>
      %gt3A_1747 = arith.cmpf ogt, %get3A_1604, %select_n3A_1743 : vector<16xf32>
      %gt3A_1748 = arith.cmpf ogt, %get3A_1604, %select_n3A_1740 : vector<16xf32>
      %select_n3A_1749 = arith.select %gt3A_1748, %get3A_1604, %select_n3A_1740 : vector<16xi1>, vector<16xf32>
      %select_n3A_1750 = arith.select %gt3A_1747, %select_n3A_1743, %select_n3A_1749 : vector<16xi1>, vector<16xf32>
      %select_n3A_1751 = arith.select %gt3A_1748, %broadcast_in_dim3A_1746, %select_n3A_1742 : vector<16xi1>, vector<16xi32>
      %select_n3A_1752 = arith.select %gt3A_1747, %select_n3A_1744, %select_n3A_1751 : vector<16xi1>, vector<16xi32>
      %select_n3A_1753 = arith.select %gt3A_1747, %get3A_1604, %select_n3A_1743 : vector<16xi1>, vector<16xf32>
      %select_n3A_1754 = arith.select %gt3A_1747, %broadcast_in_dim3A_1746, %select_n3A_1744 : vector<16xi1>, vector<16xi32>
      %broadcast_in_dim3A_1755 = arith.constant 15 : i32
      %broadcast_in_dim3A_1756 = vector.broadcast %broadcast_in_dim3A_1755 : i32 to vector<16xi32>
      %gt3A_1757 = arith.cmpf ogt, %get3A_1609, %select_n3A_1753 : vector<16xf32>
      %gt3A_1758 = arith.cmpf ogt, %get3A_1609, %select_n3A_1750 : vector<16xf32>
      %select_n3A_1759 = arith.select %gt3A_1758, %get3A_1609, %select_n3A_1750 : vector<16xi1>, vector<16xf32>
      %select_n3A_1760 = arith.select %gt3A_1757, %select_n3A_1753, %select_n3A_1759 : vector<16xi1>, vector<16xf32>
      %select_n3A_1761 = arith.select %gt3A_1758, %broadcast_in_dim3A_1756, %select_n3A_1752 : vector<16xi1>, vector<16xi32>
      %select_n3A_1762 = arith.select %gt3A_1757, %select_n3A_1754, %select_n3A_1761 : vector<16xi1>, vector<16xi32>
      %select_n3A_1763 = arith.select %gt3A_1757, %get3A_1609, %select_n3A_1753 : vector<16xi1>, vector<16xf32>
      %select_n3A_1764 = arith.select %gt3A_1757, %broadcast_in_dim3A_1756, %select_n3A_1754 : vector<16xi1>, vector<16xi32>
      %broadcast_in_dim3A_1765 = arith.constant 0.000000e+00 : f32
      %broadcast_in_dim3A_1766 = vector.broadcast %broadcast_in_dim3A_1765 : f32 to vector<16xf32>
      %sub3A = arith.subf %get3A_1534, %select_n3A_1763 : vector<16xf32>
      %exp3A = math.exp %sub3A : vector<16xf32>
      %add3A_1767 = arith.addf %broadcast_in_dim3A_1766, %exp3A : vector<16xf32>
      %sub3A_1768 = arith.subf %get3A_1539, %select_n3A_1763 : vector<16xf32>
      %exp3A_1769 = math.exp %sub3A_1768 : vector<16xf32>
      %add3A_1770 = arith.addf %add3A_1767, %exp3A_1769 : vector<16xf32>
      %sub3A_1771 = arith.subf %get3A_1544, %select_n3A_1763 : vector<16xf32>
      %exp3A_1772 = math.exp %sub3A_1771 : vector<16xf32>
      %add3A_1773 = arith.addf %add3A_1770, %exp3A_1772 : vector<16xf32>
      %sub3A_1774 = arith.subf %get3A_1549, %select_n3A_1763 : vector<16xf32>
      %exp3A_1775 = math.exp %sub3A_1774 : vector<16xf32>
      %add3A_1776 = arith.addf %add3A_1773, %exp3A_1775 : vector<16xf32>
      %sub3A_1777 = arith.subf %get3A_1554, %select_n3A_1763 : vector<16xf32>
      %exp3A_1778 = math.exp %sub3A_1777 : vector<16xf32>
      %add3A_1779 = arith.addf %add3A_1776, %exp3A_1778 : vector<16xf32>
      %sub3A_1780 = arith.subf %get3A_1559, %select_n3A_1763 : vector<16xf32>
      %exp3A_1781 = math.exp %sub3A_1780 : vector<16xf32>
      %add3A_1782 = arith.addf %add3A_1779, %exp3A_1781 : vector<16xf32>
      %sub3A_1783 = arith.subf %get3A_1564, %select_n3A_1763 : vector<16xf32>
      %exp3A_1784 = math.exp %sub3A_1783 : vector<16xf32>
      %add3A_1785 = arith.addf %add3A_1782, %exp3A_1784 : vector<16xf32>
      %sub3A_1786 = arith.subf %get3A_1569, %select_n3A_1763 : vector<16xf32>
      %exp3A_1787 = math.exp %sub3A_1786 : vector<16xf32>
      %add3A_1788 = arith.addf %add3A_1785, %exp3A_1787 : vector<16xf32>
      %sub3A_1789 = arith.subf %get3A_1574, %select_n3A_1763 : vector<16xf32>
      %exp3A_1790 = math.exp %sub3A_1789 : vector<16xf32>
      %add3A_1791 = arith.addf %add3A_1788, %exp3A_1790 : vector<16xf32>
      %sub3A_1792 = arith.subf %get3A_1579, %select_n3A_1763 : vector<16xf32>
      %exp3A_1793 = math.exp %sub3A_1792 : vector<16xf32>
      %add3A_1794 = arith.addf %add3A_1791, %exp3A_1793 : vector<16xf32>
      %sub3A_1795 = arith.subf %get3A_1584, %select_n3A_1763 : vector<16xf32>
      %exp3A_1796 = math.exp %sub3A_1795 : vector<16xf32>
      %add3A_1797 = arith.addf %add3A_1794, %exp3A_1796 : vector<16xf32>
      %sub3A_1798 = arith.subf %get3A_1589, %select_n3A_1763 : vector<16xf32>
      %exp3A_1799 = math.exp %sub3A_1798 : vector<16xf32>
      %add3A_1800 = arith.addf %add3A_1797, %exp3A_1799 : vector<16xf32>
      %sub3A_1801 = arith.subf %get3A_1594, %select_n3A_1763 : vector<16xf32>
      %exp3A_1802 = math.exp %sub3A_1801 : vector<16xf32>
      %add3A_1803 = arith.addf %add3A_1800, %exp3A_1802 : vector<16xf32>
      %sub3A_1804 = arith.subf %get3A_1599, %select_n3A_1763 : vector<16xf32>
      %exp3A_1805 = math.exp %sub3A_1804 : vector<16xf32>
      %add3A_1806 = arith.addf %add3A_1803, %exp3A_1805 : vector<16xf32>
      %sub3A_1807 = arith.subf %get3A_1604, %select_n3A_1763 : vector<16xf32>
      %exp3A_1808 = math.exp %sub3A_1807 : vector<16xf32>
      %add3A_1809 = arith.addf %add3A_1806, %exp3A_1808 : vector<16xf32>
      %sub3A_1810 = arith.subf %get3A_1609, %select_n3A_1763 : vector<16xf32>
      %exp3A_1811 = math.exp %sub3A_1810 : vector<16xf32>
      %add3A_1812 = arith.addf %add3A_1809, %exp3A_1811 : vector<16xf32>
      %div3A = arith.constant 1.000000e+00 : f32
      %div3A_1813 = vector.broadcast %div3A : f32 to vector<16xf32>
      %div3A_1814 = arith.divf %div3A_1813, %add3A_1812 : vector<16xf32>
      %broadcast_in_dim3A_1815 = arith.constant 1.000000e+00 : f32
      %broadcast_in_dim3A_1816 = vector.broadcast %broadcast_in_dim3A_1815 : f32 to vector<16xf32>
      %broadcast_in_dim3A_1817 = arith.constant 0.000000e+00 : f32
      %broadcast_in_dim3A_1818 = vector.broadcast %broadcast_in_dim3A_1817 : f32 to vector<16xf32>
      %get3A_1819 = arith.constant 0 : i32
      %get3A_1820 = arith.index_cast %get3A_1819 : i32 to index
      %get3A_1821 = arith.constant 0 : index
      %get3A_1822 = tpu.vector_load %arg11[%get3A_1820, %get3A_1821] {strides = array<i32>} : memref<16x16xf32, #tpu.memory_space<vmem>>, vector<1x16xf32>,
      %get3A_1823 = vector.shape_cast %get3A_1822 : vector<1x16xf32> to vector<16xf32>
      %mul3A_1824 = arith.mulf %exp3A, %div3A_1814 : vector<16xf32>
      %add3A_1825 = arith.addf %get3A_1823, %mul3A_1824 : vector<16xf32>
      %swap3A_1826 = arith.constant 0 : i32
      %swap3A_1827 = arith.index_cast %swap3A_1826 : i32 to index
      %swap3A_1828 = arith.constant 0 : index
      %swap3A_1829 = tpu.vector_load %arg11[%swap3A_1827, %swap3A_1828] {strides = array<i32>} : memref<16x16xf32, #tpu.memory_space<vmem>>, vector<1x16xf32>,
      %swap3A_1830 = vector.shape_cast %swap3A_1829 : vector<1x16xf32> to vector<16xf32>
      %swap3A_1831 = vector.shape_cast %add3A_1825 : vector<16xf32> to vector<1x16xf32>
      tpu.vector_store %arg11[%swap3A_1827, %swap3A_1828], %swap3A_1831 {strides = array<i32>} : memref<16x16xf32, #tpu.memory_space<vmem>>, vector<1x16xf32>,
      %broadcast_in_dim3A_1832 = arith.constant 0 : i32
      %broadcast_in_dim3A_1833 = vector.broadcast %broadcast_in_dim3A_1832 : i32 to vector<16xi32>
      %eq3A_1834 = arith.cmpi eq, %select_n3A_1764, %broadcast_in_dim3A_1833 : vector<16xi32>
      %select_n3A_1835 = arith.select %eq3A_1834, %broadcast_in_dim3A_1816, %broadcast_in_dim3A_1818 : vector<16xi1>, vector<16xf32>
      %eq3A_1836 = arith.cmpi eq, %select_n3A_1762, %broadcast_in_dim3A_1833 : vector<16xi32>
      %select_n3A_1837 = arith.select %eq3A_1836, %broadcast_in_dim3A_1816, %broadcast_in_dim3A_1818 : vector<16xi1>, vector<16xf32>
      %add3A_1838 = arith.addf %select_n3A_1835, %select_n3A_1837 : vector<16xf32>
      %get3A_1839 = arith.constant 0 : i32
      %get3A_1840 = arith.index_cast %get3A_1839 : i32 to index
      %get3A_1841 = arith.constant 0 : index
      %get3A_1842 = tpu.vector_load %arg12[%get3A_1840, %get3A_1841] {strides = array<i32>} : memref<16x16xf32, #tpu.memory_space<vmem>>, vector<1x16xf32>,
      %get3A_1843 = vector.shape_cast %get3A_1842 : vector<1x16xf32> to vector<16xf32>
      %add3A_1844 = arith.addf %get3A_1843, %add3A_1838 : vector<16xf32>
      %swap3A_1845 = arith.constant 0 : i32
      %swap3A_1846 = arith.index_cast %swap3A_1845 : i32 to index
      %swap3A_1847 = arith.constant 0 : index
      %swap3A_1848 = tpu.vector_load %arg12[%swap3A_1846, %swap3A_1847] {strides = array<i32>} : memref<16x16xf32, #tpu.memory_space<vmem>>, vector<1x16xf32>,
      %swap3A_1849 = vector.shape_cast %swap3A_1848 : vector<1x16xf32> to vector<16xf32>
      %swap3A_1850 = vector.shape_cast %add3A_1844 : vector<16xf32> to vector<1x16xf32>
      tpu.vector_store %arg12[%swap3A_1846, %swap3A_1847], %swap3A_1850 {strides = array<i32>} : memref<16x16xf32, #tpu.memory_space<vmem>>, vector<1x16xf32>,
      %get3A_1851 = arith.constant 1 : i32
      %get3A_1852 = arith.index_cast %get3A_1851 : i32 to index
      %get3A_1853 = arith.constant 0 : index
      %get3A_1854 = tpu.vector_load %arg11[%get3A_1852, %get3A_1853] {strides = array<i32>} : memref<16x16xf32, #tpu.memory_space<vmem>>, vector<1x16xf32>,
      %get3A_1855 = vector.shape_cast %get3A_1854 : vector<1x16xf32> to vector<16xf32>
      %mul3A_1856 = arith.mulf %exp3A_1769, %div3A_1814 : vector<16xf32>
      %add3A_1857 = arith.addf %get3A_1855, %mul3A_1856 : vector<16xf32>
      %swap3A_1858 = arith.constant 1 : i32
      %swap3A_1859 = arith.index_cast %swap3A_1858 : i32 to index
      %swap3A_1860 = arith.constant 0 : index
      %swap3A_1861 = tpu.vector_load %arg11[%swap3A_1859, %swap3A_1860] {strides = array<i32>} : memref<16x16xf32, #tpu.memory_space<vmem>>, vector<1x16xf32>,
      %swap3A_1862 = vector.shape_cast %swap3A_1861 : vector<1x16xf32> to vector<16xf32>
      %swap3A_1863 = vector.shape_cast %add3A_1857 : vector<16xf32> to vector<1x16xf32>
      tpu.vector_store %arg11[%swap3A_1859, %swap3A_1860], %swap3A_1863 {strides = array<i32>} : memref<16x16xf32, #tpu.memory_space<vmem>>, vector<1x16xf32>,
      %broadcast_in_dim3A_1864 = arith.constant 1 : i32
      %broadcast_in_dim3A_1865 = vector.broadcast %broadcast_in_dim3A_1864 : i32 to vector<16xi32>
      %eq3A_1866 = arith.cmpi eq, %select_n3A_1764, %broadcast_in_dim3A_1865 : vector<16xi32>
      %select_n3A_1867 = arith.select %eq3A_1866, %broadcast_in_dim3A_1816, %broadcast_in_dim3A_1818 : vector<16xi1>, vector<16xf32>
      %eq3A_1868 = arith.cmpi eq, %select_n3A_1762, %broadcast_in_dim3A_1865 : vector<16xi32>
      %select_n3A_1869 = arith.select %eq3A_1868, %broadcast_in_dim3A_1816, %broadcast_in_dim3A_1818 : vector<16xi1>, vector<16xf32>
      %add3A_1870 = arith.addf %select_n3A_1867, %select_n3A_1869 : vector<16xf32>
      %get3A_1871 = arith.constant 1 : i32
      %get3A_1872 = arith.index_cast %get3A_1871 : i32 to index
      %get3A_1873 = arith.constant 0 : index
      %get3A_1874 = tpu.vector_load %arg12[%get3A_1872, %get3A_1873] {strides = array<i32>} : memref<16x16xf32, #tpu.memory_space<vmem>>, vector<1x16xf32>,
      %get3A_1875 = vector.shape_cast %get3A_1874 : vector<1x16xf32> to vector<16xf32>
      %add3A_1876 = arith.addf %get3A_1875, %add3A_1870 : vector<16xf32>
      %swap3A_1877 = arith.constant 1 : i32
      %swap3A_1878 = arith.index_cast %swap3A_1877 : i32 to index
      %swap3A_1879 = arith.constant 0 : index
      %swap3A_1880 = tpu.vector_load %arg12[%swap3A_1878, %swap3A_1879] {strides = array<i32>} : memref<16x16xf32, #tpu.memory_space<vmem>>, vector<1x16xf32>,
      %swap3A_1881 = vector.shape_cast %swap3A_1880 : vector<1x16xf32> to vector<16xf32>
      %swap3A_1882 = vector.shape_cast %add3A_1876 : vector<16xf32> to vector<1x16xf32>
      tpu.vector_store %arg12[%swap3A_1878, %swap3A_1879], %swap3A_1882 {strides = array<i32>} : memref<16x16xf32, #tpu.memory_space<vmem>>, vector<1x16xf32>,
      %get3A_1883 = arith.constant 2 : i32
      %get3A_1884 = arith.index_cast %get3A_1883 : i32 to index
      %get3A_1885 = arith.constant 0 : index
      %get3A_1886 = tpu.vector_load %arg11[%get3A_1884, %get3A_1885] {strides = array<i32>} : memref<16x16xf32, #tpu.memory_space<vmem>>, vector<1x16xf32>,
      %get3A_1887 = vector.shape_cast %get3A_1886 : vector<1x16xf32> to vector<16xf32>
      %mul3A_1888 = arith.mulf %exp3A_1772, %div3A_1814 : vector<16xf32>
      %add3A_1889 = arith.addf %get3A_1887, %mul3A_1888 : vector<16xf32>
      %swap3A_1890 = arith.constant 2 : i32
      %swap3A_1891 = arith.index_cast %swap3A_1890 : i32 to index
      %swap3A_1892 = arith.constant 0 : index
      %swap3A_1893 = tpu.vector_load %arg11[%swap3A_1891, %swap3A_1892] {strides = array<i32>} : memref<16x16xf32, #tpu.memory_space<vmem>>, vector<1x16xf32>,
      %swap3A_1894 = vector.shape_cast %swap3A_1893 : vector<1x16xf32> to vector<16xf32>
      %swap3A_1895 = vector.shape_cast %add3A_1889 : vector<16xf32> to vector<1x16xf32>
      tpu.vector_store %arg11[%swap3A_1891, %swap3A_1892], %swap3A_1895 {strides = array<i32>} : memref<16x16xf32, #tpu.memory_space<vmem>>, vector<1x16xf32>,
      %broadcast_in_dim3A_1896 = arith.constant 2 : i32
      %broadcast_in_dim3A_1897 = vector.broadcast %broadcast_in_dim3A_1896 : i32 to vector<16xi32>
      %eq3A_1898 = arith.cmpi eq, %select_n3A_1764, %broadcast_in_dim3A_1897 : vector<16xi32>
      %select_n3A_1899 = arith.select %eq3A_1898, %broadcast_in_dim3A_1816, %broadcast_in_dim3A_1818 : vector<16xi1>, vector<16xf32>
      %eq3A_1900 = arith.cmpi eq, %select_n3A_1762, %broadcast_in_dim3A_1897 : vector<16xi32>
      %select_n3A_1901 = arith.select %eq3A_1900, %broadcast_in_dim3A_1816, %broadcast_in_dim3A_1818 : vector<16xi1>, vector<16xf32>
      %add3A_1902 = arith.addf %select_n3A_1899, %select_n3A_1901 : vector<16xf32>
      %get3A_1903 = arith.constant 2 : i32
      %get3A_1904 = arith.index_cast %get3A_1903 : i32 to index
      %get3A_1905 = arith.constant 0 : index
      %get3A_1906 = tpu.vector_load %arg12[%get3A_1904, %get3A_1905] {strides = array<i32>} : memref<16x16xf32, #tpu.memory_space<vmem>>, vector<1x16xf32>,
      %get3A_1907 = vector.shape_cast %get3A_1906 : vector<1x16xf32> to vector<16xf32>
      %add3A_1908 = arith.addf %get3A_1907, %add3A_1902 : vector<16xf32>
      %swap3A_1909 = arith.constant 2 : i32
      %swap3A_1910 = arith.index_cast %swap3A_1909 : i32 to index
      %swap3A_1911 = arith.constant 0 : index
      %swap3A_1912 = tpu.vector_load %arg12[%swap3A_1910, %swap3A_1911] {strides = array<i32>} : memref<16x16xf32, #tpu.memory_space<vmem>>, vector<1x16xf32>,
      %swap3A_1913 = vector.shape_cast %swap3A_1912 : vector<1x16xf32> to vector<16xf32>
      %swap3A_1914 = vector.shape_cast %add3A_1908 : vector<16xf32> to vector<1x16xf32>
      tpu.vector_store %arg12[%swap3A_1910, %swap3A_1911], %swap3A_1914 {strides = array<i32>} : memref<16x16xf32, #tpu.memory_space<vmem>>, vector<1x16xf32>,
      %get3A_1915 = arith.constant 3 : i32
      %get3A_1916 = arith.index_cast %get3A_1915 : i32 to index
      %get3A_1917 = arith.constant 0 : index
      %get3A_1918 = tpu.vector_load %arg11[%get3A_1916, %get3A_1917] {strides = array<i32>} : memref<16x16xf32, #tpu.memory_space<vmem>>, vector<1x16xf32>,
      %get3A_1919 = vector.shape_cast %get3A_1918 : vector<1x16xf32> to vector<16xf32>
      %mul3A_1920 = arith.mulf %exp3A_1775, %div3A_1814 : vector<16xf32>
      %add3A_1921 = arith.addf %get3A_1919, %mul3A_1920 : vector<16xf32>
      %swap3A_1922 = arith.constant 3 : i32
      %swap3A_1923 = arith.index_cast %swap3A_1922 : i32 to index
      %swap3A_1924 = arith.constant 0 : index
      %swap3A_1925 = tpu.vector_load %arg11[%swap3A_1923, %swap3A_1924] {strides = array<i32>} : memref<16x16xf32, #tpu.memory_space<vmem>>, vector<1x16xf32>,
      %swap3A_1926 = vector.shape_cast %swap3A_1925 : vector<1x16xf32> to vector<16xf32>
      %swap3A_1927 = vector.shape_cast %add3A_1921 : vector<16xf32> to vector<1x16xf32>
      tpu.vector_store %arg11[%swap3A_1923, %swap3A_1924], %swap3A_1927 {strides = array<i32>} : memref<16x16xf32, #tpu.memory_space<vmem>>, vector<1x16xf32>,
      %broadcast_in_dim3A_1928 = arith.constant 3 : i32
      %broadcast_in_dim3A_1929 = vector.broadcast %broadcast_in_dim3A_1928 : i32 to vector<16xi32>
      %eq3A_1930 = arith.cmpi eq, %select_n3A_1764, %broadcast_in_dim3A_1929 : vector<16xi32>
      %select_n3A_1931 = arith.select %eq3A_1930, %broadcast_in_dim3A_1816, %broadcast_in_dim3A_1818 : vector<16xi1>, vector<16xf32>
      %eq3A_1932 = arith.cmpi eq, %select_n3A_1762, %broadcast_in_dim3A_1929 : vector<16xi32>
      %select_n3A_1933 = arith.select %eq3A_1932, %broadcast_in_dim3A_1816, %broadcast_in_dim3A_1818 : vector<16xi1>, vector<16xf32>
      %add3A_1934 = arith.addf %select_n3A_1931, %select_n3A_1933 : vector<16xf32>
      %get3A_1935 = arith.constant 3 : i32
      %get3A_1936 = arith.index_cast %get3A_1935 : i32 to index
      %get3A_1937 = arith.constant 0 : index
      %get3A_1938 = tpu.vector_load %arg12[%get3A_1936, %get3A_1937] {strides = array<i32>} : memref<16x16xf32, #tpu.memory_space<vmem>>, vector<1x16xf32>,
      %get3A_1939 = vector.shape_cast %get3A_1938 : vector<1x16xf32> to vector<16xf32>
      %add3A_1940 = arith.addf %get3A_1939, %add3A_1934 : vector<16xf32>
      %swap3A_1941 = arith.constant 3 : i32
      %swap3A_1942 = arith.index_cast %swap3A_1941 : i32 to index
      %swap3A_1943 = arith.constant 0 : index
      %swap3A_1944 = tpu.vector_load %arg12[%swap3A_1942, %swap3A_1943] {strides = array<i32>} : memref<16x16xf32, #tpu.memory_space<vmem>>, vector<1x16xf32>,
      %swap3A_1945 = vector.shape_cast %swap3A_1944 : vector<1x16xf32> to vector<16xf32>
      %swap3A_1946 = vector.shape_cast %add3A_1940 : vector<16xf32> to vector<1x16xf32>
      tpu.vector_store %arg12[%swap3A_1942, %swap3A_1943], %swap3A_1946 {strides = array<i32>} : memref<16x16xf32, #tpu.memory_space<vmem>>, vector<1x16xf32>,
      %get3A_1947 = arith.constant 4 : i32
      %get3A_1948 = arith.index_cast %get3A_1947 : i32 to index
      %get3A_1949 = arith.constant 0 : index
      %get3A_1950 = tpu.vector_load %arg11[%get3A_1948, %get3A_1949] {strides = array<i32>} : memref<16x16xf32, #tpu.memory_space<vmem>>, vector<1x16xf32>,
      %get3A_1951 = vector.shape_cast %get3A_1950 : vector<1x16xf32> to vector<16xf32>
      %mul3A_1952 = arith.mulf %exp3A_1778, %div3A_1814 : vector<16xf32>
      %add3A_1953 = arith.addf %get3A_1951, %mul3A_1952 : vector<16xf32>
      %swap3A_1954 = arith.constant 4 : i32
      %swap3A_1955 = arith.index_cast %swap3A_1954 : i32 to index
      %swap3A_1956 = arith.constant 0 : index
      %swap3A_1957 = tpu.vector_load %arg11[%swap3A_1955, %swap3A_1956] {strides = array<i32>} : memref<16x16xf32, #tpu.memory_space<vmem>>, vector<1x16xf32>,
      %swap3A_1958 = vector.shape_cast %swap3A_1957 : vector<1x16xf32> to vector<16xf32>
      %swap3A_1959 = vector.shape_cast %add3A_1953 : vector<16xf32> to vector<1x16xf32>
      tpu.vector_store %arg11[%swap3A_1955, %swap3A_1956], %swap3A_1959 {strides = array<i32>} : memref<16x16xf32, #tpu.memory_space<vmem>>, vector<1x16xf32>,
      %broadcast_in_dim3A_1960 = arith.constant 4 : i32
      %broadcast_in_dim3A_1961 = vector.broadcast %broadcast_in_dim3A_1960 : i32 to vector<16xi32>
      %eq3A_1962 = arith.cmpi eq, %select_n3A_1764, %broadcast_in_dim3A_1961 : vector<16xi32>
      %select_n3A_1963 = arith.select %eq3A_1962, %broadcast_in_dim3A_1816, %broadcast_in_dim3A_1818 : vector<16xi1>, vector<16xf32>
      %eq3A_1964 = arith.cmpi eq, %select_n3A_1762, %broadcast_in_dim3A_1961 : vector<16xi32>
      %select_n3A_1965 = arith.select %eq3A_1964, %broadcast_in_dim3A_1816, %broadcast_in_dim3A_1818 : vector<16xi1>, vector<16xf32>
      %add3A_1966 = arith.addf %select_n3A_1963, %select_n3A_1965 : vector<16xf32>
      %get3A_1967 = arith.constant 4 : i32
      %get3A_1968 = arith.index_cast %get3A_1967 : i32 to index
      %get3A_1969 = arith.constant 0 : index
      %get3A_1970 = tpu.vector_load %arg12[%get3A_1968, %get3A_1969] {strides = array<i32>} : memref<16x16xf32, #tpu.memory_space<vmem>>, vector<1x16xf32>,
      %get3A_1971 = vector.shape_cast %get3A_1970 : vector<1x16xf32> to vector<16xf32>
      %add3A_1972 = arith.addf %get3A_1971, %add3A_1966 : vector<16xf32>
      %swap3A_1973 = arith.constant 4 : i32
      %swap3A_1974 = arith.index_cast %swap3A_1973 : i32 to index
      %swap3A_1975 = arith.constant 0 : index
      %swap3A_1976 = tpu.vector_load %arg12[%swap3A_1974, %swap3A_1975] {strides = array<i32>} : memref<16x16xf32, #tpu.memory_space<vmem>>, vector<1x16xf32>,
      %swap3A_1977 = vector.shape_cast %swap3A_1976 : vector<1x16xf32> to vector<16xf32>
      %swap3A_1978 = vector.shape_cast %add3A_1972 : vector<16xf32> to vector<1x16xf32>
      tpu.vector_store %arg12[%swap3A_1974, %swap3A_1975], %swap3A_1978 {strides = array<i32>} : memref<16x16xf32, #tpu.memory_space<vmem>>, vector<1x16xf32>,
      %get3A_1979 = arith.constant 5 : i32
      %get3A_1980 = arith.index_cast %get3A_1979 : i32 to index
      %get3A_1981 = arith.constant 0 : index
      %get3A_1982 = tpu.vector_load %arg11[%get3A_1980, %get3A_1981] {strides = array<i32>} : memref<16x16xf32, #tpu.memory_space<vmem>>, vector<1x16xf32>,
      %get3A_1983 = vector.shape_cast %get3A_1982 : vector<1x16xf32> to vector<16xf32>
      %mul3A_1984 = arith.mulf %exp3A_1781, %div3A_1814 : vector<16xf32>
      %add3A_1985 = arith.addf %get3A_1983, %mul3A_1984 : vector<16xf32>
      %swap3A_1986 = arith.constant 5 : i32
      %swap3A_1987 = arith.index_cast %swap3A_1986 : i32 to index
      %swap3A_1988 = arith.constant 0 : index
      %swap3A_1989 = tpu.vector_load %arg11[%swap3A_1987, %swap3A_1988] {strides = array<i32>} : memref<16x16xf32, #tpu.memory_space<vmem>>, vector<1x16xf32>,
      %swap3A_1990 = vector.shape_cast %swap3A_1989 : vector<1x16xf32> to vector<16xf32>
      %swap3A_1991 = vector.shape_cast %add3A_1985 : vector<16xf32> to vector<1x16xf32>
      tpu.vector_store %arg11[%swap3A_1987, %swap3A_1988], %swap3A_1991 {strides = array<i32>} : memref<16x16xf32, #tpu.memory_space<vmem>>, vector<1x16xf32>,
      %broadcast_in_dim3A_1992 = arith.constant 5 : i32
      %broadcast_in_dim3A_1993 = vector.broadcast %broadcast_in_dim3A_1992 : i32 to vector<16xi32>
      %eq3A_1994 = arith.cmpi eq, %select_n3A_1764, %broadcast_in_dim3A_1993 : vector<16xi32>
      %select_n3A_1995 = arith.select %eq3A_1994, %broadcast_in_dim3A_1816, %broadcast_in_dim3A_1818 : vector<16xi1>, vector<16xf32>
      %eq3A_1996 = arith.cmpi eq, %select_n3A_1762, %broadcast_in_dim3A_1993 : vector<16xi32>
      %select_n3A_1997 = arith.select %eq3A_1996, %broadcast_in_dim3A_1816, %broadcast_in_dim3A_1818 : vector<16xi1>, vector<16xf32>
      %add3A_1998 = arith.addf %select_n3A_1995, %select_n3A_1997 : vector<16xf32>
      %get3A_1999 = arith.constant 5 : i32
      %get3A_2000 = arith.index_cast %get3A_1999 : i32 to index
      %get3A_2001 = arith.constant 0 : index
      %get3A_2002 = tpu.vector_load %arg12[%get3A_2000, %get3A_2001] {strides = array<i32>} : memref<16x16xf32, #tpu.memory_space<vmem>>, vector<1x16xf32>,
      %get3A_2003 = vector.shape_cast %get3A_2002 : vector<1x16xf32> to vector<16xf32>
      %add3A_2004 = arith.addf %get3A_2003, %add3A_1998 : vector<16xf32>
      %swap3A_2005 = arith.constant 5 : i32
      %swap3A_2006 = arith.index_cast %swap3A_2005 : i32 to index
      %swap3A_2007 = arith.constant 0 : index
      %swap3A_2008 = tpu.vector_load %arg12[%swap3A_2006, %swap3A_2007] {strides = array<i32>} : memref<16x16xf32, #tpu.memory_space<vmem>>, vector<1x16xf32>,
      %swap3A_2009 = vector.shape_cast %swap3A_2008 : vector<1x16xf32> to vector<16xf32>
      %swap3A_2010 = vector.shape_cast %add3A_2004 : vector<16xf32> to vector<1x16xf32>
      tpu.vector_store %arg12[%swap3A_2006, %swap3A_2007], %swap3A_2010 {strides = array<i32>} : memref<16x16xf32, #tpu.memory_space<vmem>>, vector<1x16xf32>,
      %get3A_2011 = arith.constant 6 : i32
      %get3A_2012 = arith.index_cast %get3A_2011 : i32 to index
      %get3A_2013 = arith.constant 0 : index
      %get3A_2014 = tpu.vector_load %arg11[%get3A_2012, %get3A_2013] {strides = array<i32>} : memref<16x16xf32, #tpu.memory_space<vmem>>, vector<1x16xf32>,
      %get3A_2015 = vector.shape_cast %get3A_2014 : vector<1x16xf32> to vector<16xf32>
      %mul3A_2016 = arith.mulf %exp3A_1784, %div3A_1814 : vector<16xf32>
      %add3A_2017 = arith.addf %get3A_2015, %mul3A_2016 : vector<16xf32>
      %swap3A_2018 = arith.constant 6 : i32
      %swap3A_2019 = arith.index_cast %swap3A_2018 : i32 to index
      %swap3A_2020 = arith.constant 0 : index
      %swap3A_2021 = tpu.vector_load %arg11[%swap3A_2019, %swap3A_2020] {strides = array<i32>} : memref<16x16xf32, #tpu.memory_space<vmem>>, vector<1x16xf32>,
      %swap3A_2022 = vector.shape_cast %swap3A_2021 : vector<1x16xf32> to vector<16xf32>
      %swap3A_2023 = vector.shape_cast %add3A_2017 : vector<16xf32> to vector<1x16xf32>
      tpu.vector_store %arg11[%swap3A_2019, %swap3A_2020], %swap3A_2023 {strides = array<i32>} : memref<16x16xf32, #tpu.memory_space<vmem>>, vector<1x16xf32>,
      %broadcast_in_dim3A_2024 = arith.constant 6 : i32
      %broadcast_in_dim3A_2025 = vector.broadcast %broadcast_in_dim3A_2024 : i32 to vector<16xi32>
      %eq3A_2026 = arith.cmpi eq, %select_n3A_1764, %broadcast_in_dim3A_2025 : vector<16xi32>
      %select_n3A_2027 = arith.select %eq3A_2026, %broadcast_in_dim3A_1816, %broadcast_in_dim3A_1818 : vector<16xi1>, vector<16xf32>
      %eq3A_2028 = arith.cmpi eq, %select_n3A_1762, %broadcast_in_dim3A_2025 : vector<16xi32>
      %select_n3A_2029 = arith.select %eq3A_2028, %broadcast_in_dim3A_1816, %broadcast_in_dim3A_1818 : vector<16xi1>, vector<16xf32>
      %add3A_2030 = arith.addf %select_n3A_2027, %select_n3A_2029 : vector<16xf32>
      %get3A_2031 = arith.constant 6 : i32
      %get3A_2032 = arith.index_cast %get3A_2031 : i32 to index
      %get3A_2033 = arith.constant 0 : index
      %get3A_2034 = tpu.vector_load %arg12[%get3A_2032, %get3A_2033] {strides = array<i32>} : memref<16x16xf32, #tpu.memory_space<vmem>>, vector<1x16xf32>,
      %get3A_2035 = vector.shape_cast %get3A_2034 : vector<1x16xf32> to vector<16xf32>
      %add3A_2036 = arith.addf %get3A_2035, %add3A_2030 : vector<16xf32>
      %swap3A_2037 = arith.constant 6 : i32
      %swap3A_2038 = arith.index_cast %swap3A_2037 : i32 to index
      %swap3A_2039 = arith.constant 0 : index
      %swap3A_2040 = tpu.vector_load %arg12[%swap3A_2038, %swap3A_2039] {strides = array<i32>} : memref<16x16xf32, #tpu.memory_space<vmem>>, vector<1x16xf32>,
      %swap3A_2041 = vector.shape_cast %swap3A_2040 : vector<1x16xf32> to vector<16xf32>
      %swap3A_2042 = vector.shape_cast %add3A_2036 : vector<16xf32> to vector<1x16xf32>
      tpu.vector_store %arg12[%swap3A_2038, %swap3A_2039], %swap3A_2042 {strides = array<i32>} : memref<16x16xf32, #tpu.memory_space<vmem>>, vector<1x16xf32>,
      %get3A_2043 = arith.constant 7 : i32
      %get3A_2044 = arith.index_cast %get3A_2043 : i32 to index
      %get3A_2045 = arith.constant 0 : index
      %get3A_2046 = tpu.vector_load %arg11[%get3A_2044, %get3A_2045] {strides = array<i32>} : memref<16x16xf32, #tpu.memory_space<vmem>>, vector<1x16xf32>,
      %get3A_2047 = vector.shape_cast %get3A_2046 : vector<1x16xf32> to vector<16xf32>
      %mul3A_2048 = arith.mulf %exp3A_1787, %div3A_1814 : vector<16xf32>
      %add3A_2049 = arith.addf %get3A_2047, %mul3A_2048 : vector<16xf32>
      %swap3A_2050 = arith.constant 7 : i32
      %swap3A_2051 = arith.index_cast %swap3A_2050 : i32 to index
      %swap3A_2052 = arith.constant 0 : index
      %swap3A_2053 = tpu.vector_load %arg11[%swap3A_2051, %swap3A_2052] {strides = array<i32>} : memref<16x16xf32, #tpu.memory_space<vmem>>, vector<1x16xf32>,
      %swap3A_2054 = vector.shape_cast %swap3A_2053 : vector<1x16xf32> to vector<16xf32>
      %swap3A_2055 = vector.shape_cast %add3A_2049 : vector<16xf32> to vector<1x16xf32>
      tpu.vector_store %arg11[%swap3A_2051, %swap3A_2052], %swap3A_2055 {strides = array<i32>} : memref<16x16xf32, #tpu.memory_space<vmem>>, vector<1x16xf32>,
      %broadcast_in_dim3A_2056 = arith.constant 7 : i32
      %broadcast_in_dim3A_2057 = vector.broadcast %broadcast_in_dim3A_2056 : i32 to vector<16xi32>
      %eq3A_2058 = arith.cmpi eq, %select_n3A_1764, %broadcast_in_dim3A_2057 : vector<16xi32>
      %select_n3A_2059 = arith.select %eq3A_2058, %broadcast_in_dim3A_1816, %broadcast_in_dim3A_1818 : vector<16xi1>, vector<16xf32>
      %eq3A_2060 = arith.cmpi eq, %select_n3A_1762, %broadcast_in_dim3A_2057 : vector<16xi32>
      %select_n3A_2061 = arith.select %eq3A_2060, %broadcast_in_dim3A_1816, %broadcast_in_dim3A_1818 : vector<16xi1>, vector<16xf32>
      %add3A_2062 = arith.addf %select_n3A_2059, %select_n3A_2061 : vector<16xf32>
      %get3A_2063 = arith.constant 7 : i32
      %get3A_2064 = arith.index_cast %get3A_2063 : i32 to index
      %get3A_2065 = arith.constant 0 : index
      %get3A_2066 = tpu.vector_load %arg12[%get3A_2064, %get3A_2065] {strides = array<i32>} : memref<16x16xf32, #tpu.memory_space<vmem>>, vector<1x16xf32>,
      %get3A_2067 = vector.shape_cast %get3A_2066 : vector<1x16xf32> to vector<16xf32>
      %add3A_2068 = arith.addf %get3A_2067, %add3A_2062 : vector<16xf32>
      %swap3A_2069 = arith.constant 7 : i32
      %swap3A_2070 = arith.index_cast %swap3A_2069 : i32 to index
      %swap3A_2071 = arith.constant 0 : index
      %swap3A_2072 = tpu.vector_load %arg12[%swap3A_2070, %swap3A_2071] {strides = array<i32>} : memref<16x16xf32, #tpu.memory_space<vmem>>, vector<1x16xf32>,
      %swap3A_2073 = vector.shape_cast %swap3A_2072 : vector<1x16xf32> to vector<16xf32>
      %swap3A_2074 = vector.shape_cast %add3A_2068 : vector<16xf32> to vector<1x16xf32>
      tpu.vector_store %arg12[%swap3A_2070, %swap3A_2071], %swap3A_2074 {strides = array<i32>} : memref<16x16xf32, #tpu.memory_space<vmem>>, vector<1x16xf32>,
      %get3A_2075 = arith.constant 8 : i32
      %get3A_2076 = arith.index_cast %get3A_2075 : i32 to index
      %get3A_2077 = arith.constant 0 : index
      %get3A_2078 = tpu.vector_load %arg11[%get3A_2076, %get3A_2077] {strides = array<i32>} : memref<16x16xf32, #tpu.memory_space<vmem>>, vector<1x16xf32>,
      %get3A_2079 = vector.shape_cast %get3A_2078 : vector<1x16xf32> to vector<16xf32>
      %mul3A_2080 = arith.mulf %exp3A_1790, %div3A_1814 : vector<16xf32>
      %add3A_2081 = arith.addf %get3A_2079, %mul3A_2080 : vector<16xf32>
      %swap3A_2082 = arith.constant 8 : i32
      %swap3A_2083 = arith.index_cast %swap3A_2082 : i32 to index
      %swap3A_2084 = arith.constant 0 : index
      %swap3A_2085 = tpu.vector_load %arg11[%swap3A_2083, %swap3A_2084] {strides = array<i32>} : memref<16x16xf32, #tpu.memory_space<vmem>>, vector<1x16xf32>,
      %swap3A_2086 = vector.shape_cast %swap3A_2085 : vector<1x16xf32> to vector<16xf32>
      %swap3A_2087 = vector.shape_cast %add3A_2081 : vector<16xf32> to vector<1x16xf32>
      tpu.vector_store %arg11[%swap3A_2083, %swap3A_2084], %swap3A_2087 {strides = array<i32>} : memref<16x16xf32, #tpu.memory_space<vmem>>, vector<1x16xf32>,
      %broadcast_in_dim3A_2088 = arith.constant 8 : i32
      %broadcast_in_dim3A_2089 = vector.broadcast %broadcast_in_dim3A_2088 : i32 to vector<16xi32>
      %eq3A_2090 = arith.cmpi eq, %select_n3A_1764, %broadcast_in_dim3A_2089 : vector<16xi32>
      %select_n3A_2091 = arith.select %eq3A_2090, %broadcast_in_dim3A_1816, %broadcast_in_dim3A_1818 : vector<16xi1>, vector<16xf32>
      %eq3A_2092 = arith.cmpi eq, %select_n3A_1762, %broadcast_in_dim3A_2089 : vector<16xi32>
      %select_n3A_2093 = arith.select %eq3A_2092, %broadcast_in_dim3A_1816, %broadcast_in_dim3A_1818 : vector<16xi1>, vector<16xf32>
      %add3A_2094 = arith.addf %select_n3A_2091, %select_n3A_2093 : vector<16xf32>
      %get3A_2095 = arith.constant 8 : i32
      %get3A_2096 = arith.index_cast %get3A_2095 : i32 to index
      %get3A_2097 = arith.constant 0 : index
      %get3A_2098 = tpu.vector_load %arg12[%get3A_2096, %get3A_2097] {strides = array<i32>} : memref<16x16xf32, #tpu.memory_space<vmem>>, vector<1x16xf32>,
      %get3A_2099 = vector.shape_cast %get3A_2098 : vector<1x16xf32> to vector<16xf32>
      %add3A_2100 = arith.addf %get3A_2099, %add3A_2094 : vector<16xf32>
      %swap3A_2101 = arith.constant 8 : i32
      %swap3A_2102 = arith.index_cast %swap3A_2101 : i32 to index
      %swap3A_2103 = arith.constant 0 : index
      %swap3A_2104 = tpu.vector_load %arg12[%swap3A_2102, %swap3A_2103] {strides = array<i32>} : memref<16x16xf32, #tpu.memory_space<vmem>>, vector<1x16xf32>,
      %swap3A_2105 = vector.shape_cast %swap3A_2104 : vector<1x16xf32> to vector<16xf32>
      %swap3A_2106 = vector.shape_cast %add3A_2100 : vector<16xf32> to vector<1x16xf32>
      tpu.vector_store %arg12[%swap3A_2102, %swap3A_2103], %swap3A_2106 {strides = array<i32>} : memref<16x16xf32, #tpu.memory_space<vmem>>, vector<1x16xf32>,
      %get3A_2107 = arith.constant 9 : i32
      %get3A_2108 = arith.index_cast %get3A_2107 : i32 to index
      %get3A_2109 = arith.constant 0 : index
      %get3A_2110 = tpu.vector_load %arg11[%get3A_2108, %get3A_2109] {strides = array<i32>} : memref<16x16xf32, #tpu.memory_space<vmem>>, vector<1x16xf32>,
      %get3A_2111 = vector.shape_cast %get3A_2110 : vector<1x16xf32> to vector<16xf32>
      %mul3A_2112 = arith.mulf %exp3A_1793, %div3A_1814 : vector<16xf32>
      %add3A_2113 = arith.addf %get3A_2111, %mul3A_2112 : vector<16xf32>
      %swap3A_2114 = arith.constant 9 : i32
      %swap3A_2115 = arith.index_cast %swap3A_2114 : i32 to index
      %swap3A_2116 = arith.constant 0 : index
      %swap3A_2117 = tpu.vector_load %arg11[%swap3A_2115, %swap3A_2116] {strides = array<i32>} : memref<16x16xf32, #tpu.memory_space<vmem>>, vector<1x16xf32>,
      %swap3A_2118 = vector.shape_cast %swap3A_2117 : vector<1x16xf32> to vector<16xf32>
      %swap3A_2119 = vector.shape_cast %add3A_2113 : vector<16xf32> to vector<1x16xf32>
      tpu.vector_store %arg11[%swap3A_2115, %swap3A_2116], %swap3A_2119 {strides = array<i32>} : memref<16x16xf32, #tpu.memory_space<vmem>>, vector<1x16xf32>,
      %broadcast_in_dim3A_2120 = arith.constant 9 : i32
      %broadcast_in_dim3A_2121 = vector.broadcast %broadcast_in_dim3A_2120 : i32 to vector<16xi32>
      %eq3A_2122 = arith.cmpi eq, %select_n3A_1764, %broadcast_in_dim3A_2121 : vector<16xi32>
      %select_n3A_2123 = arith.select %eq3A_2122, %broadcast_in_dim3A_1816, %broadcast_in_dim3A_1818 : vector<16xi1>, vector<16xf32>
      %eq3A_2124 = arith.cmpi eq, %select_n3A_1762, %broadcast_in_dim3A_2121 : vector<16xi32>
      %select_n3A_2125 = arith.select %eq3A_2124, %broadcast_in_dim3A_1816, %broadcast_in_dim3A_1818 : vector<16xi1>, vector<16xf32>
      %add3A_2126 = arith.addf %select_n3A_2123, %select_n3A_2125 : vector<16xf32>
      %get3A_2127 = arith.constant 9 : i32
      %get3A_2128 = arith.index_cast %get3A_2127 : i32 to index
      %get3A_2129 = arith.constant 0 : index
      %get3A_2130 = tpu.vector_load %arg12[%get3A_2128, %get3A_2129] {strides = array<i32>} : memref<16x16xf32, #tpu.memory_space<vmem>>, vector<1x16xf32>,
      %get3A_2131 = vector.shape_cast %get3A_2130 : vector<1x16xf32> to vector<16xf32>
      %add3A_2132 = arith.addf %get3A_2131, %add3A_2126 : vector<16xf32>
      %swap3A_2133 = arith.constant 9 : i32
      %swap3A_2134 = arith.index_cast %swap3A_2133 : i32 to index
      %swap3A_2135 = arith.constant 0 : index
      %swap3A_2136 = tpu.vector_load %arg12[%swap3A_2134, %swap3A_2135] {strides = array<i32>} : memref<16x16xf32, #tpu.memory_space<vmem>>, vector<1x16xf32>,
      %swap3A_2137 = vector.shape_cast %swap3A_2136 : vector<1x16xf32> to vector<16xf32>
      %swap3A_2138 = vector.shape_cast %add3A_2132 : vector<16xf32> to vector<1x16xf32>
      tpu.vector_store %arg12[%swap3A_2134, %swap3A_2135], %swap3A_2138 {strides = array<i32>} : memref<16x16xf32, #tpu.memory_space<vmem>>, vector<1x16xf32>,
      %get3A_2139 = arith.constant 10 : i32
      %get3A_2140 = arith.index_cast %get3A_2139 : i32 to index
      %get3A_2141 = arith.constant 0 : index
      %get3A_2142 = tpu.vector_load %arg11[%get3A_2140, %get3A_2141] {strides = array<i32>} : memref<16x16xf32, #tpu.memory_space<vmem>>, vector<1x16xf32>,
      %get3A_2143 = vector.shape_cast %get3A_2142 : vector<1x16xf32> to vector<16xf32>
      %mul3A_2144 = arith.mulf %exp3A_1796, %div3A_1814 : vector<16xf32>
      %add3A_2145 = arith.addf %get3A_2143, %mul3A_2144 : vector<16xf32>
      %swap3A_2146 = arith.constant 10 : i32
      %swap3A_2147 = arith.index_cast %swap3A_2146 : i32 to index
      %swap3A_2148 = arith.constant 0 : index
      %swap3A_2149 = tpu.vector_load %arg11[%swap3A_2147, %swap3A_2148] {strides = array<i32>} : memref<16x16xf32, #tpu.memory_space<vmem>>, vector<1x16xf32>,
      %swap3A_2150 = vector.shape_cast %swap3A_2149 : vector<1x16xf32> to vector<16xf32>
      %swap3A_2151 = vector.shape_cast %add3A_2145 : vector<16xf32> to vector<1x16xf32>
      tpu.vector_store %arg11[%swap3A_2147, %swap3A_2148], %swap3A_2151 {strides = array<i32>} : memref<16x16xf32, #tpu.memory_space<vmem>>, vector<1x16xf32>,
      %broadcast_in_dim3A_2152 = arith.constant 10 : i32
      %broadcast_in_dim3A_2153 = vector.broadcast %broadcast_in_dim3A_2152 : i32 to vector<16xi32>
      %eq3A_2154 = arith.cmpi eq, %select_n3A_1764, %broadcast_in_dim3A_2153 : vector<16xi32>
      %select_n3A_2155 = arith.select %eq3A_2154, %broadcast_in_dim3A_1816, %broadcast_in_dim3A_1818 : vector<16xi1>, vector<16xf32>
      %eq3A_2156 = arith.cmpi eq, %select_n3A_1762, %broadcast_in_dim3A_2153 : vector<16xi32>
      %select_n3A_2157 = arith.select %eq3A_2156, %broadcast_in_dim3A_1816, %broadcast_in_dim3A_1818 : vector<16xi1>, vector<16xf32>
      %add3A_2158 = arith.addf %select_n3A_2155, %select_n3A_2157 : vector<16xf32>
      %get3A_2159 = arith.constant 10 : i32
      %get3A_2160 = arith.index_cast %get3A_2159 : i32 to index
      %get3A_2161 = arith.constant 0 : index
      %get3A_2162 = tpu.vector_load %arg12[%get3A_2160, %get3A_2161] {strides = array<i32>} : memref<16x16xf32, #tpu.memory_space<vmem>>, vector<1x16xf32>,
      %get3A_2163 = vector.shape_cast %get3A_2162 : vector<1x16xf32> to vector<16xf32>
      %add3A_2164 = arith.addf %get3A_2163, %add3A_2158 : vector<16xf32>
      %swap3A_2165 = arith.constant 10 : i32
      %swap3A_2166 = arith.index_cast %swap3A_2165 : i32 to index
      %swap3A_2167 = arith.constant 0 : index
      %swap3A_2168 = tpu.vector_load %arg12[%swap3A_2166, %swap3A_2167] {strides = array<i32>} : memref<16x16xf32, #tpu.memory_space<vmem>>, vector<1x16xf32>,
      %swap3A_2169 = vector.shape_cast %swap3A_2168 : vector<1x16xf32> to vector<16xf32>
      %swap3A_2170 = vector.shape_cast %add3A_2164 : vector<16xf32> to vector<1x16xf32>
      tpu.vector_store %arg12[%swap3A_2166, %swap3A_2167], %swap3A_2170 {strides = array<i32>} : memref<16x16xf32, #tpu.memory_space<vmem>>, vector<1x16xf32>,
      %get3A_2171 = arith.constant 11 : i32
      %get3A_2172 = arith.index_cast %get3A_2171 : i32 to index
      %get3A_2173 = arith.constant 0 : index
      %get3A_2174 = tpu.vector_load %arg11[%get3A_2172, %get3A_2173] {strides = array<i32>} : memref<16x16xf32, #tpu.memory_space<vmem>>, vector<1x16xf32>,
      %get3A_2175 = vector.shape_cast %get3A_2174 : vector<1x16xf32> to vector<16xf32>
      %mul3A_2176 = arith.mulf %exp3A_1799, %div3A_1814 : vector<16xf32>
      %add3A_2177 = arith.addf %get3A_2175, %mul3A_2176 : vector<16xf32>
      %swap3A_2178 = arith.constant 11 : i32
      %swap3A_2179 = arith.index_cast %swap3A_2178 : i32 to index
      %swap3A_2180 = arith.constant 0 : index
      %swap3A_2181 = tpu.vector_load %arg11[%swap3A_2179, %swap3A_2180] {strides = array<i32>} : memref<16x16xf32, #tpu.memory_space<vmem>>, vector<1x16xf32>,
      %swap3A_2182 = vector.shape_cast %swap3A_2181 : vector<1x16xf32> to vector<16xf32>
      %swap3A_2183 = vector.shape_cast %add3A_2177 : vector<16xf32> to vector<1x16xf32>
      tpu.vector_store %arg11[%swap3A_2179, %swap3A_2180], %swap3A_2183 {strides = array<i32>} : memref<16x16xf32, #tpu.memory_space<vmem>>, vector<1x16xf32>,
      %broadcast_in_dim3A_2184 = arith.constant 11 : i32
      %broadcast_in_dim3A_2185 = vector.broadcast %broadcast_in_dim3A_2184 : i32 to vector<16xi32>
      %eq3A_2186 = arith.cmpi eq, %select_n3A_1764, %broadcast_in_dim3A_2185 : vector<16xi32>
      %select_n3A_2187 = arith.select %eq3A_2186, %broadcast_in_dim3A_1816, %broadcast_in_dim3A_1818 : vector<16xi1>, vector<16xf32>
      %eq3A_2188 = arith.cmpi eq, %select_n3A_1762, %broadcast_in_dim3A_2185 : vector<16xi32>
      %select_n3A_2189 = arith.select %eq3A_2188, %broadcast_in_dim3A_1816, %broadcast_in_dim3A_1818 : vector<16xi1>, vector<16xf32>
      %add3A_2190 = arith.addf %select_n3A_2187, %select_n3A_2189 : vector<16xf32>
      %get3A_2191 = arith.constant 11 : i32
      %get3A_2192 = arith.index_cast %get3A_2191 : i32 to index
      %get3A_2193 = arith.constant 0 : index
      %get3A_2194 = tpu.vector_load %arg12[%get3A_2192, %get3A_2193] {strides = array<i32>} : memref<16x16xf32, #tpu.memory_space<vmem>>, vector<1x16xf32>,
      %get3A_2195 = vector.shape_cast %get3A_2194 : vector<1x16xf32> to vector<16xf32>
      %add3A_2196 = arith.addf %get3A_2195, %add3A_2190 : vector<16xf32>
      %swap3A_2197 = arith.constant 11 : i32
      %swap3A_2198 = arith.index_cast %swap3A_2197 : i32 to index
      %swap3A_2199 = arith.constant 0 : index
      %swap3A_2200 = tpu.vector_load %arg12[%swap3A_2198, %swap3A_2199] {strides = array<i32>} : memref<16x16xf32, #tpu.memory_space<vmem>>, vector<1x16xf32>,
      %swap3A_2201 = vector.shape_cast %swap3A_2200 : vector<1x16xf32> to vector<16xf32>
      %swap3A_2202 = vector.shape_cast %add3A_2196 : vector<16xf32> to vector<1x16xf32>
      tpu.vector_store %arg12[%swap3A_2198, %swap3A_2199], %swap3A_2202 {strides = array<i32>} : memref<16x16xf32, #tpu.memory_space<vmem>>, vector<1x16xf32>,
      %get3A_2203 = arith.constant 12 : i32
      %get3A_2204 = arith.index_cast %get3A_2203 : i32 to index
      %get3A_2205 = arith.constant 0 : index
      %get3A_2206 = tpu.vector_load %arg11[%get3A_2204, %get3A_2205] {strides = array<i32>} : memref<16x16xf32, #tpu.memory_space<vmem>>, vector<1x16xf32>,
      %get3A_2207 = vector.shape_cast %get3A_2206 : vector<1x16xf32> to vector<16xf32>
      %mul3A_2208 = arith.mulf %exp3A_1802, %div3A_1814 : vector<16xf32>
      %add3A_2209 = arith.addf %get3A_2207, %mul3A_2208 : vector<16xf32>
      %swap3A_2210 = arith.constant 12 : i32
      %swap3A_2211 = arith.index_cast %swap3A_2210 : i32 to index
      %swap3A_2212 = arith.constant 0 : index
      %swap3A_2213 = tpu.vector_load %arg11[%swap3A_2211, %swap3A_2212] {strides = array<i32>} : memref<16x16xf32, #tpu.memory_space<vmem>>, vector<1x16xf32>,
      %swap3A_2214 = vector.shape_cast %swap3A_2213 : vector<1x16xf32> to vector<16xf32>
      %swap3A_2215 = vector.shape_cast %add3A_2209 : vector<16xf32> to vector<1x16xf32>
      tpu.vector_store %arg11[%swap3A_2211, %swap3A_2212], %swap3A_2215 {strides = array<i32>} : memref<16x16xf32, #tpu.memory_space<vmem>>, vector<1x16xf32>,
      %broadcast_in_dim3A_2216 = arith.constant 12 : i32
      %broadcast_in_dim3A_2217 = vector.broadcast %broadcast_in_dim3A_2216 : i32 to vector<16xi32>
      %eq3A_2218 = arith.cmpi eq, %select_n3A_1764, %broadcast_in_dim3A_2217 : vector<16xi32>
      %select_n3A_2219 = arith.select %eq3A_2218, %broadcast_in_dim3A_1816, %broadcast_in_dim3A_1818 : vector<16xi1>, vector<16xf32>
      %eq3A_2220 = arith.cmpi eq, %select_n3A_1762, %broadcast_in_dim3A_2217 : vector<16xi32>
      %select_n3A_2221 = arith.select %eq3A_2220, %broadcast_in_dim3A_1816, %broadcast_in_dim3A_1818 : vector<16xi1>, vector<16xf32>
      %add3A_2222 = arith.addf %select_n3A_2219, %select_n3A_2221 : vector<16xf32>
      %get3A_2223 = arith.constant 12 : i32
      %get3A_2224 = arith.index_cast %get3A_2223 : i32 to index
      %get3A_2225 = arith.constant 0 : index
      %get3A_2226 = tpu.vector_load %arg12[%get3A_2224, %get3A_2225] {strides = array<i32>} : memref<16x16xf32, #tpu.memory_space<vmem>>, vector<1x16xf32>,
      %get3A_2227 = vector.shape_cast %get3A_2226 : vector<1x16xf32> to vector<16xf32>
      %add3A_2228 = arith.addf %get3A_2227, %add3A_2222 : vector<16xf32>
      %swap3A_2229 = arith.constant 12 : i32
      %swap3A_2230 = arith.index_cast %swap3A_2229 : i32 to index
      %swap3A_2231 = arith.constant 0 : index
      %swap3A_2232 = tpu.vector_load %arg12[%swap3A_2230, %swap3A_2231] {strides = array<i32>} : memref<16x16xf32, #tpu.memory_space<vmem>>, vector<1x16xf32>,
      %swap3A_2233 = vector.shape_cast %swap3A_2232 : vector<1x16xf32> to vector<16xf32>
      %swap3A_2234 = vector.shape_cast %add3A_2228 : vector<16xf32> to vector<1x16xf32>
      tpu.vector_store %arg12[%swap3A_2230, %swap3A_2231], %swap3A_2234 {strides = array<i32>} : memref<16x16xf32, #tpu.memory_space<vmem>>, vector<1x16xf32>,
      %get3A_2235 = arith.constant 13 : i32
      %get3A_2236 = arith.index_cast %get3A_2235 : i32 to index
      %get3A_2237 = arith.constant 0 : index
      %get3A_2238 = tpu.vector_load %arg11[%get3A_2236, %get3A_2237] {strides = array<i32>} : memref<16x16xf32, #tpu.memory_space<vmem>>, vector<1x16xf32>,
      %get3A_2239 = vector.shape_cast %get3A_2238 : vector<1x16xf32> to vector<16xf32>
      %mul3A_2240 = arith.mulf %exp3A_1805, %div3A_1814 : vector<16xf32>
      %add3A_2241 = arith.addf %get3A_2239, %mul3A_2240 : vector<16xf32>
      %swap3A_2242 = arith.constant 13 : i32
      %swap3A_2243 = arith.index_cast %swap3A_2242 : i32 to index
      %swap3A_2244 = arith.constant 0 : index
      %swap3A_2245 = tpu.vector_load %arg11[%swap3A_2243, %swap3A_2244] {strides = array<i32>} : memref<16x16xf32, #tpu.memory_space<vmem>>, vector<1x16xf32>,
      %swap3A_2246 = vector.shape_cast %swap3A_2245 : vector<1x16xf32> to vector<16xf32>
      %swap3A_2247 = vector.shape_cast %add3A_2241 : vector<16xf32> to vector<1x16xf32>
      tpu.vector_store %arg11[%swap3A_2243, %swap3A_2244], %swap3A_2247 {strides = array<i32>} : memref<16x16xf32, #tpu.memory_space<vmem>>, vector<1x16xf32>,
      %broadcast_in_dim3A_2248 = arith.constant 13 : i32
      %broadcast_in_dim3A_2249 = vector.broadcast %broadcast_in_dim3A_2248 : i32 to vector<16xi32>
      %eq3A_2250 = arith.cmpi eq, %select_n3A_1764, %broadcast_in_dim3A_2249 : vector<16xi32>
      %select_n3A_2251 = arith.select %eq3A_2250, %broadcast_in_dim3A_1816, %broadcast_in_dim3A_1818 : vector<16xi1>, vector<16xf32>
      %eq3A_2252 = arith.cmpi eq, %select_n3A_1762, %broadcast_in_dim3A_2249 : vector<16xi32>
      %select_n3A_2253 = arith.select %eq3A_2252, %broadcast_in_dim3A_1816, %broadcast_in_dim3A_1818 : vector<16xi1>, vector<16xf32>
      %add3A_2254 = arith.addf %select_n3A_2251, %select_n3A_2253 : vector<16xf32>
      %get3A_2255 = arith.constant 13 : i32
      %get3A_2256 = arith.index_cast %get3A_2255 : i32 to index
      %get3A_2257 = arith.constant 0 : index
      %get3A_2258 = tpu.vector_load %arg12[%get3A_2256, %get3A_2257] {strides = array<i32>} : memref<16x16xf32, #tpu.memory_space<vmem>>, vector<1x16xf32>,
      %get3A_2259 = vector.shape_cast %get3A_2258 : vector<1x16xf32> to vector<16xf32>
      %add3A_2260 = arith.addf %get3A_2259, %add3A_2254 : vector<16xf32>
      %swap3A_2261 = arith.constant 13 : i32
      %swap3A_2262 = arith.index_cast %swap3A_2261 : i32 to index
      %swap3A_2263 = arith.constant 0 : index
      %swap3A_2264 = tpu.vector_load %arg12[%swap3A_2262, %swap3A_2263] {strides = array<i32>} : memref<16x16xf32, #tpu.memory_space<vmem>>, vector<1x16xf32>,
      %swap3A_2265 = vector.shape_cast %swap3A_2264 : vector<1x16xf32> to vector<16xf32>
      %swap3A_2266 = vector.shape_cast %add3A_2260 : vector<16xf32> to vector<1x16xf32>
      tpu.vector_store %arg12[%swap3A_2262, %swap3A_2263], %swap3A_2266 {strides = array<i32>} : memref<16x16xf32, #tpu.memory_space<vmem>>, vector<1x16xf32>,
      %get3A_2267 = arith.constant 14 : i32
      %get3A_2268 = arith.index_cast %get3A_2267 : i32 to index
      %get3A_2269 = arith.constant 0 : index
      %get3A_2270 = tpu.vector_load %arg11[%get3A_2268, %get3A_2269] {strides = array<i32>} : memref<16x16xf32, #tpu.memory_space<vmem>>, vector<1x16xf32>,
      %get3A_2271 = vector.shape_cast %get3A_2270 : vector<1x16xf32> to vector<16xf32>
      %mul3A_2272 = arith.mulf %exp3A_1808, %div3A_1814 : vector<16xf32>
      %add3A_2273 = arith.addf %get3A_2271, %mul3A_2272 : vector<16xf32>
      %swap3A_2274 = arith.constant 14 : i32
      %swap3A_2275 = arith.index_cast %swap3A_2274 : i32 to index
      %swap3A_2276 = arith.constant 0 : index
      %swap3A_2277 = tpu.vector_load %arg11[%swap3A_2275, %swap3A_2276] {strides = array<i32>} : memref<16x16xf32, #tpu.memory_space<vmem>>, vector<1x16xf32>,
      %swap3A_2278 = vector.shape_cast %swap3A_2277 : vector<1x16xf32> to vector<16xf32>
      %swap3A_2279 = vector.shape_cast %add3A_2273 : vector<16xf32> to vector<1x16xf32>
      tpu.vector_store %arg11[%swap3A_2275, %swap3A_2276], %swap3A_2279 {strides = array<i32>} : memref<16x16xf32, #tpu.memory_space<vmem>>, vector<1x16xf32>,
      %broadcast_in_dim3A_2280 = arith.constant 14 : i32
      %broadcast_in_dim3A_2281 = vector.broadcast %broadcast_in_dim3A_2280 : i32 to vector<16xi32>
      %eq3A_2282 = arith.cmpi eq, %select_n3A_1764, %broadcast_in_dim3A_2281 : vector<16xi32>
      %select_n3A_2283 = arith.select %eq3A_2282, %broadcast_in_dim3A_1816, %broadcast_in_dim3A_1818 : vector<16xi1>, vector<16xf32>
      %eq3A_2284 = arith.cmpi eq, %select_n3A_1762, %broadcast_in_dim3A_2281 : vector<16xi32>
      %select_n3A_2285 = arith.select %eq3A_2284, %broadcast_in_dim3A_1816, %broadcast_in_dim3A_1818 : vector<16xi1>, vector<16xf32>
      %add3A_2286 = arith.addf %select_n3A_2283, %select_n3A_2285 : vector<16xf32>
      %get3A_2287 = arith.constant 14 : i32
      %get3A_2288 = arith.index_cast %get3A_2287 : i32 to index
      %get3A_2289 = arith.constant 0 : index
      %get3A_2290 = tpu.vector_load %arg12[%get3A_2288, %get3A_2289] {strides = array<i32>} : memref<16x16xf32, #tpu.memory_space<vmem>>, vector<1x16xf32>,
      %get3A_2291 = vector.shape_cast %get3A_2290 : vector<1x16xf32> to vector<16xf32>
      %add3A_2292 = arith.addf %get3A_2291, %add3A_2286 : vector<16xf32>
      %swap3A_2293 = arith.constant 14 : i32
      %swap3A_2294 = arith.index_cast %swap3A_2293 : i32 to index
      %swap3A_2295 = arith.constant 0 : index
      %swap3A_2296 = tpu.vector_load %arg12[%swap3A_2294, %swap3A_2295] {strides = array<i32>} : memref<16x16xf32, #tpu.memory_space<vmem>>, vector<1x16xf32>,
      %swap3A_2297 = vector.shape_cast %swap3A_2296 : vector<1x16xf32> to vector<16xf32>
      %swap3A_2298 = vector.shape_cast %add3A_2292 : vector<16xf32> to vector<1x16xf32>
      tpu.vector_store %arg12[%swap3A_2294, %swap3A_2295], %swap3A_2298 {strides = array<i32>} : memref<16x16xf32, #tpu.memory_space<vmem>>, vector<1x16xf32>,
      %get3A_2299 = arith.constant 15 : i32
      %get3A_2300 = arith.index_cast %get3A_2299 : i32 to index
      %get3A_2301 = arith.constant 0 : index
      %get3A_2302 = tpu.vector_load %arg11[%get3A_2300, %get3A_2301] {strides = array<i32>} : memref<16x16xf32, #tpu.memory_space<vmem>>, vector<1x16xf32>,
      %get3A_2303 = vector.shape_cast %get3A_2302 : vector<1x16xf32> to vector<16xf32>
      %mul3A_2304 = arith.mulf %exp3A_1811, %div3A_1814 : vector<16xf32>
      %add3A_2305 = arith.addf %get3A_2303, %mul3A_2304 : vector<16xf32>
      %swap3A_2306 = arith.constant 15 : i32
      %swap3A_2307 = arith.index_cast %swap3A_2306 : i32 to index
      %swap3A_2308 = arith.constant 0 : index
      %swap3A_2309 = tpu.vector_load %arg11[%swap3A_2307, %swap3A_2308] {strides = array<i32>} : memref<16x16xf32, #tpu.memory_space<vmem>>, vector<1x16xf32>,
      %swap3A_2310 = vector.shape_cast %swap3A_2309 : vector<1x16xf32> to vector<16xf32>
      %swap3A_2311 = vector.shape_cast %add3A_2305 : vector<16xf32> to vector<1x16xf32>
      tpu.vector_store %arg11[%swap3A_2307, %swap3A_2308], %swap3A_2311 {strides = array<i32>} : memref<16x16xf32, #tpu.memory_space<vmem>>, vector<1x16xf32>,
      %broadcast_in_dim3A_2312 = arith.constant 15 : i32
      %broadcast_in_dim3A_2313 = vector.broadcast %broadcast_in_dim3A_2312 : i32 to vector<16xi32>
      %eq3A_2314 = arith.cmpi eq, %select_n3A_1764, %broadcast_in_dim3A_2313 : vector<16xi32>
      %select_n3A_2315 = arith.select %eq3A_2314, %broadcast_in_dim3A_1816, %broadcast_in_dim3A_1818 : vector<16xi1>, vector<16xf32>
      %eq3A_2316 = arith.cmpi eq, %select_n3A_1762, %broadcast_in_dim3A_2313 : vector<16xi32>
      %select_n3A_2317 = arith.select %eq3A_2316, %broadcast_in_dim3A_1816, %broadcast_in_dim3A_1818 : vector<16xi1>, vector<16xf32>
      %add3A_2318 = arith.addf %select_n3A_2315, %select_n3A_2317 : vector<16xf32>
      %get3A_2319 = arith.constant 15 : i32
      %get3A_2320 = arith.index_cast %get3A_2319 : i32 to index
      %get3A_2321 = arith.constant 0 : index
      %get3A_2322 = tpu.vector_load %arg12[%get3A_2320, %get3A_2321] {strides = array<i32>} : memref<16x16xf32, #tpu.memory_space<vmem>>, vector<1x16xf32>,
      %get3A_2323 = vector.shape_cast %get3A_2322 : vector<1x16xf32> to vector<16xf32>
      %add3A_2324 = arith.addf %get3A_2323, %add3A_2318 : vector<16xf32>
      %swap3A_2325 = arith.constant 15 : i32
      %swap3A_2326 = arith.index_cast %swap3A_2325 : i32 to index
      %swap3A_2327 = arith.constant 0 : index
      %swap3A_2328 = tpu.vector_load %arg12[%swap3A_2326, %swap3A_2327] {strides = array<i32>} : memref<16x16xf32, #tpu.memory_space<vmem>>, vector<1x16xf32>,
      %swap3A_2329 = vector.shape_cast %swap3A_2328 : vector<1x16xf32> to vector<16xf32>
      %swap3A_2330 = vector.shape_cast %add3A_2324 : vector<16xf32> to vector<1x16xf32>
      tpu.vector_store %arg12[%swap3A_2326, %swap3A_2327], %swap3A_2330 {strides = array<i32>} : memref<16x16xf32, #tpu.memory_space<vmem>>, vector<1x16xf32>,
      %sub3A_2331 = arith.subf %select_n3A_1760, %select_n3A_1763 : vector<16xf32>
      %exp3A_2332 = math.exp %sub3A_2331 : vector<16xf32>
      %add3A_2333 = arith.constant 1.000000e+00 : f32
      %add3A_2334 = vector.broadcast %add3A_2333 : f32 to vector<16xf32>
      %add3A_2335 = arith.addf %add3A_2334, %exp3A_2332 : vector<16xf32>
      %div3A_2336 = arith.constant 1.000000e+00 : f32
      %div3A_2337 = vector.broadcast %div3A_2336 : f32 to vector<16xf32>
      %div3A_2338 = arith.divf %div3A_2337, %add3A_2335 : vector<16xf32>
      %sub3A_2339 = arith.constant 1.000000e+00 : f32
      %sub3A_2340 = vector.broadcast %sub3A_2339 : f32 to vector<16xf32>
      %sub3A_2341 = arith.subf %sub3A_2340, %div3A_2338 : vector<16xf32>
      %swap3A_2342 = arith.index_cast %mul3A_1529 : i32 to index
      %swap3A_2343 = tpu.vector_load %arg7[%swap3A_2342] {strides = array<i32>} : memref<512xi32, #tpu.memory_space<vmem>>, vector<16xi32>,
      %swap3A_2344 = vector.shape_cast %swap3A_2343 : vector<16xi32> to vector<16xi32>
      %swap3A_2345 = vector.shape_cast %select_n3A_1764 : vector<16xi32> to vector<16xi32>
      tpu.vector_store %arg7[%swap3A_2342], %swap3A_2345 {strides = array<i32>} : memref<512xi32, #tpu.memory_space<vmem>>, vector<16xi32>,
      %swap3A_2346 = arith.index_cast %mul3A_1529 : i32 to index
      %swap3A_2347 = tpu.vector_load %arg8[%swap3A_2346] {strides = array<i32>} : memref<512xi32, #tpu.memory_space<vmem>>, vector<16xi32>,
      %swap3A_2348 = vector.shape_cast %swap3A_2347 : vector<16xi32> to vector<16xi32>
      %swap3A_2349 = vector.shape_cast %select_n3A_1762 : vector<16xi32> to vector<16xi32>
      tpu.vector_store %arg8[%swap3A_2346], %swap3A_2349 {strides = array<i32>} : memref<512xi32, #tpu.memory_space<vmem>>, vector<16xi32>,
      %swap3A_2350 = arith.index_cast %mul3A_1529 : i32 to index
      %swap3A_2351 = tpu.vector_load %arg9[%swap3A_2350] {strides = array<i32>} : memref<512xf32, #tpu.memory_space<vmem>>, vector<16xf32>,
      %swap3A_2352 = vector.shape_cast %swap3A_2351 : vector<16xf32> to vector<16xf32>
      %swap3A_2353 = vector.shape_cast %div3A_2338 : vector<16xf32> to vector<16xf32>
      tpu.vector_store %arg9[%swap3A_2350], %swap3A_2353 {strides = array<i32>} : memref<512xf32, #tpu.memory_space<vmem>>, vector<16xf32>,
      %swap3A_2354 = arith.index_cast %mul3A_1529 : i32 to index
      %swap3A_2355 = tpu.vector_load %arg10[%swap3A_2354] {strides = array<i32>} : memref<512xf32, #tpu.memory_space<vmem>>, vector<16xf32>,
      %swap3A_2356 = vector.shape_cast %swap3A_2355 : vector<16xf32> to vector<16xf32>
      %swap3A_2357 = vector.shape_cast %sub3A_2341 : vector<16xf32> to vector<16xf32>
      tpu.vector_store %arg10[%swap3A_2354], %swap3A_2357 {strides = array<i32>} : memref<512xf32, #tpu.memory_space<vmem>>, vector<16xf32>,
    }
    %scan3A_197 = arith.constant 32 : i32
    %run_scoped3A = arith.constant 0 : i32
    "tpu.region"() ({
      %run_scoped3A_1527 = tpu.sem_alloc : memref<!tpu.dma_semaphore, #tpu.memory_space<semaphore_mem>>
      %dma_start3A = tpu.memref_slice %arg3[%run_scoped3A, %mul3A_0] : memref<2x8192xi32, #tpu.memory_space<hbm>> -> memref<1x512xi32, #tpu.memory_space<hbm>>
      %dma_start3A_1528 = tpu.memref_squeeze %dma_start3A : memref<1x512xi32, #tpu.memory_space<hbm>> -> memref<512xi32, #tpu.memory_space<hbm>>
      %dma_start3A_1529 = tpu.memref_slice %arg3[%run_scoped3A, %mul3A_0] : memref<2x8192xi32, #tpu.memory_space<hbm>> -> memref<1x512xi32, #tpu.memory_space<hbm>>
      %dma_start3A_1530 = tpu.memref_squeeze %dma_start3A_1529 : memref<1x512xi32, #tpu.memory_space<hbm>> -> memref<512xi32, #tpu.memory_space<hbm>>
      tpu.enqueue_dma source(%arg7 : memref<512xi32, #tpu.memory_space<vmem>>) target(%dma_start3A_1530 : memref<512xi32, #tpu.memory_space<hbm>>) target_semaphore(%run_scoped3A_1527 : memref<!tpu.dma_semaphore, #tpu.memory_space<semaphore_mem>>)
      %dma_wait3A = tpu.memref_slice %arg3[%run_scoped3A, %mul3A_0] : memref<2x8192xi32, #tpu.memory_space<hbm>> -> memref<1x512xi32, #tpu.memory_space<hbm>>
      %dma_wait3A_1531 = tpu.memref_squeeze %dma_wait3A : memref<1x512xi32, #tpu.memory_space<hbm>> -> memref<512xi32, #tpu.memory_space<hbm>>
      %dma_wait3A_1532 = tpu.memref_slice %arg3[%run_scoped3A, %mul3A_0] : memref<2x8192xi32, #tpu.memory_space<hbm>> -> memref<1x512xi32, #tpu.memory_space<hbm>>
      %dma_wait3A_1533 = tpu.memref_squeeze %dma_wait3A_1532 : memref<1x512xi32, #tpu.memory_space<hbm>> -> memref<512xi32, #tpu.memory_space<hbm>>
      tpu.wait_dma2 semaphore(%run_scoped3A_1527 : memref<!tpu.dma_semaphore, #tpu.memory_space<semaphore_mem>>) src(%arg7 : memref<512xi32, #tpu.memory_space<vmem>>) dst(%dma_wait3A_1533 : memref<512xi32, #tpu.memory_space<hbm>>)
      tpu.yield
    }) : () -> ()
    %run_scoped3A_198 = arith.constant 1 : i32
    "tpu.region"() ({
      %run_scoped3A_1527 = tpu.sem_alloc : memref<!tpu.dma_semaphore, #tpu.memory_space<semaphore_mem>>
      %dma_start3A = tpu.memref_slice %arg3[%run_scoped3A_198, %mul3A_0] : memref<2x8192xi32, #tpu.memory_space<hbm>> -> memref<1x512xi32, #tpu.memory_space<hbm>>
      %dma_start3A_1528 = tpu.memref_squeeze %dma_start3A : memref<1x512xi32, #tpu.memory_space<hbm>> -> memref<512xi32, #tpu.memory_space<hbm>>
      %dma_start3A_1529 = tpu.memref_slice %arg3[%run_scoped3A_198, %mul3A_0] : memref<2x8192xi32, #tpu.memory_space<hbm>> -> memref<1x512xi32, #tpu.memory_space<hbm>>
      %dma_start3A_1530 = tpu.memref_squeeze %dma_start3A_1529 : memref<1x512xi32, #tpu.memory_space<hbm>> -> memref<512xi32, #tpu.memory_space<hbm>>
      tpu.enqueue_dma source(%arg8 : memref<512xi32, #tpu.memory_space<vmem>>) target(%dma_start3A_1530 : memref<512xi32, #tpu.memory_space<hbm>>) target_semaphore(%run_scoped3A_1527 : memref<!tpu.dma_semaphore, #tpu.memory_space<semaphore_mem>>)
      %dma_wait3A = tpu.memref_slice %arg3[%run_scoped3A_198, %mul3A_0] : memref<2x8192xi32, #tpu.memory_space<hbm>> -> memref<1x512xi32, #tpu.memory_space<hbm>>
      %dma_wait3A_1531 = tpu.memref_squeeze %dma_wait3A : memref<1x512xi32, #tpu.memory_space<hbm>> -> memref<512xi32, #tpu.memory_space<hbm>>
      %dma_wait3A_1532 = tpu.memref_slice %arg3[%run_scoped3A_198, %mul3A_0] : memref<2x8192xi32, #tpu.memory_space<hbm>> -> memref<1x512xi32, #tpu.memory_space<hbm>>
      %dma_wait3A_1533 = tpu.memref_squeeze %dma_wait3A_1532 : memref<1x512xi32, #tpu.memory_space<hbm>> -> memref<512xi32, #tpu.memory_space<hbm>>
      tpu.wait_dma2 semaphore(%run_scoped3A_1527 : memref<!tpu.dma_semaphore, #tpu.memory_space<semaphore_mem>>) src(%arg8 : memref<512xi32, #tpu.memory_space<vmem>>) dst(%dma_wait3A_1533 : memref<512xi32, #tpu.memory_space<hbm>>)
      tpu.yield
    }) : () -> ()
    %run_scoped3A_199 = arith.constant 0 : i32
    "tpu.region"() ({
      %run_scoped3A_1527 = tpu.sem_alloc : memref<!tpu.dma_semaphore, #tpu.memory_space<semaphore_mem>>
      %dma_start3A = tpu.memref_slice %arg4[%run_scoped3A_199, %mul3A_0] : memref<2x8192xf32, #tpu.memory_space<hbm>> -> memref<1x512xf32, #tpu.memory_space<hbm>>
      %dma_start3A_1528 = tpu.memref_squeeze %dma_start3A : memref<1x512xf32, #tpu.memory_space<hbm>> -> memref<512xf32, #tpu.memory_space<hbm>>
      %dma_start3A_1529 = tpu.memref_slice %arg4[%run_scoped3A_199, %mul3A_0] : memref<2x8192xf32, #tpu.memory_space<hbm>> -> memref<1x512xf32, #tpu.memory_space<hbm>>
      %dma_start3A_1530 = tpu.memref_squeeze %dma_start3A_1529 : memref<1x512xf32, #tpu.memory_space<hbm>> -> memref<512xf32, #tpu.memory_space<hbm>>
      tpu.enqueue_dma source(%arg9 : memref<512xf32, #tpu.memory_space<vmem>>) target(%dma_start3A_1530 : memref<512xf32, #tpu.memory_space<hbm>>) target_semaphore(%run_scoped3A_1527 : memref<!tpu.dma_semaphore, #tpu.memory_space<semaphore_mem>>)
      %dma_wait3A = tpu.memref_slice %arg4[%run_scoped3A_199, %mul3A_0] : memref<2x8192xf32, #tpu.memory_space<hbm>> -> memref<1x512xf32, #tpu.memory_space<hbm>>
      %dma_wait3A_1531 = tpu.memref_squeeze %dma_wait3A : memref<1x512xf32, #tpu.memory_space<hbm>> -> memref<512xf32, #tpu.memory_space<hbm>>
      %dma_wait3A_1532 = tpu.memref_slice %arg4[%run_scoped3A_199, %mul3A_0] : memref<2x8192xf32, #tpu.memory_space<hbm>> -> memref<1x512xf32, #tpu.memory_space<hbm>>
      %dma_wait3A_1533 = tpu.memref_squeeze %dma_wait3A_1532 : memref<1x512xf32, #tpu.memory_space<hbm>> -> memref<512xf32, #tpu.memory_space<hbm>>
      tpu.wait_dma2 semaphore(%run_scoped3A_1527 : memref<!tpu.dma_semaphore, #tpu.memory_space<semaphore_mem>>) src(%arg9 : memref<512xf32, #tpu.memory_space<vmem>>) dst(%dma_wait3A_1533 : memref<512xf32, #tpu.memory_space<hbm>>)
      tpu.yield
    }) : () -> ()
    %run_scoped3A_200 = arith.constant 1 : i32
    "tpu.region"() ({
      %run_scoped3A_1527 = tpu.sem_alloc : memref<!tpu.dma_semaphore, #tpu.memory_space<semaphore_mem>>
      %dma_start3A = tpu.memref_slice %arg4[%run_scoped3A_200, %mul3A_0] : memref<2x8192xf32, #tpu.memory_space<hbm>> -> memref<1x512xf32, #tpu.memory_space<hbm>>
      %dma_start3A_1528 = tpu.memref_squeeze %dma_start3A : memref<1x512xf32, #tpu.memory_space<hbm>> -> memref<512xf32, #tpu.memory_space<hbm>>
      %dma_start3A_1529 = tpu.memref_slice %arg4[%run_scoped3A_200, %mul3A_0] : memref<2x8192xf32, #tpu.memory_space<hbm>> -> memref<1x512xf32, #tpu.memory_space<hbm>>
      %dma_start3A_1530 = tpu.memref_squeeze %dma_start3A_1529 : memref<1x512xf32, #tpu.memory_space<hbm>> -> memref<512xf32, #tpu.memory_space<hbm>>
      tpu.enqueue_dma source(%arg10 : memref<512xf32, #tpu.memory_space<vmem>>) target(%dma_start3A_1530 : memref<512xf32, #tpu.memory_space<hbm>>) target_semaphore(%run_scoped3A_1527 : memref<!tpu.dma_semaphore, #tpu.memory_space<semaphore_mem>>)
      %dma_wait3A = tpu.memref_slice %arg4[%run_scoped3A_200, %mul3A_0] : memref<2x8192xf32, #tpu.memory_space<hbm>> -> memref<1x512xf32, #tpu.memory_space<hbm>>
      %dma_wait3A_1531 = tpu.memref_squeeze %dma_wait3A : memref<1x512xf32, #tpu.memory_space<hbm>> -> memref<512xf32, #tpu.memory_space<hbm>>
      %dma_wait3A_1532 = tpu.memref_slice %arg4[%run_scoped3A_200, %mul3A_0] : memref<2x8192xf32, #tpu.memory_space<hbm>> -> memref<1x512xf32, #tpu.memory_space<hbm>>
      %dma_wait3A_1533 = tpu.memref_squeeze %dma_wait3A_1532 : memref<1x512xf32, #tpu.memory_space<hbm>> -> memref<512xf32, #tpu.memory_space<hbm>>
      tpu.wait_dma2 semaphore(%run_scoped3A_1527 : memref<!tpu.dma_semaphore, #tpu.memory_space<semaphore_mem>>) src(%arg10 : memref<512xf32, #tpu.memory_space<vmem>>) dst(%dma_wait3A_1533 : memref<512xf32, #tpu.memory_space<hbm>>)
      tpu.yield
    }) : () -> ()
    %iota3A = tpu.iota {dimensions = array<i32: 0>} : vector<16xi32>
    %broadcast_in_dim3A_201 = arith.constant 1.000000e+00 : f32
    %broadcast_in_dim3A_202 = vector.broadcast %broadcast_in_dim3A_201 : f32 to vector<16xf32>
    %broadcast_in_dim3A_203 = arith.constant 0.000000e+00 : f32
    %broadcast_in_dim3A_204 = vector.broadcast %broadcast_in_dim3A_203 : f32 to vector<16xf32>
    %broadcast_in_dim3A_205 = arith.constant 0.000000e+00 : f32
    %broadcast_in_dim3A_206 = vector.broadcast %broadcast_in_dim3A_205 : f32 to vector<16xf32>
    %broadcast_in_dim3A_207 = arith.constant 0.000000e+00 : f32
    %broadcast_in_dim3A_208 = vector.broadcast %broadcast_in_dim3A_207 : f32 to vector<16xf32>
    %eq3A = arith.constant 0 : i32
    %eq3A_209 = vector.broadcast %eq3A : i32 to vector<16xi32>
    %eq3A_210 = arith.cmpi eq, %iota3A, %eq3A_209 : vector<16xi32>
    %select_n3A = arith.select %eq3A_210, %broadcast_in_dim3A_202, %broadcast_in_dim3A_204 : vector<16xi1>, vector<16xf32>
    %get3A = arith.constant 0 : i32
    %get3A_211 = arith.index_cast %get3A : i32 to index
    %get3A_212 = arith.constant 0 : index
    %get3A_213 = tpu.vector_load %arg11[%get3A_211, %get3A_212] {strides = array<i32>} : memref<16x16xf32, #tpu.memory_space<vmem>>, vector<1x16xf32>,
    %get3A_214 = vector.shape_cast %get3A_213 : vector<1x16xf32> to vector<16xf32>
    %iota3A_215 = tpu.iota {dimensions = array<i32: 0>} : vector<16xi32>
    %xor3A = arith.constant 8 : i32
    %xor3A_216 = vector.broadcast %xor3A : i32 to vector<16xi32>
    %xor3A_217 = arith.xori %iota3A_215, %xor3A_216 : vector<16xi32>
    %broadcast_in_dim3A_218 = vector.shape_cast %xor3A_217 : vector<16xi32> to vector<16x1xi32>
    %gather3A = vector.shape_cast %broadcast_in_dim3A_218 : vector<16x1xi32> to vector<16xi32>
    %gather3A_219 = tpu.dynamic_gather %get3A_214[%gather3A] in [0] : vector<16xf32>, vector<16xi32> -> vector<16xf32>
    %add3A = arith.addf %get3A_214, %gather3A_219 : vector<16xf32>
    %iota3A_220 = tpu.iota {dimensions = array<i32: 0>} : vector<16xi32>
    %xor3A_221 = arith.constant 4 : i32
    %xor3A_222 = vector.broadcast %xor3A_221 : i32 to vector<16xi32>
    %xor3A_223 = arith.xori %iota3A_220, %xor3A_222 : vector<16xi32>
    %broadcast_in_dim3A_224 = vector.shape_cast %xor3A_223 : vector<16xi32> to vector<16x1xi32>
    %gather3A_225 = vector.shape_cast %broadcast_in_dim3A_224 : vector<16x1xi32> to vector<16xi32>
    %gather3A_226 = tpu.dynamic_gather %add3A[%gather3A_225] in [0] : vector<16xf32>, vector<16xi32> -> vector<16xf32>
    %add3A_227 = arith.addf %add3A, %gather3A_226 : vector<16xf32>
    %iota3A_228 = tpu.iota {dimensions = array<i32: 0>} : vector<16xi32>
    %xor3A_229 = arith.constant 2 : i32
    %xor3A_230 = vector.broadcast %xor3A_229 : i32 to vector<16xi32>
    %xor3A_231 = arith.xori %iota3A_228, %xor3A_230 : vector<16xi32>
    %broadcast_in_dim3A_232 = vector.shape_cast %xor3A_231 : vector<16xi32> to vector<16x1xi32>
    %gather3A_233 = vector.shape_cast %broadcast_in_dim3A_232 : vector<16x1xi32> to vector<16xi32>
    %gather3A_234 = tpu.dynamic_gather %add3A_227[%gather3A_233] in [0] : vector<16xf32>, vector<16xi32> -> vector<16xf32>
    %add3A_235 = arith.addf %add3A_227, %gather3A_234 : vector<16xf32>
    %iota3A_236 = tpu.iota {dimensions = array<i32: 0>} : vector<16xi32>
    %xor3A_237 = arith.constant 1 : i32
    %xor3A_238 = vector.broadcast %xor3A_237 : i32 to vector<16xi32>
    %xor3A_239 = arith.xori %iota3A_236, %xor3A_238 : vector<16xi32>
    %broadcast_in_dim3A_240 = vector.shape_cast %xor3A_239 : vector<16xi32> to vector<16x1xi32>
    %gather3A_241 = vector.shape_cast %broadcast_in_dim3A_240 : vector<16x1xi32> to vector<16xi32>
    %gather3A_242 = tpu.dynamic_gather %add3A_235[%gather3A_241] in [0] : vector<16xf32>, vector<16xi32> -> vector<16xf32>
    %add3A_243 = arith.addf %add3A_235, %gather3A_242 : vector<16xf32>
    %mul3A_244 = arith.mulf %select_n3A, %add3A_243 : vector<16xf32>
    %add3A_245 = arith.addf %broadcast_in_dim3A_206, %mul3A_244 : vector<16xf32>
    %get3A_246 = arith.constant 0 : i32
    %get3A_247 = arith.index_cast %get3A_246 : i32 to index
    %get3A_248 = arith.constant 0 : index
    %get3A_249 = tpu.vector_load %arg12[%get3A_247, %get3A_248] {strides = array<i32>} : memref<16x16xf32, #tpu.memory_space<vmem>>, vector<1x16xf32>,
    %get3A_250 = vector.shape_cast %get3A_249 : vector<1x16xf32> to vector<16xf32>
    %iota3A_251 = tpu.iota {dimensions = array<i32: 0>} : vector<16xi32>
    %xor3A_252 = arith.constant 8 : i32
    %xor3A_253 = vector.broadcast %xor3A_252 : i32 to vector<16xi32>
    %xor3A_254 = arith.xori %iota3A_251, %xor3A_253 : vector<16xi32>
    %broadcast_in_dim3A_255 = vector.shape_cast %xor3A_254 : vector<16xi32> to vector<16x1xi32>
    %gather3A_256 = vector.shape_cast %broadcast_in_dim3A_255 : vector<16x1xi32> to vector<16xi32>
    %gather3A_257 = tpu.dynamic_gather %get3A_250[%gather3A_256] in [0] : vector<16xf32>, vector<16xi32> -> vector<16xf32>
    %add3A_258 = arith.addf %get3A_250, %gather3A_257 : vector<16xf32>
    %iota3A_259 = tpu.iota {dimensions = array<i32: 0>} : vector<16xi32>
    %xor3A_260 = arith.constant 4 : i32
    %xor3A_261 = vector.broadcast %xor3A_260 : i32 to vector<16xi32>
    %xor3A_262 = arith.xori %iota3A_259, %xor3A_261 : vector<16xi32>
    %broadcast_in_dim3A_263 = vector.shape_cast %xor3A_262 : vector<16xi32> to vector<16x1xi32>
    %gather3A_264 = vector.shape_cast %broadcast_in_dim3A_263 : vector<16x1xi32> to vector<16xi32>
    %gather3A_265 = tpu.dynamic_gather %add3A_258[%gather3A_264] in [0] : vector<16xf32>, vector<16xi32> -> vector<16xf32>
    %add3A_266 = arith.addf %add3A_258, %gather3A_265 : vector<16xf32>
    %iota3A_267 = tpu.iota {dimensions = array<i32: 0>} : vector<16xi32>
    %xor3A_268 = arith.constant 2 : i32
    %xor3A_269 = vector.broadcast %xor3A_268 : i32 to vector<16xi32>
    %xor3A_270 = arith.xori %iota3A_267, %xor3A_269 : vector<16xi32>
    %broadcast_in_dim3A_271 = vector.shape_cast %xor3A_270 : vector<16xi32> to vector<16x1xi32>
    %gather3A_272 = vector.shape_cast %broadcast_in_dim3A_271 : vector<16x1xi32> to vector<16xi32>
    %gather3A_273 = tpu.dynamic_gather %add3A_266[%gather3A_272] in [0] : vector<16xf32>, vector<16xi32> -> vector<16xf32>
    %add3A_274 = arith.addf %add3A_266, %gather3A_273 : vector<16xf32>
    %iota3A_275 = tpu.iota {dimensions = array<i32: 0>} : vector<16xi32>
    %xor3A_276 = arith.constant 1 : i32
    %xor3A_277 = vector.broadcast %xor3A_276 : i32 to vector<16xi32>
    %xor3A_278 = arith.xori %iota3A_275, %xor3A_277 : vector<16xi32>
    %broadcast_in_dim3A_279 = vector.shape_cast %xor3A_278 : vector<16xi32> to vector<16x1xi32>
    %gather3A_280 = vector.shape_cast %broadcast_in_dim3A_279 : vector<16x1xi32> to vector<16xi32>
    %gather3A_281 = tpu.dynamic_gather %add3A_274[%gather3A_280] in [0] : vector<16xf32>, vector<16xi32> -> vector<16xf32>
    %add3A_282 = arith.addf %add3A_274, %gather3A_281 : vector<16xf32>
    %mul3A_283 = arith.mulf %select_n3A, %add3A_282 : vector<16xf32>
    %add3A_284 = arith.addf %broadcast_in_dim3A_208, %mul3A_283 : vector<16xf32>
    %eq3A_285 = arith.constant 1 : i32
    %eq3A_286 = vector.broadcast %eq3A_285 : i32 to vector<16xi32>
    %eq3A_287 = arith.cmpi eq, %iota3A, %eq3A_286 : vector<16xi32>
    %select_n3A_288 = arith.select %eq3A_287, %broadcast_in_dim3A_202, %broadcast_in_dim3A_204 : vector<16xi1>, vector<16xf32>
    %get3A_289 = arith.constant 1 : i32
    %get3A_290 = arith.index_cast %get3A_289 : i32 to index
    %get3A_291 = arith.constant 0 : index
    %get3A_292 = tpu.vector_load %arg11[%get3A_290, %get3A_291] {strides = array<i32>} : memref<16x16xf32, #tpu.memory_space<vmem>>, vector<1x16xf32>,
    %get3A_293 = vector.shape_cast %get3A_292 : vector<1x16xf32> to vector<16xf32>
    %iota3A_294 = tpu.iota {dimensions = array<i32: 0>} : vector<16xi32>
    %xor3A_295 = arith.constant 8 : i32
    %xor3A_296 = vector.broadcast %xor3A_295 : i32 to vector<16xi32>
    %xor3A_297 = arith.xori %iota3A_294, %xor3A_296 : vector<16xi32>
    %broadcast_in_dim3A_298 = vector.shape_cast %xor3A_297 : vector<16xi32> to vector<16x1xi32>
    %gather3A_299 = vector.shape_cast %broadcast_in_dim3A_298 : vector<16x1xi32> to vector<16xi32>
    %gather3A_300 = tpu.dynamic_gather %get3A_293[%gather3A_299] in [0] : vector<16xf32>, vector<16xi32> -> vector<16xf32>
    %add3A_301 = arith.addf %get3A_293, %gather3A_300 : vector<16xf32>
    %iota3A_302 = tpu.iota {dimensions = array<i32: 0>} : vector<16xi32>
    %xor3A_303 = arith.constant 4 : i32
    %xor3A_304 = vector.broadcast %xor3A_303 : i32 to vector<16xi32>
    %xor3A_305 = arith.xori %iota3A_302, %xor3A_304 : vector<16xi32>
    %broadcast_in_dim3A_306 = vector.shape_cast %xor3A_305 : vector<16xi32> to vector<16x1xi32>
    %gather3A_307 = vector.shape_cast %broadcast_in_dim3A_306 : vector<16x1xi32> to vector<16xi32>
    %gather3A_308 = tpu.dynamic_gather %add3A_301[%gather3A_307] in [0] : vector<16xf32>, vector<16xi32> -> vector<16xf32>
    %add3A_309 = arith.addf %add3A_301, %gather3A_308 : vector<16xf32>
    %iota3A_310 = tpu.iota {dimensions = array<i32: 0>} : vector<16xi32>
    %xor3A_311 = arith.constant 2 : i32
    %xor3A_312 = vector.broadcast %xor3A_311 : i32 to vector<16xi32>
    %xor3A_313 = arith.xori %iota3A_310, %xor3A_312 : vector<16xi32>
    %broadcast_in_dim3A_314 = vector.shape_cast %xor3A_313 : vector<16xi32> to vector<16x1xi32>
    %gather3A_315 = vector.shape_cast %broadcast_in_dim3A_314 : vector<16x1xi32> to vector<16xi32>
    %gather3A_316 = tpu.dynamic_gather %add3A_309[%gather3A_315] in [0] : vector<16xf32>, vector<16xi32> -> vector<16xf32>
    %add3A_317 = arith.addf %add3A_309, %gather3A_316 : vector<16xf32>
    %iota3A_318 = tpu.iota {dimensions = array<i32: 0>} : vector<16xi32>
    %xor3A_319 = arith.constant 1 : i32
    %xor3A_320 = vector.broadcast %xor3A_319 : i32 to vector<16xi32>
    %xor3A_321 = arith.xori %iota3A_318, %xor3A_320 : vector<16xi32>
    %broadcast_in_dim3A_322 = vector.shape_cast %xor3A_321 : vector<16xi32> to vector<16x1xi32>
    %gather3A_323 = vector.shape_cast %broadcast_in_dim3A_322 : vector<16x1xi32> to vector<16xi32>
    %gather3A_324 = tpu.dynamic_gather %add3A_317[%gather3A_323] in [0] : vector<16xf32>, vector<16xi32> -> vector<16xf32>
    %add3A_325 = arith.addf %add3A_317, %gather3A_324 : vector<16xf32>
    %mul3A_326 = arith.mulf %select_n3A_288, %add3A_325 : vector<16xf32>
    %add3A_327 = arith.addf %add3A_245, %mul3A_326 : vector<16xf32>
    %get3A_328 = arith.constant 1 : i32
    %get3A_329 = arith.index_cast %get3A_328 : i32 to index
    %get3A_330 = arith.constant 0 : index
    %get3A_331 = tpu.vector_load %arg12[%get3A_329, %get3A_330] {strides = array<i32>} : memref<16x16xf32, #tpu.memory_space<vmem>>, vector<1x16xf32>,
    %get3A_332 = vector.shape_cast %get3A_331 : vector<1x16xf32> to vector<16xf32>
    %iota3A_333 = tpu.iota {dimensions = array<i32: 0>} : vector<16xi32>
    %xor3A_334 = arith.constant 8 : i32
    %xor3A_335 = vector.broadcast %xor3A_334 : i32 to vector<16xi32>
    %xor3A_336 = arith.xori %iota3A_333, %xor3A_335 : vector<16xi32>
    %broadcast_in_dim3A_337 = vector.shape_cast %xor3A_336 : vector<16xi32> to vector<16x1xi32>
    %gather3A_338 = vector.shape_cast %broadcast_in_dim3A_337 : vector<16x1xi32> to vector<16xi32>
    %gather3A_339 = tpu.dynamic_gather %get3A_332[%gather3A_338] in [0] : vector<16xf32>, vector<16xi32> -> vector<16xf32>
    %add3A_340 = arith.addf %get3A_332, %gather3A_339 : vector<16xf32>
    %iota3A_341 = tpu.iota {dimensions = array<i32: 0>} : vector<16xi32>
    %xor3A_342 = arith.constant 4 : i32
    %xor3A_343 = vector.broadcast %xor3A_342 : i32 to vector<16xi32>
    %xor3A_344 = arith.xori %iota3A_341, %xor3A_343 : vector<16xi32>
    %broadcast_in_dim3A_345 = vector.shape_cast %xor3A_344 : vector<16xi32> to vector<16x1xi32>
    %gather3A_346 = vector.shape_cast %broadcast_in_dim3A_345 : vector<16x1xi32> to vector<16xi32>
    %gather3A_347 = tpu.dynamic_gather %add3A_340[%gather3A_346] in [0] : vector<16xf32>, vector<16xi32> -> vector<16xf32>
    %add3A_348 = arith.addf %add3A_340, %gather3A_347 : vector<16xf32>
    %iota3A_349 = tpu.iota {dimensions = array<i32: 0>} : vector<16xi32>
    %xor3A_350 = arith.constant 2 : i32
    %xor3A_351 = vector.broadcast %xor3A_350 : i32 to vector<16xi32>
    %xor3A_352 = arith.xori %iota3A_349, %xor3A_351 : vector<16xi32>
    %broadcast_in_dim3A_353 = vector.shape_cast %xor3A_352 : vector<16xi32> to vector<16x1xi32>
    %gather3A_354 = vector.shape_cast %broadcast_in_dim3A_353 : vector<16x1xi32> to vector<16xi32>
    %gather3A_355 = tpu.dynamic_gather %add3A_348[%gather3A_354] in [0] : vector<16xf32>, vector<16xi32> -> vector<16xf32>
    %add3A_356 = arith.addf %add3A_348, %gather3A_355 : vector<16xf32>
    %iota3A_357 = tpu.iota {dimensions = array<i32: 0>} : vector<16xi32>
    %xor3A_358 = arith.constant 1 : i32
    %xor3A_359 = vector.broadcast %xor3A_358 : i32 to vector<16xi32>
    %xor3A_360 = arith.xori %iota3A_357, %xor3A_359 : vector<16xi32>
    %broadcast_in_dim3A_361 = vector.shape_cast %xor3A_360 : vector<16xi32> to vector<16x1xi32>
    %gather3A_362 = vector.shape_cast %broadcast_in_dim3A_361 : vector<16x1xi32> to vector<16xi32>
    %gather3A_363 = tpu.dynamic_gather %add3A_356[%gather3A_362] in [0] : vector<16xf32>, vector<16xi32> -> vector<16xf32>
    %add3A_364 = arith.addf %add3A_356, %gather3A_363 : vector<16xf32>
    %mul3A_365 = arith.mulf %select_n3A_288, %add3A_364 : vector<16xf32>
    %add3A_366 = arith.addf %add3A_284, %mul3A_365 : vector<16xf32>
    %eq3A_367 = arith.constant 2 : i32
    %eq3A_368 = vector.broadcast %eq3A_367 : i32 to vector<16xi32>
    %eq3A_369 = arith.cmpi eq, %iota3A, %eq3A_368 : vector<16xi32>
    %select_n3A_370 = arith.select %eq3A_369, %broadcast_in_dim3A_202, %broadcast_in_dim3A_204 : vector<16xi1>, vector<16xf32>
    %get3A_371 = arith.constant 2 : i32
    %get3A_372 = arith.index_cast %get3A_371 : i32 to index
    %get3A_373 = arith.constant 0 : index
    %get3A_374 = tpu.vector_load %arg11[%get3A_372, %get3A_373] {strides = array<i32>} : memref<16x16xf32, #tpu.memory_space<vmem>>, vector<1x16xf32>,
    %get3A_375 = vector.shape_cast %get3A_374 : vector<1x16xf32> to vector<16xf32>
    %iota3A_376 = tpu.iota {dimensions = array<i32: 0>} : vector<16xi32>
    %xor3A_377 = arith.constant 8 : i32
    %xor3A_378 = vector.broadcast %xor3A_377 : i32 to vector<16xi32>
    %xor3A_379 = arith.xori %iota3A_376, %xor3A_378 : vector<16xi32>
    %broadcast_in_dim3A_380 = vector.shape_cast %xor3A_379 : vector<16xi32> to vector<16x1xi32>
    %gather3A_381 = vector.shape_cast %broadcast_in_dim3A_380 : vector<16x1xi32> to vector<16xi32>
    %gather3A_382 = tpu.dynamic_gather %get3A_375[%gather3A_381] in [0] : vector<16xf32>, vector<16xi32> -> vector<16xf32>
    %add3A_383 = arith.addf %get3A_375, %gather3A_382 : vector<16xf32>
    %iota3A_384 = tpu.iota {dimensions = array<i32: 0>} : vector<16xi32>
    %xor3A_385 = arith.constant 4 : i32
    %xor3A_386 = vector.broadcast %xor3A_385 : i32 to vector<16xi32>
    %xor3A_387 = arith.xori %iota3A_384, %xor3A_386 : vector<16xi32>
    %broadcast_in_dim3A_388 = vector.shape_cast %xor3A_387 : vector<16xi32> to vector<16x1xi32>
    %gather3A_389 = vector.shape_cast %broadcast_in_dim3A_388 : vector<16x1xi32> to vector<16xi32>
    %gather3A_390 = tpu.dynamic_gather %add3A_383[%gather3A_389] in [0] : vector<16xf32>, vector<16xi32> -> vector<16xf32>
    %add3A_391 = arith.addf %add3A_383, %gather3A_390 : vector<16xf32>
    %iota3A_392 = tpu.iota {dimensions = array<i32: 0>} : vector<16xi32>
    %xor3A_393 = arith.constant 2 : i32
    %xor3A_394 = vector.broadcast %xor3A_393 : i32 to vector<16xi32>
    %xor3A_395 = arith.xori %iota3A_392, %xor3A_394 : vector<16xi32>
    %broadcast_in_dim3A_396 = vector.shape_cast %xor3A_395 : vector<16xi32> to vector<16x1xi32>
    %gather3A_397 = vector.shape_cast %broadcast_in_dim3A_396 : vector<16x1xi32> to vector<16xi32>
    %gather3A_398 = tpu.dynamic_gather %add3A_391[%gather3A_397] in [0] : vector<16xf32>, vector<16xi32> -> vector<16xf32>
    %add3A_399 = arith.addf %add3A_391, %gather3A_398 : vector<16xf32>
    %iota3A_400 = tpu.iota {dimensions = array<i32: 0>} : vector<16xi32>
    %xor3A_401 = arith.constant 1 : i32
    %xor3A_402 = vector.broadcast %xor3A_401 : i32 to vector<16xi32>
    %xor3A_403 = arith.xori %iota3A_400, %xor3A_402 : vector<16xi32>
    %broadcast_in_dim3A_404 = vector.shape_cast %xor3A_403 : vector<16xi32> to vector<16x1xi32>
    %gather3A_405 = vector.shape_cast %broadcast_in_dim3A_404 : vector<16x1xi32> to vector<16xi32>
    %gather3A_406 = tpu.dynamic_gather %add3A_399[%gather3A_405] in [0] : vector<16xf32>, vector<16xi32> -> vector<16xf32>
    %add3A_407 = arith.addf %add3A_399, %gather3A_406 : vector<16xf32>
    %mul3A_408 = arith.mulf %select_n3A_370, %add3A_407 : vector<16xf32>
    %add3A_409 = arith.addf %add3A_327, %mul3A_408 : vector<16xf32>
    %get3A_410 = arith.constant 2 : i32
    %get3A_411 = arith.index_cast %get3A_410 : i32 to index
    %get3A_412 = arith.constant 0 : index
    %get3A_413 = tpu.vector_load %arg12[%get3A_411, %get3A_412] {strides = array<i32>} : memref<16x16xf32, #tpu.memory_space<vmem>>, vector<1x16xf32>,
    %get3A_414 = vector.shape_cast %get3A_413 : vector<1x16xf32> to vector<16xf32>
    %iota3A_415 = tpu.iota {dimensions = array<i32: 0>} : vector<16xi32>
    %xor3A_416 = arith.constant 8 : i32
    %xor3A_417 = vector.broadcast %xor3A_416 : i32 to vector<16xi32>
    %xor3A_418 = arith.xori %iota3A_415, %xor3A_417 : vector<16xi32>
    %broadcast_in_dim3A_419 = vector.shape_cast %xor3A_418 : vector<16xi32> to vector<16x1xi32>
    %gather3A_420 = vector.shape_cast %broadcast_in_dim3A_419 : vector<16x1xi32> to vector<16xi32>
    %gather3A_421 = tpu.dynamic_gather %get3A_414[%gather3A_420] in [0] : vector<16xf32>, vector<16xi32> -> vector<16xf32>
    %add3A_422 = arith.addf %get3A_414, %gather3A_421 : vector<16xf32>
    %iota3A_423 = tpu.iota {dimensions = array<i32: 0>} : vector<16xi32>
    %xor3A_424 = arith.constant 4 : i32
    %xor3A_425 = vector.broadcast %xor3A_424 : i32 to vector<16xi32>
    %xor3A_426 = arith.xori %iota3A_423, %xor3A_425 : vector<16xi32>
    %broadcast_in_dim3A_427 = vector.shape_cast %xor3A_426 : vector<16xi32> to vector<16x1xi32>
    %gather3A_428 = vector.shape_cast %broadcast_in_dim3A_427 : vector<16x1xi32> to vector<16xi32>
    %gather3A_429 = tpu.dynamic_gather %add3A_422[%gather3A_428] in [0] : vector<16xf32>, vector<16xi32> -> vector<16xf32>
    %add3A_430 = arith.addf %add3A_422, %gather3A_429 : vector<16xf32>
    %iota3A_431 = tpu.iota {dimensions = array<i32: 0>} : vector<16xi32>
    %xor3A_432 = arith.constant 2 : i32
    %xor3A_433 = vector.broadcast %xor3A_432 : i32 to vector<16xi32>
    %xor3A_434 = arith.xori %iota3A_431, %xor3A_433 : vector<16xi32>
    %broadcast_in_dim3A_435 = vector.shape_cast %xor3A_434 : vector<16xi32> to vector<16x1xi32>
    %gather3A_436 = vector.shape_cast %broadcast_in_dim3A_435 : vector<16x1xi32> to vector<16xi32>
    %gather3A_437 = tpu.dynamic_gather %add3A_430[%gather3A_436] in [0] : vector<16xf32>, vector<16xi32> -> vector<16xf32>
    %add3A_438 = arith.addf %add3A_430, %gather3A_437 : vector<16xf32>
    %iota3A_439 = tpu.iota {dimensions = array<i32: 0>} : vector<16xi32>
    %xor3A_440 = arith.constant 1 : i32
    %xor3A_441 = vector.broadcast %xor3A_440 : i32 to vector<16xi32>
    %xor3A_442 = arith.xori %iota3A_439, %xor3A_441 : vector<16xi32>
    %broadcast_in_dim3A_443 = vector.shape_cast %xor3A_442 : vector<16xi32> to vector<16x1xi32>
    %gather3A_444 = vector.shape_cast %broadcast_in_dim3A_443 : vector<16x1xi32> to vector<16xi32>
    %gather3A_445 = tpu.dynamic_gather %add3A_438[%gather3A_444] in [0] : vector<16xf32>, vector<16xi32> -> vector<16xf32>
    %add3A_446 = arith.addf %add3A_438, %gather3A_445 : vector<16xf32>
    %mul3A_447 = arith.mulf %select_n3A_370, %add3A_446 : vector<16xf32>
    %add3A_448 = arith.addf %add3A_366, %mul3A_447 : vector<16xf32>
    %eq3A_449 = arith.constant 3 : i32
    %eq3A_450 = vector.broadcast %eq3A_449 : i32 to vector<16xi32>
    %eq3A_451 = arith.cmpi eq, %iota3A, %eq3A_450 : vector<16xi32>
    %select_n3A_452 = arith.select %eq3A_451, %broadcast_in_dim3A_202, %broadcast_in_dim3A_204 : vector<16xi1>, vector<16xf32>
    %get3A_453 = arith.constant 3 : i32
    %get3A_454 = arith.index_cast %get3A_453 : i32 to index
    %get3A_455 = arith.constant 0 : index
    %get3A_456 = tpu.vector_load %arg11[%get3A_454, %get3A_455] {strides = array<i32>} : memref<16x16xf32, #tpu.memory_space<vmem>>, vector<1x16xf32>,
    %get3A_457 = vector.shape_cast %get3A_456 : vector<1x16xf32> to vector<16xf32>
    %iota3A_458 = tpu.iota {dimensions = array<i32: 0>} : vector<16xi32>
    %xor3A_459 = arith.constant 8 : i32
    %xor3A_460 = vector.broadcast %xor3A_459 : i32 to vector<16xi32>
    %xor3A_461 = arith.xori %iota3A_458, %xor3A_460 : vector<16xi32>
    %broadcast_in_dim3A_462 = vector.shape_cast %xor3A_461 : vector<16xi32> to vector<16x1xi32>
    %gather3A_463 = vector.shape_cast %broadcast_in_dim3A_462 : vector<16x1xi32> to vector<16xi32>
    %gather3A_464 = tpu.dynamic_gather %get3A_457[%gather3A_463] in [0] : vector<16xf32>, vector<16xi32> -> vector<16xf32>
    %add3A_465 = arith.addf %get3A_457, %gather3A_464 : vector<16xf32>
    %iota3A_466 = tpu.iota {dimensions = array<i32: 0>} : vector<16xi32>
    %xor3A_467 = arith.constant 4 : i32
    %xor3A_468 = vector.broadcast %xor3A_467 : i32 to vector<16xi32>
    %xor3A_469 = arith.xori %iota3A_466, %xor3A_468 : vector<16xi32>
    %broadcast_in_dim3A_470 = vector.shape_cast %xor3A_469 : vector<16xi32> to vector<16x1xi32>
    %gather3A_471 = vector.shape_cast %broadcast_in_dim3A_470 : vector<16x1xi32> to vector<16xi32>
    %gather3A_472 = tpu.dynamic_gather %add3A_465[%gather3A_471] in [0] : vector<16xf32>, vector<16xi32> -> vector<16xf32>
    %add3A_473 = arith.addf %add3A_465, %gather3A_472 : vector<16xf32>
    %iota3A_474 = tpu.iota {dimensions = array<i32: 0>} : vector<16xi32>
    %xor3A_475 = arith.constant 2 : i32
    %xor3A_476 = vector.broadcast %xor3A_475 : i32 to vector<16xi32>
    %xor3A_477 = arith.xori %iota3A_474, %xor3A_476 : vector<16xi32>
    %broadcast_in_dim3A_478 = vector.shape_cast %xor3A_477 : vector<16xi32> to vector<16x1xi32>
    %gather3A_479 = vector.shape_cast %broadcast_in_dim3A_478 : vector<16x1xi32> to vector<16xi32>
    %gather3A_480 = tpu.dynamic_gather %add3A_473[%gather3A_479] in [0] : vector<16xf32>, vector<16xi32> -> vector<16xf32>
    %add3A_481 = arith.addf %add3A_473, %gather3A_480 : vector<16xf32>
    %iota3A_482 = tpu.iota {dimensions = array<i32: 0>} : vector<16xi32>
    %xor3A_483 = arith.constant 1 : i32
    %xor3A_484 = vector.broadcast %xor3A_483 : i32 to vector<16xi32>
    %xor3A_485 = arith.xori %iota3A_482, %xor3A_484 : vector<16xi32>
    %broadcast_in_dim3A_486 = vector.shape_cast %xor3A_485 : vector<16xi32> to vector<16x1xi32>
    %gather3A_487 = vector.shape_cast %broadcast_in_dim3A_486 : vector<16x1xi32> to vector<16xi32>
    %gather3A_488 = tpu.dynamic_gather %add3A_481[%gather3A_487] in [0] : vector<16xf32>, vector<16xi32> -> vector<16xf32>
    %add3A_489 = arith.addf %add3A_481, %gather3A_488 : vector<16xf32>
    %mul3A_490 = arith.mulf %select_n3A_452, %add3A_489 : vector<16xf32>
    %add3A_491 = arith.addf %add3A_409, %mul3A_490 : vector<16xf32>
    %get3A_492 = arith.constant 3 : i32
    %get3A_493 = arith.index_cast %get3A_492 : i32 to index
    %get3A_494 = arith.constant 0 : index
    %get3A_495 = tpu.vector_load %arg12[%get3A_493, %get3A_494] {strides = array<i32>} : memref<16x16xf32, #tpu.memory_space<vmem>>, vector<1x16xf32>,
    %get3A_496 = vector.shape_cast %get3A_495 : vector<1x16xf32> to vector<16xf32>
    %iota3A_497 = tpu.iota {dimensions = array<i32: 0>} : vector<16xi32>
    %xor3A_498 = arith.constant 8 : i32
    %xor3A_499 = vector.broadcast %xor3A_498 : i32 to vector<16xi32>
    %xor3A_500 = arith.xori %iota3A_497, %xor3A_499 : vector<16xi32>
    %broadcast_in_dim3A_501 = vector.shape_cast %xor3A_500 : vector<16xi32> to vector<16x1xi32>
    %gather3A_502 = vector.shape_cast %broadcast_in_dim3A_501 : vector<16x1xi32> to vector<16xi32>
    %gather3A_503 = tpu.dynamic_gather %get3A_496[%gather3A_502] in [0] : vector<16xf32>, vector<16xi32> -> vector<16xf32>
    %add3A_504 = arith.addf %get3A_496, %gather3A_503 : vector<16xf32>
    %iota3A_505 = tpu.iota {dimensions = array<i32: 0>} : vector<16xi32>
    %xor3A_506 = arith.constant 4 : i32
    %xor3A_507 = vector.broadcast %xor3A_506 : i32 to vector<16xi32>
    %xor3A_508 = arith.xori %iota3A_505, %xor3A_507 : vector<16xi32>
    %broadcast_in_dim3A_509 = vector.shape_cast %xor3A_508 : vector<16xi32> to vector<16x1xi32>
    %gather3A_510 = vector.shape_cast %broadcast_in_dim3A_509 : vector<16x1xi32> to vector<16xi32>
    %gather3A_511 = tpu.dynamic_gather %add3A_504[%gather3A_510] in [0] : vector<16xf32>, vector<16xi32> -> vector<16xf32>
    %add3A_512 = arith.addf %add3A_504, %gather3A_511 : vector<16xf32>
    %iota3A_513 = tpu.iota {dimensions = array<i32: 0>} : vector<16xi32>
    %xor3A_514 = arith.constant 2 : i32
    %xor3A_515 = vector.broadcast %xor3A_514 : i32 to vector<16xi32>
    %xor3A_516 = arith.xori %iota3A_513, %xor3A_515 : vector<16xi32>
    %broadcast_in_dim3A_517 = vector.shape_cast %xor3A_516 : vector<16xi32> to vector<16x1xi32>
    %gather3A_518 = vector.shape_cast %broadcast_in_dim3A_517 : vector<16x1xi32> to vector<16xi32>
    %gather3A_519 = tpu.dynamic_gather %add3A_512[%gather3A_518] in [0] : vector<16xf32>, vector<16xi32> -> vector<16xf32>
    %add3A_520 = arith.addf %add3A_512, %gather3A_519 : vector<16xf32>
    %iota3A_521 = tpu.iota {dimensions = array<i32: 0>} : vector<16xi32>
    %xor3A_522 = arith.constant 1 : i32
    %xor3A_523 = vector.broadcast %xor3A_522 : i32 to vector<16xi32>
    %xor3A_524 = arith.xori %iota3A_521, %xor3A_523 : vector<16xi32>
    %broadcast_in_dim3A_525 = vector.shape_cast %xor3A_524 : vector<16xi32> to vector<16x1xi32>
    %gather3A_526 = vector.shape_cast %broadcast_in_dim3A_525 : vector<16x1xi32> to vector<16xi32>
    %gather3A_527 = tpu.dynamic_gather %add3A_520[%gather3A_526] in [0] : vector<16xf32>, vector<16xi32> -> vector<16xf32>
    %add3A_528 = arith.addf %add3A_520, %gather3A_527 : vector<16xf32>
    %mul3A_529 = arith.mulf %select_n3A_452, %add3A_528 : vector<16xf32>
    %add3A_530 = arith.addf %add3A_448, %mul3A_529 : vector<16xf32>
    %eq3A_531 = arith.constant 4 : i32
    %eq3A_532 = vector.broadcast %eq3A_531 : i32 to vector<16xi32>
    %eq3A_533 = arith.cmpi eq, %iota3A, %eq3A_532 : vector<16xi32>
    %select_n3A_534 = arith.select %eq3A_533, %broadcast_in_dim3A_202, %broadcast_in_dim3A_204 : vector<16xi1>, vector<16xf32>
    %get3A_535 = arith.constant 4 : i32
    %get3A_536 = arith.index_cast %get3A_535 : i32 to index
    %get3A_537 = arith.constant 0 : index
    %get3A_538 = tpu.vector_load %arg11[%get3A_536, %get3A_537] {strides = array<i32>} : memref<16x16xf32, #tpu.memory_space<vmem>>, vector<1x16xf32>,
    %get3A_539 = vector.shape_cast %get3A_538 : vector<1x16xf32> to vector<16xf32>
    %iota3A_540 = tpu.iota {dimensions = array<i32: 0>} : vector<16xi32>
    %xor3A_541 = arith.constant 8 : i32
    %xor3A_542 = vector.broadcast %xor3A_541 : i32 to vector<16xi32>
    %xor3A_543 = arith.xori %iota3A_540, %xor3A_542 : vector<16xi32>
    %broadcast_in_dim3A_544 = vector.shape_cast %xor3A_543 : vector<16xi32> to vector<16x1xi32>
    %gather3A_545 = vector.shape_cast %broadcast_in_dim3A_544 : vector<16x1xi32> to vector<16xi32>
    %gather3A_546 = tpu.dynamic_gather %get3A_539[%gather3A_545] in [0] : vector<16xf32>, vector<16xi32> -> vector<16xf32>
    %add3A_547 = arith.addf %get3A_539, %gather3A_546 : vector<16xf32>
    %iota3A_548 = tpu.iota {dimensions = array<i32: 0>} : vector<16xi32>
    %xor3A_549 = arith.constant 4 : i32
    %xor3A_550 = vector.broadcast %xor3A_549 : i32 to vector<16xi32>
    %xor3A_551 = arith.xori %iota3A_548, %xor3A_550 : vector<16xi32>
    %broadcast_in_dim3A_552 = vector.shape_cast %xor3A_551 : vector<16xi32> to vector<16x1xi32>
    %gather3A_553 = vector.shape_cast %broadcast_in_dim3A_552 : vector<16x1xi32> to vector<16xi32>
    %gather3A_554 = tpu.dynamic_gather %add3A_547[%gather3A_553] in [0] : vector<16xf32>, vector<16xi32> -> vector<16xf32>
    %add3A_555 = arith.addf %add3A_547, %gather3A_554 : vector<16xf32>
    %iota3A_556 = tpu.iota {dimensions = array<i32: 0>} : vector<16xi32>
    %xor3A_557 = arith.constant 2 : i32
    %xor3A_558 = vector.broadcast %xor3A_557 : i32 to vector<16xi32>
    %xor3A_559 = arith.xori %iota3A_556, %xor3A_558 : vector<16xi32>
    %broadcast_in_dim3A_560 = vector.shape_cast %xor3A_559 : vector<16xi32> to vector<16x1xi32>
    %gather3A_561 = vector.shape_cast %broadcast_in_dim3A_560 : vector<16x1xi32> to vector<16xi32>
    %gather3A_562 = tpu.dynamic_gather %add3A_555[%gather3A_561] in [0] : vector<16xf32>, vector<16xi32> -> vector<16xf32>
    %add3A_563 = arith.addf %add3A_555, %gather3A_562 : vector<16xf32>
    %iota3A_564 = tpu.iota {dimensions = array<i32: 0>} : vector<16xi32>
    %xor3A_565 = arith.constant 1 : i32
    %xor3A_566 = vector.broadcast %xor3A_565 : i32 to vector<16xi32>
    %xor3A_567 = arith.xori %iota3A_564, %xor3A_566 : vector<16xi32>
    %broadcast_in_dim3A_568 = vector.shape_cast %xor3A_567 : vector<16xi32> to vector<16x1xi32>
    %gather3A_569 = vector.shape_cast %broadcast_in_dim3A_568 : vector<16x1xi32> to vector<16xi32>
    %gather3A_570 = tpu.dynamic_gather %add3A_563[%gather3A_569] in [0] : vector<16xf32>, vector<16xi32> -> vector<16xf32>
    %add3A_571 = arith.addf %add3A_563, %gather3A_570 : vector<16xf32>
    %mul3A_572 = arith.mulf %select_n3A_534, %add3A_571 : vector<16xf32>
    %add3A_573 = arith.addf %add3A_491, %mul3A_572 : vector<16xf32>
    %get3A_574 = arith.constant 4 : i32
    %get3A_575 = arith.index_cast %get3A_574 : i32 to index
    %get3A_576 = arith.constant 0 : index
    %get3A_577 = tpu.vector_load %arg12[%get3A_575, %get3A_576] {strides = array<i32>} : memref<16x16xf32, #tpu.memory_space<vmem>>, vector<1x16xf32>,
    %get3A_578 = vector.shape_cast %get3A_577 : vector<1x16xf32> to vector<16xf32>
    %iota3A_579 = tpu.iota {dimensions = array<i32: 0>} : vector<16xi32>
    %xor3A_580 = arith.constant 8 : i32
    %xor3A_581 = vector.broadcast %xor3A_580 : i32 to vector<16xi32>
    %xor3A_582 = arith.xori %iota3A_579, %xor3A_581 : vector<16xi32>
    %broadcast_in_dim3A_583 = vector.shape_cast %xor3A_582 : vector<16xi32> to vector<16x1xi32>
    %gather3A_584 = vector.shape_cast %broadcast_in_dim3A_583 : vector<16x1xi32> to vector<16xi32>
    %gather3A_585 = tpu.dynamic_gather %get3A_578[%gather3A_584] in [0] : vector<16xf32>, vector<16xi32> -> vector<16xf32>
    %add3A_586 = arith.addf %get3A_578, %gather3A_585 : vector<16xf32>
    %iota3A_587 = tpu.iota {dimensions = array<i32: 0>} : vector<16xi32>
    %xor3A_588 = arith.constant 4 : i32
    %xor3A_589 = vector.broadcast %xor3A_588 : i32 to vector<16xi32>
    %xor3A_590 = arith.xori %iota3A_587, %xor3A_589 : vector<16xi32>
    %broadcast_in_dim3A_591 = vector.shape_cast %xor3A_590 : vector<16xi32> to vector<16x1xi32>
    %gather3A_592 = vector.shape_cast %broadcast_in_dim3A_591 : vector<16x1xi32> to vector<16xi32>
    %gather3A_593 = tpu.dynamic_gather %add3A_586[%gather3A_592] in [0] : vector<16xf32>, vector<16xi32> -> vector<16xf32>
    %add3A_594 = arith.addf %add3A_586, %gather3A_593 : vector<16xf32>
    %iota3A_595 = tpu.iota {dimensions = array<i32: 0>} : vector<16xi32>
    %xor3A_596 = arith.constant 2 : i32
    %xor3A_597 = vector.broadcast %xor3A_596 : i32 to vector<16xi32>
    %xor3A_598 = arith.xori %iota3A_595, %xor3A_597 : vector<16xi32>
    %broadcast_in_dim3A_599 = vector.shape_cast %xor3A_598 : vector<16xi32> to vector<16x1xi32>
    %gather3A_600 = vector.shape_cast %broadcast_in_dim3A_599 : vector<16x1xi32> to vector<16xi32>
    %gather3A_601 = tpu.dynamic_gather %add3A_594[%gather3A_600] in [0] : vector<16xf32>, vector<16xi32> -> vector<16xf32>
    %add3A_602 = arith.addf %add3A_594, %gather3A_601 : vector<16xf32>
    %iota3A_603 = tpu.iota {dimensions = array<i32: 0>} : vector<16xi32>
    %xor3A_604 = arith.constant 1 : i32
    %xor3A_605 = vector.broadcast %xor3A_604 : i32 to vector<16xi32>
    %xor3A_606 = arith.xori %iota3A_603, %xor3A_605 : vector<16xi32>
    %broadcast_in_dim3A_607 = vector.shape_cast %xor3A_606 : vector<16xi32> to vector<16x1xi32>
    %gather3A_608 = vector.shape_cast %broadcast_in_dim3A_607 : vector<16x1xi32> to vector<16xi32>
    %gather3A_609 = tpu.dynamic_gather %add3A_602[%gather3A_608] in [0] : vector<16xf32>, vector<16xi32> -> vector<16xf32>
    %add3A_610 = arith.addf %add3A_602, %gather3A_609 : vector<16xf32>
    %mul3A_611 = arith.mulf %select_n3A_534, %add3A_610 : vector<16xf32>
    %add3A_612 = arith.addf %add3A_530, %mul3A_611 : vector<16xf32>
    %eq3A_613 = arith.constant 5 : i32
    %eq3A_614 = vector.broadcast %eq3A_613 : i32 to vector<16xi32>
    %eq3A_615 = arith.cmpi eq, %iota3A, %eq3A_614 : vector<16xi32>
    %select_n3A_616 = arith.select %eq3A_615, %broadcast_in_dim3A_202, %broadcast_in_dim3A_204 : vector<16xi1>, vector<16xf32>
    %get3A_617 = arith.constant 5 : i32
    %get3A_618 = arith.index_cast %get3A_617 : i32 to index
    %get3A_619 = arith.constant 0 : index
    %get3A_620 = tpu.vector_load %arg11[%get3A_618, %get3A_619] {strides = array<i32>} : memref<16x16xf32, #tpu.memory_space<vmem>>, vector<1x16xf32>,
    %get3A_621 = vector.shape_cast %get3A_620 : vector<1x16xf32> to vector<16xf32>
    %iota3A_622 = tpu.iota {dimensions = array<i32: 0>} : vector<16xi32>
    %xor3A_623 = arith.constant 8 : i32
    %xor3A_624 = vector.broadcast %xor3A_623 : i32 to vector<16xi32>
    %xor3A_625 = arith.xori %iota3A_622, %xor3A_624 : vector<16xi32>
    %broadcast_in_dim3A_626 = vector.shape_cast %xor3A_625 : vector<16xi32> to vector<16x1xi32>
    %gather3A_627 = vector.shape_cast %broadcast_in_dim3A_626 : vector<16x1xi32> to vector<16xi32>
    %gather3A_628 = tpu.dynamic_gather %get3A_621[%gather3A_627] in [0] : vector<16xf32>, vector<16xi32> -> vector<16xf32>
    %add3A_629 = arith.addf %get3A_621, %gather3A_628 : vector<16xf32>
    %iota3A_630 = tpu.iota {dimensions = array<i32: 0>} : vector<16xi32>
    %xor3A_631 = arith.constant 4 : i32
    %xor3A_632 = vector.broadcast %xor3A_631 : i32 to vector<16xi32>
    %xor3A_633 = arith.xori %iota3A_630, %xor3A_632 : vector<16xi32>
    %broadcast_in_dim3A_634 = vector.shape_cast %xor3A_633 : vector<16xi32> to vector<16x1xi32>
    %gather3A_635 = vector.shape_cast %broadcast_in_dim3A_634 : vector<16x1xi32> to vector<16xi32>
    %gather3A_636 = tpu.dynamic_gather %add3A_629[%gather3A_635] in [0] : vector<16xf32>, vector<16xi32> -> vector<16xf32>
    %add3A_637 = arith.addf %add3A_629, %gather3A_636 : vector<16xf32>
    %iota3A_638 = tpu.iota {dimensions = array<i32: 0>} : vector<16xi32>
    %xor3A_639 = arith.constant 2 : i32
    %xor3A_640 = vector.broadcast %xor3A_639 : i32 to vector<16xi32>
    %xor3A_641 = arith.xori %iota3A_638, %xor3A_640 : vector<16xi32>
    %broadcast_in_dim3A_642 = vector.shape_cast %xor3A_641 : vector<16xi32> to vector<16x1xi32>
    %gather3A_643 = vector.shape_cast %broadcast_in_dim3A_642 : vector<16x1xi32> to vector<16xi32>
    %gather3A_644 = tpu.dynamic_gather %add3A_637[%gather3A_643] in [0] : vector<16xf32>, vector<16xi32> -> vector<16xf32>
    %add3A_645 = arith.addf %add3A_637, %gather3A_644 : vector<16xf32>
    %iota3A_646 = tpu.iota {dimensions = array<i32: 0>} : vector<16xi32>
    %xor3A_647 = arith.constant 1 : i32
    %xor3A_648 = vector.broadcast %xor3A_647 : i32 to vector<16xi32>
    %xor3A_649 = arith.xori %iota3A_646, %xor3A_648 : vector<16xi32>
    %broadcast_in_dim3A_650 = vector.shape_cast %xor3A_649 : vector<16xi32> to vector<16x1xi32>
    %gather3A_651 = vector.shape_cast %broadcast_in_dim3A_650 : vector<16x1xi32> to vector<16xi32>
    %gather3A_652 = tpu.dynamic_gather %add3A_645[%gather3A_651] in [0] : vector<16xf32>, vector<16xi32> -> vector<16xf32>
    %add3A_653 = arith.addf %add3A_645, %gather3A_652 : vector<16xf32>
    %mul3A_654 = arith.mulf %select_n3A_616, %add3A_653 : vector<16xf32>
    %add3A_655 = arith.addf %add3A_573, %mul3A_654 : vector<16xf32>
    %get3A_656 = arith.constant 5 : i32
    %get3A_657 = arith.index_cast %get3A_656 : i32 to index
    %get3A_658 = arith.constant 0 : index
    %get3A_659 = tpu.vector_load %arg12[%get3A_657, %get3A_658] {strides = array<i32>} : memref<16x16xf32, #tpu.memory_space<vmem>>, vector<1x16xf32>,
    %get3A_660 = vector.shape_cast %get3A_659 : vector<1x16xf32> to vector<16xf32>
    %iota3A_661 = tpu.iota {dimensions = array<i32: 0>} : vector<16xi32>
    %xor3A_662 = arith.constant 8 : i32
    %xor3A_663 = vector.broadcast %xor3A_662 : i32 to vector<16xi32>
    %xor3A_664 = arith.xori %iota3A_661, %xor3A_663 : vector<16xi32>
    %broadcast_in_dim3A_665 = vector.shape_cast %xor3A_664 : vector<16xi32> to vector<16x1xi32>
    %gather3A_666 = vector.shape_cast %broadcast_in_dim3A_665 : vector<16x1xi32> to vector<16xi32>
    %gather3A_667 = tpu.dynamic_gather %get3A_660[%gather3A_666] in [0] : vector<16xf32>, vector<16xi32> -> vector<16xf32>
    %add3A_668 = arith.addf %get3A_660, %gather3A_667 : vector<16xf32>
    %iota3A_669 = tpu.iota {dimensions = array<i32: 0>} : vector<16xi32>
    %xor3A_670 = arith.constant 4 : i32
    %xor3A_671 = vector.broadcast %xor3A_670 : i32 to vector<16xi32>
    %xor3A_672 = arith.xori %iota3A_669, %xor3A_671 : vector<16xi32>
    %broadcast_in_dim3A_673 = vector.shape_cast %xor3A_672 : vector<16xi32> to vector<16x1xi32>
    %gather3A_674 = vector.shape_cast %broadcast_in_dim3A_673 : vector<16x1xi32> to vector<16xi32>
    %gather3A_675 = tpu.dynamic_gather %add3A_668[%gather3A_674] in [0] : vector<16xf32>, vector<16xi32> -> vector<16xf32>
    %add3A_676 = arith.addf %add3A_668, %gather3A_675 : vector<16xf32>
    %iota3A_677 = tpu.iota {dimensions = array<i32: 0>} : vector<16xi32>
    %xor3A_678 = arith.constant 2 : i32
    %xor3A_679 = vector.broadcast %xor3A_678 : i32 to vector<16xi32>
    %xor3A_680 = arith.xori %iota3A_677, %xor3A_679 : vector<16xi32>
    %broadcast_in_dim3A_681 = vector.shape_cast %xor3A_680 : vector<16xi32> to vector<16x1xi32>
    %gather3A_682 = vector.shape_cast %broadcast_in_dim3A_681 : vector<16x1xi32> to vector<16xi32>
    %gather3A_683 = tpu.dynamic_gather %add3A_676[%gather3A_682] in [0] : vector<16xf32>, vector<16xi32> -> vector<16xf32>
    %add3A_684 = arith.addf %add3A_676, %gather3A_683 : vector<16xf32>
    %iota3A_685 = tpu.iota {dimensions = array<i32: 0>} : vector<16xi32>
    %xor3A_686 = arith.constant 1 : i32
    %xor3A_687 = vector.broadcast %xor3A_686 : i32 to vector<16xi32>
    %xor3A_688 = arith.xori %iota3A_685, %xor3A_687 : vector<16xi32>
    %broadcast_in_dim3A_689 = vector.shape_cast %xor3A_688 : vector<16xi32> to vector<16x1xi32>
    %gather3A_690 = vector.shape_cast %broadcast_in_dim3A_689 : vector<16x1xi32> to vector<16xi32>
    %gather3A_691 = tpu.dynamic_gather %add3A_684[%gather3A_690] in [0] : vector<16xf32>, vector<16xi32> -> vector<16xf32>
    %add3A_692 = arith.addf %add3A_684, %gather3A_691 : vector<16xf32>
    %mul3A_693 = arith.mulf %select_n3A_616, %add3A_692 : vector<16xf32>
    %add3A_694 = arith.addf %add3A_612, %mul3A_693 : vector<16xf32>
    %eq3A_695 = arith.constant 6 : i32
    %eq3A_696 = vector.broadcast %eq3A_695 : i32 to vector<16xi32>
    %eq3A_697 = arith.cmpi eq, %iota3A, %eq3A_696 : vector<16xi32>
    %select_n3A_698 = arith.select %eq3A_697, %broadcast_in_dim3A_202, %broadcast_in_dim3A_204 : vector<16xi1>, vector<16xf32>
    %get3A_699 = arith.constant 6 : i32
    %get3A_700 = arith.index_cast %get3A_699 : i32 to index
    %get3A_701 = arith.constant 0 : index
    %get3A_702 = tpu.vector_load %arg11[%get3A_700, %get3A_701] {strides = array<i32>} : memref<16x16xf32, #tpu.memory_space<vmem>>, vector<1x16xf32>,
    %get3A_703 = vector.shape_cast %get3A_702 : vector<1x16xf32> to vector<16xf32>
    %iota3A_704 = tpu.iota {dimensions = array<i32: 0>} : vector<16xi32>
    %xor3A_705 = arith.constant 8 : i32
    %xor3A_706 = vector.broadcast %xor3A_705 : i32 to vector<16xi32>
    %xor3A_707 = arith.xori %iota3A_704, %xor3A_706 : vector<16xi32>
    %broadcast_in_dim3A_708 = vector.shape_cast %xor3A_707 : vector<16xi32> to vector<16x1xi32>
    %gather3A_709 = vector.shape_cast %broadcast_in_dim3A_708 : vector<16x1xi32> to vector<16xi32>
    %gather3A_710 = tpu.dynamic_gather %get3A_703[%gather3A_709] in [0] : vector<16xf32>, vector<16xi32> -> vector<16xf32>
    %add3A_711 = arith.addf %get3A_703, %gather3A_710 : vector<16xf32>
    %iota3A_712 = tpu.iota {dimensions = array<i32: 0>} : vector<16xi32>
    %xor3A_713 = arith.constant 4 : i32
    %xor3A_714 = vector.broadcast %xor3A_713 : i32 to vector<16xi32>
    %xor3A_715 = arith.xori %iota3A_712, %xor3A_714 : vector<16xi32>
    %broadcast_in_dim3A_716 = vector.shape_cast %xor3A_715 : vector<16xi32> to vector<16x1xi32>
    %gather3A_717 = vector.shape_cast %broadcast_in_dim3A_716 : vector<16x1xi32> to vector<16xi32>
    %gather3A_718 = tpu.dynamic_gather %add3A_711[%gather3A_717] in [0] : vector<16xf32>, vector<16xi32> -> vector<16xf32>
    %add3A_719 = arith.addf %add3A_711, %gather3A_718 : vector<16xf32>
    %iota3A_720 = tpu.iota {dimensions = array<i32: 0>} : vector<16xi32>
    %xor3A_721 = arith.constant 2 : i32
    %xor3A_722 = vector.broadcast %xor3A_721 : i32 to vector<16xi32>
    %xor3A_723 = arith.xori %iota3A_720, %xor3A_722 : vector<16xi32>
    %broadcast_in_dim3A_724 = vector.shape_cast %xor3A_723 : vector<16xi32> to vector<16x1xi32>
    %gather3A_725 = vector.shape_cast %broadcast_in_dim3A_724 : vector<16x1xi32> to vector<16xi32>
    %gather3A_726 = tpu.dynamic_gather %add3A_719[%gather3A_725] in [0] : vector<16xf32>, vector<16xi32> -> vector<16xf32>
    %add3A_727 = arith.addf %add3A_719, %gather3A_726 : vector<16xf32>
    %iota3A_728 = tpu.iota {dimensions = array<i32: 0>} : vector<16xi32>
    %xor3A_729 = arith.constant 1 : i32
    %xor3A_730 = vector.broadcast %xor3A_729 : i32 to vector<16xi32>
    %xor3A_731 = arith.xori %iota3A_728, %xor3A_730 : vector<16xi32>
    %broadcast_in_dim3A_732 = vector.shape_cast %xor3A_731 : vector<16xi32> to vector<16x1xi32>
    %gather3A_733 = vector.shape_cast %broadcast_in_dim3A_732 : vector<16x1xi32> to vector<16xi32>
    %gather3A_734 = tpu.dynamic_gather %add3A_727[%gather3A_733] in [0] : vector<16xf32>, vector<16xi32> -> vector<16xf32>
    %add3A_735 = arith.addf %add3A_727, %gather3A_734 : vector<16xf32>
    %mul3A_736 = arith.mulf %select_n3A_698, %add3A_735 : vector<16xf32>
    %add3A_737 = arith.addf %add3A_655, %mul3A_736 : vector<16xf32>
    %get3A_738 = arith.constant 6 : i32
    %get3A_739 = arith.index_cast %get3A_738 : i32 to index
    %get3A_740 = arith.constant 0 : index
    %get3A_741 = tpu.vector_load %arg12[%get3A_739, %get3A_740] {strides = array<i32>} : memref<16x16xf32, #tpu.memory_space<vmem>>, vector<1x16xf32>,
    %get3A_742 = vector.shape_cast %get3A_741 : vector<1x16xf32> to vector<16xf32>
    %iota3A_743 = tpu.iota {dimensions = array<i32: 0>} : vector<16xi32>
    %xor3A_744 = arith.constant 8 : i32
    %xor3A_745 = vector.broadcast %xor3A_744 : i32 to vector<16xi32>
    %xor3A_746 = arith.xori %iota3A_743, %xor3A_745 : vector<16xi32>
    %broadcast_in_dim3A_747 = vector.shape_cast %xor3A_746 : vector<16xi32> to vector<16x1xi32>
    %gather3A_748 = vector.shape_cast %broadcast_in_dim3A_747 : vector<16x1xi32> to vector<16xi32>
    %gather3A_749 = tpu.dynamic_gather %get3A_742[%gather3A_748] in [0] : vector<16xf32>, vector<16xi32> -> vector<16xf32>
    %add3A_750 = arith.addf %get3A_742, %gather3A_749 : vector<16xf32>
    %iota3A_751 = tpu.iota {dimensions = array<i32: 0>} : vector<16xi32>
    %xor3A_752 = arith.constant 4 : i32
    %xor3A_753 = vector.broadcast %xor3A_752 : i32 to vector<16xi32>
    %xor3A_754 = arith.xori %iota3A_751, %xor3A_753 : vector<16xi32>
    %broadcast_in_dim3A_755 = vector.shape_cast %xor3A_754 : vector<16xi32> to vector<16x1xi32>
    %gather3A_756 = vector.shape_cast %broadcast_in_dim3A_755 : vector<16x1xi32> to vector<16xi32>
    %gather3A_757 = tpu.dynamic_gather %add3A_750[%gather3A_756] in [0] : vector<16xf32>, vector<16xi32> -> vector<16xf32>
    %add3A_758 = arith.addf %add3A_750, %gather3A_757 : vector<16xf32>
    %iota3A_759 = tpu.iota {dimensions = array<i32: 0>} : vector<16xi32>
    %xor3A_760 = arith.constant 2 : i32
    %xor3A_761 = vector.broadcast %xor3A_760 : i32 to vector<16xi32>
    %xor3A_762 = arith.xori %iota3A_759, %xor3A_761 : vector<16xi32>
    %broadcast_in_dim3A_763 = vector.shape_cast %xor3A_762 : vector<16xi32> to vector<16x1xi32>
    %gather3A_764 = vector.shape_cast %broadcast_in_dim3A_763 : vector<16x1xi32> to vector<16xi32>
    %gather3A_765 = tpu.dynamic_gather %add3A_758[%gather3A_764] in [0] : vector<16xf32>, vector<16xi32> -> vector<16xf32>
    %add3A_766 = arith.addf %add3A_758, %gather3A_765 : vector<16xf32>
    %iota3A_767 = tpu.iota {dimensions = array<i32: 0>} : vector<16xi32>
    %xor3A_768 = arith.constant 1 : i32
    %xor3A_769 = vector.broadcast %xor3A_768 : i32 to vector<16xi32>
    %xor3A_770 = arith.xori %iota3A_767, %xor3A_769 : vector<16xi32>
    %broadcast_in_dim3A_771 = vector.shape_cast %xor3A_770 : vector<16xi32> to vector<16x1xi32>
    %gather3A_772 = vector.shape_cast %broadcast_in_dim3A_771 : vector<16x1xi32> to vector<16xi32>
    %gather3A_773 = tpu.dynamic_gather %add3A_766[%gather3A_772] in [0] : vector<16xf32>, vector<16xi32> -> vector<16xf32>
    %add3A_774 = arith.addf %add3A_766, %gather3A_773 : vector<16xf32>
    %mul3A_775 = arith.mulf %select_n3A_698, %add3A_774 : vector<16xf32>
    %add3A_776 = arith.addf %add3A_694, %mul3A_775 : vector<16xf32>
    %eq3A_777 = arith.constant 7 : i32
    %eq3A_778 = vector.broadcast %eq3A_777 : i32 to vector<16xi32>
    %eq3A_779 = arith.cmpi eq, %iota3A, %eq3A_778 : vector<16xi32>
    %select_n3A_780 = arith.select %eq3A_779, %broadcast_in_dim3A_202, %broadcast_in_dim3A_204 : vector<16xi1>, vector<16xf32>
    %get3A_781 = arith.constant 7 : i32
    %get3A_782 = arith.index_cast %get3A_781 : i32 to index
    %get3A_783 = arith.constant 0 : index
    %get3A_784 = tpu.vector_load %arg11[%get3A_782, %get3A_783] {strides = array<i32>} : memref<16x16xf32, #tpu.memory_space<vmem>>, vector<1x16xf32>,
    %get3A_785 = vector.shape_cast %get3A_784 : vector<1x16xf32> to vector<16xf32>
    %iota3A_786 = tpu.iota {dimensions = array<i32: 0>} : vector<16xi32>
    %xor3A_787 = arith.constant 8 : i32
    %xor3A_788 = vector.broadcast %xor3A_787 : i32 to vector<16xi32>
    %xor3A_789 = arith.xori %iota3A_786, %xor3A_788 : vector<16xi32>
    %broadcast_in_dim3A_790 = vector.shape_cast %xor3A_789 : vector<16xi32> to vector<16x1xi32>
    %gather3A_791 = vector.shape_cast %broadcast_in_dim3A_790 : vector<16x1xi32> to vector<16xi32>
    %gather3A_792 = tpu.dynamic_gather %get3A_785[%gather3A_791] in [0] : vector<16xf32>, vector<16xi32> -> vector<16xf32>
    %add3A_793 = arith.addf %get3A_785, %gather3A_792 : vector<16xf32>
    %iota3A_794 = tpu.iota {dimensions = array<i32: 0>} : vector<16xi32>
    %xor3A_795 = arith.constant 4 : i32
    %xor3A_796 = vector.broadcast %xor3A_795 : i32 to vector<16xi32>
    %xor3A_797 = arith.xori %iota3A_794, %xor3A_796 : vector<16xi32>
    %broadcast_in_dim3A_798 = vector.shape_cast %xor3A_797 : vector<16xi32> to vector<16x1xi32>
    %gather3A_799 = vector.shape_cast %broadcast_in_dim3A_798 : vector<16x1xi32> to vector<16xi32>
    %gather3A_800 = tpu.dynamic_gather %add3A_793[%gather3A_799] in [0] : vector<16xf32>, vector<16xi32> -> vector<16xf32>
    %add3A_801 = arith.addf %add3A_793, %gather3A_800 : vector<16xf32>
    %iota3A_802 = tpu.iota {dimensions = array<i32: 0>} : vector<16xi32>
    %xor3A_803 = arith.constant 2 : i32
    %xor3A_804 = vector.broadcast %xor3A_803 : i32 to vector<16xi32>
    %xor3A_805 = arith.xori %iota3A_802, %xor3A_804 : vector<16xi32>
    %broadcast_in_dim3A_806 = vector.shape_cast %xor3A_805 : vector<16xi32> to vector<16x1xi32>
    %gather3A_807 = vector.shape_cast %broadcast_in_dim3A_806 : vector<16x1xi32> to vector<16xi32>
    %gather3A_808 = tpu.dynamic_gather %add3A_801[%gather3A_807] in [0] : vector<16xf32>, vector<16xi32> -> vector<16xf32>
    %add3A_809 = arith.addf %add3A_801, %gather3A_808 : vector<16xf32>
    %iota3A_810 = tpu.iota {dimensions = array<i32: 0>} : vector<16xi32>
    %xor3A_811 = arith.constant 1 : i32
    %xor3A_812 = vector.broadcast %xor3A_811 : i32 to vector<16xi32>
    %xor3A_813 = arith.xori %iota3A_810, %xor3A_812 : vector<16xi32>
    %broadcast_in_dim3A_814 = vector.shape_cast %xor3A_813 : vector<16xi32> to vector<16x1xi32>
    %gather3A_815 = vector.shape_cast %broadcast_in_dim3A_814 : vector<16x1xi32> to vector<16xi32>
    %gather3A_816 = tpu.dynamic_gather %add3A_809[%gather3A_815] in [0] : vector<16xf32>, vector<16xi32> -> vector<16xf32>
    %add3A_817 = arith.addf %add3A_809, %gather3A_816 : vector<16xf32>
    %mul3A_818 = arith.mulf %select_n3A_780, %add3A_817 : vector<16xf32>
    %add3A_819 = arith.addf %add3A_737, %mul3A_818 : vector<16xf32>
    %get3A_820 = arith.constant 7 : i32
    %get3A_821 = arith.index_cast %get3A_820 : i32 to index
    %get3A_822 = arith.constant 0 : index
    %get3A_823 = tpu.vector_load %arg12[%get3A_821, %get3A_822] {strides = array<i32>} : memref<16x16xf32, #tpu.memory_space<vmem>>, vector<1x16xf32>,
    %get3A_824 = vector.shape_cast %get3A_823 : vector<1x16xf32> to vector<16xf32>
    %iota3A_825 = tpu.iota {dimensions = array<i32: 0>} : vector<16xi32>
    %xor3A_826 = arith.constant 8 : i32
    %xor3A_827 = vector.broadcast %xor3A_826 : i32 to vector<16xi32>
    %xor3A_828 = arith.xori %iota3A_825, %xor3A_827 : vector<16xi32>
    %broadcast_in_dim3A_829 = vector.shape_cast %xor3A_828 : vector<16xi32> to vector<16x1xi32>
    %gather3A_830 = vector.shape_cast %broadcast_in_dim3A_829 : vector<16x1xi32> to vector<16xi32>
    %gather3A_831 = tpu.dynamic_gather %get3A_824[%gather3A_830] in [0] : vector<16xf32>, vector<16xi32> -> vector<16xf32>
    %add3A_832 = arith.addf %get3A_824, %gather3A_831 : vector<16xf32>
    %iota3A_833 = tpu.iota {dimensions = array<i32: 0>} : vector<16xi32>
    %xor3A_834 = arith.constant 4 : i32
    %xor3A_835 = vector.broadcast %xor3A_834 : i32 to vector<16xi32>
    %xor3A_836 = arith.xori %iota3A_833, %xor3A_835 : vector<16xi32>
    %broadcast_in_dim3A_837 = vector.shape_cast %xor3A_836 : vector<16xi32> to vector<16x1xi32>
    %gather3A_838 = vector.shape_cast %broadcast_in_dim3A_837 : vector<16x1xi32> to vector<16xi32>
    %gather3A_839 = tpu.dynamic_gather %add3A_832[%gather3A_838] in [0] : vector<16xf32>, vector<16xi32> -> vector<16xf32>
    %add3A_840 = arith.addf %add3A_832, %gather3A_839 : vector<16xf32>
    %iota3A_841 = tpu.iota {dimensions = array<i32: 0>} : vector<16xi32>
    %xor3A_842 = arith.constant 2 : i32
    %xor3A_843 = vector.broadcast %xor3A_842 : i32 to vector<16xi32>
    %xor3A_844 = arith.xori %iota3A_841, %xor3A_843 : vector<16xi32>
    %broadcast_in_dim3A_845 = vector.shape_cast %xor3A_844 : vector<16xi32> to vector<16x1xi32>
    %gather3A_846 = vector.shape_cast %broadcast_in_dim3A_845 : vector<16x1xi32> to vector<16xi32>
    %gather3A_847 = tpu.dynamic_gather %add3A_840[%gather3A_846] in [0] : vector<16xf32>, vector<16xi32> -> vector<16xf32>
    %add3A_848 = arith.addf %add3A_840, %gather3A_847 : vector<16xf32>
    %iota3A_849 = tpu.iota {dimensions = array<i32: 0>} : vector<16xi32>
    %xor3A_850 = arith.constant 1 : i32
    %xor3A_851 = vector.broadcast %xor3A_850 : i32 to vector<16xi32>
    %xor3A_852 = arith.xori %iota3A_849, %xor3A_851 : vector<16xi32>
    %broadcast_in_dim3A_853 = vector.shape_cast %xor3A_852 : vector<16xi32> to vector<16x1xi32>
    %gather3A_854 = vector.shape_cast %broadcast_in_dim3A_853 : vector<16x1xi32> to vector<16xi32>
    %gather3A_855 = tpu.dynamic_gather %add3A_848[%gather3A_854] in [0] : vector<16xf32>, vector<16xi32> -> vector<16xf32>
    %add3A_856 = arith.addf %add3A_848, %gather3A_855 : vector<16xf32>
    %mul3A_857 = arith.mulf %select_n3A_780, %add3A_856 : vector<16xf32>
    %add3A_858 = arith.addf %add3A_776, %mul3A_857 : vector<16xf32>
    %eq3A_859 = arith.constant 8 : i32
    %eq3A_860 = vector.broadcast %eq3A_859 : i32 to vector<16xi32>
    %eq3A_861 = arith.cmpi eq, %iota3A, %eq3A_860 : vector<16xi32>
    %select_n3A_862 = arith.select %eq3A_861, %broadcast_in_dim3A_202, %broadcast_in_dim3A_204 : vector<16xi1>, vector<16xf32>
    %get3A_863 = arith.constant 8 : i32
    %get3A_864 = arith.index_cast %get3A_863 : i32 to index
    %get3A_865 = arith.constant 0 : index
    %get3A_866 = tpu.vector_load %arg11[%get3A_864, %get3A_865] {strides = array<i32>} : memref<16x16xf32, #tpu.memory_space<vmem>>, vector<1x16xf32>,
    %get3A_867 = vector.shape_cast %get3A_866 : vector<1x16xf32> to vector<16xf32>
    %iota3A_868 = tpu.iota {dimensions = array<i32: 0>} : vector<16xi32>
    %xor3A_869 = arith.constant 8 : i32
    %xor3A_870 = vector.broadcast %xor3A_869 : i32 to vector<16xi32>
    %xor3A_871 = arith.xori %iota3A_868, %xor3A_870 : vector<16xi32>
    %broadcast_in_dim3A_872 = vector.shape_cast %xor3A_871 : vector<16xi32> to vector<16x1xi32>
    %gather3A_873 = vector.shape_cast %broadcast_in_dim3A_872 : vector<16x1xi32> to vector<16xi32>
    %gather3A_874 = tpu.dynamic_gather %get3A_867[%gather3A_873] in [0] : vector<16xf32>, vector<16xi32> -> vector<16xf32>
    %add3A_875 = arith.addf %get3A_867, %gather3A_874 : vector<16xf32>
    %iota3A_876 = tpu.iota {dimensions = array<i32: 0>} : vector<16xi32>
    %xor3A_877 = arith.constant 4 : i32
    %xor3A_878 = vector.broadcast %xor3A_877 : i32 to vector<16xi32>
    %xor3A_879 = arith.xori %iota3A_876, %xor3A_878 : vector<16xi32>
    %broadcast_in_dim3A_880 = vector.shape_cast %xor3A_879 : vector<16xi32> to vector<16x1xi32>
    %gather3A_881 = vector.shape_cast %broadcast_in_dim3A_880 : vector<16x1xi32> to vector<16xi32>
    %gather3A_882 = tpu.dynamic_gather %add3A_875[%gather3A_881] in [0] : vector<16xf32>, vector<16xi32> -> vector<16xf32>
    %add3A_883 = arith.addf %add3A_875, %gather3A_882 : vector<16xf32>
    %iota3A_884 = tpu.iota {dimensions = array<i32: 0>} : vector<16xi32>
    %xor3A_885 = arith.constant 2 : i32
    %xor3A_886 = vector.broadcast %xor3A_885 : i32 to vector<16xi32>
    %xor3A_887 = arith.xori %iota3A_884, %xor3A_886 : vector<16xi32>
    %broadcast_in_dim3A_888 = vector.shape_cast %xor3A_887 : vector<16xi32> to vector<16x1xi32>
    %gather3A_889 = vector.shape_cast %broadcast_in_dim3A_888 : vector<16x1xi32> to vector<16xi32>
    %gather3A_890 = tpu.dynamic_gather %add3A_883[%gather3A_889] in [0] : vector<16xf32>, vector<16xi32> -> vector<16xf32>
    %add3A_891 = arith.addf %add3A_883, %gather3A_890 : vector<16xf32>
    %iota3A_892 = tpu.iota {dimensions = array<i32: 0>} : vector<16xi32>
    %xor3A_893 = arith.constant 1 : i32
    %xor3A_894 = vector.broadcast %xor3A_893 : i32 to vector<16xi32>
    %xor3A_895 = arith.xori %iota3A_892, %xor3A_894 : vector<16xi32>
    %broadcast_in_dim3A_896 = vector.shape_cast %xor3A_895 : vector<16xi32> to vector<16x1xi32>
    %gather3A_897 = vector.shape_cast %broadcast_in_dim3A_896 : vector<16x1xi32> to vector<16xi32>
    %gather3A_898 = tpu.dynamic_gather %add3A_891[%gather3A_897] in [0] : vector<16xf32>, vector<16xi32> -> vector<16xf32>
    %add3A_899 = arith.addf %add3A_891, %gather3A_898 : vector<16xf32>
    %mul3A_900 = arith.mulf %select_n3A_862, %add3A_899 : vector<16xf32>
    %add3A_901 = arith.addf %add3A_819, %mul3A_900 : vector<16xf32>
    %get3A_902 = arith.constant 8 : i32
    %get3A_903 = arith.index_cast %get3A_902 : i32 to index
    %get3A_904 = arith.constant 0 : index
    %get3A_905 = tpu.vector_load %arg12[%get3A_903, %get3A_904] {strides = array<i32>} : memref<16x16xf32, #tpu.memory_space<vmem>>, vector<1x16xf32>,
    %get3A_906 = vector.shape_cast %get3A_905 : vector<1x16xf32> to vector<16xf32>
    %iota3A_907 = tpu.iota {dimensions = array<i32: 0>} : vector<16xi32>
    %xor3A_908 = arith.constant 8 : i32
    %xor3A_909 = vector.broadcast %xor3A_908 : i32 to vector<16xi32>
    %xor3A_910 = arith.xori %iota3A_907, %xor3A_909 : vector<16xi32>
    %broadcast_in_dim3A_911 = vector.shape_cast %xor3A_910 : vector<16xi32> to vector<16x1xi32>
    %gather3A_912 = vector.shape_cast %broadcast_in_dim3A_911 : vector<16x1xi32> to vector<16xi32>
    %gather3A_913 = tpu.dynamic_gather %get3A_906[%gather3A_912] in [0] : vector<16xf32>, vector<16xi32> -> vector<16xf32>
    %add3A_914 = arith.addf %get3A_906, %gather3A_913 : vector<16xf32>
    %iota3A_915 = tpu.iota {dimensions = array<i32: 0>} : vector<16xi32>
    %xor3A_916 = arith.constant 4 : i32
    %xor3A_917 = vector.broadcast %xor3A_916 : i32 to vector<16xi32>
    %xor3A_918 = arith.xori %iota3A_915, %xor3A_917 : vector<16xi32>
    %broadcast_in_dim3A_919 = vector.shape_cast %xor3A_918 : vector<16xi32> to vector<16x1xi32>
    %gather3A_920 = vector.shape_cast %broadcast_in_dim3A_919 : vector<16x1xi32> to vector<16xi32>
    %gather3A_921 = tpu.dynamic_gather %add3A_914[%gather3A_920] in [0] : vector<16xf32>, vector<16xi32> -> vector<16xf32>
    %add3A_922 = arith.addf %add3A_914, %gather3A_921 : vector<16xf32>
    %iota3A_923 = tpu.iota {dimensions = array<i32: 0>} : vector<16xi32>
    %xor3A_924 = arith.constant 2 : i32
    %xor3A_925 = vector.broadcast %xor3A_924 : i32 to vector<16xi32>
    %xor3A_926 = arith.xori %iota3A_923, %xor3A_925 : vector<16xi32>
    %broadcast_in_dim3A_927 = vector.shape_cast %xor3A_926 : vector<16xi32> to vector<16x1xi32>
    %gather3A_928 = vector.shape_cast %broadcast_in_dim3A_927 : vector<16x1xi32> to vector<16xi32>
    %gather3A_929 = tpu.dynamic_gather %add3A_922[%gather3A_928] in [0] : vector<16xf32>, vector<16xi32> -> vector<16xf32>
    %add3A_930 = arith.addf %add3A_922, %gather3A_929 : vector<16xf32>
    %iota3A_931 = tpu.iota {dimensions = array<i32: 0>} : vector<16xi32>
    %xor3A_932 = arith.constant 1 : i32
    %xor3A_933 = vector.broadcast %xor3A_932 : i32 to vector<16xi32>
    %xor3A_934 = arith.xori %iota3A_931, %xor3A_933 : vector<16xi32>
    %broadcast_in_dim3A_935 = vector.shape_cast %xor3A_934 : vector<16xi32> to vector<16x1xi32>
    %gather3A_936 = vector.shape_cast %broadcast_in_dim3A_935 : vector<16x1xi32> to vector<16xi32>
    %gather3A_937 = tpu.dynamic_gather %add3A_930[%gather3A_936] in [0] : vector<16xf32>, vector<16xi32> -> vector<16xf32>
    %add3A_938 = arith.addf %add3A_930, %gather3A_937 : vector<16xf32>
    %mul3A_939 = arith.mulf %select_n3A_862, %add3A_938 : vector<16xf32>
    %add3A_940 = arith.addf %add3A_858, %mul3A_939 : vector<16xf32>
    %eq3A_941 = arith.constant 9 : i32
    %eq3A_942 = vector.broadcast %eq3A_941 : i32 to vector<16xi32>
    %eq3A_943 = arith.cmpi eq, %iota3A, %eq3A_942 : vector<16xi32>
    %select_n3A_944 = arith.select %eq3A_943, %broadcast_in_dim3A_202, %broadcast_in_dim3A_204 : vector<16xi1>, vector<16xf32>
    %get3A_945 = arith.constant 9 : i32
    %get3A_946 = arith.index_cast %get3A_945 : i32 to index
    %get3A_947 = arith.constant 0 : index
    %get3A_948 = tpu.vector_load %arg11[%get3A_946, %get3A_947] {strides = array<i32>} : memref<16x16xf32, #tpu.memory_space<vmem>>, vector<1x16xf32>,
    %get3A_949 = vector.shape_cast %get3A_948 : vector<1x16xf32> to vector<16xf32>
    %iota3A_950 = tpu.iota {dimensions = array<i32: 0>} : vector<16xi32>
    %xor3A_951 = arith.constant 8 : i32
    %xor3A_952 = vector.broadcast %xor3A_951 : i32 to vector<16xi32>
    %xor3A_953 = arith.xori %iota3A_950, %xor3A_952 : vector<16xi32>
    %broadcast_in_dim3A_954 = vector.shape_cast %xor3A_953 : vector<16xi32> to vector<16x1xi32>
    %gather3A_955 = vector.shape_cast %broadcast_in_dim3A_954 : vector<16x1xi32> to vector<16xi32>
    %gather3A_956 = tpu.dynamic_gather %get3A_949[%gather3A_955] in [0] : vector<16xf32>, vector<16xi32> -> vector<16xf32>
    %add3A_957 = arith.addf %get3A_949, %gather3A_956 : vector<16xf32>
    %iota3A_958 = tpu.iota {dimensions = array<i32: 0>} : vector<16xi32>
    %xor3A_959 = arith.constant 4 : i32
    %xor3A_960 = vector.broadcast %xor3A_959 : i32 to vector<16xi32>
    %xor3A_961 = arith.xori %iota3A_958, %xor3A_960 : vector<16xi32>
    %broadcast_in_dim3A_962 = vector.shape_cast %xor3A_961 : vector<16xi32> to vector<16x1xi32>
    %gather3A_963 = vector.shape_cast %broadcast_in_dim3A_962 : vector<16x1xi32> to vector<16xi32>
    %gather3A_964 = tpu.dynamic_gather %add3A_957[%gather3A_963] in [0] : vector<16xf32>, vector<16xi32> -> vector<16xf32>
    %add3A_965 = arith.addf %add3A_957, %gather3A_964 : vector<16xf32>
    %iota3A_966 = tpu.iota {dimensions = array<i32: 0>} : vector<16xi32>
    %xor3A_967 = arith.constant 2 : i32
    %xor3A_968 = vector.broadcast %xor3A_967 : i32 to vector<16xi32>
    %xor3A_969 = arith.xori %iota3A_966, %xor3A_968 : vector<16xi32>
    %broadcast_in_dim3A_970 = vector.shape_cast %xor3A_969 : vector<16xi32> to vector<16x1xi32>
    %gather3A_971 = vector.shape_cast %broadcast_in_dim3A_970 : vector<16x1xi32> to vector<16xi32>
    %gather3A_972 = tpu.dynamic_gather %add3A_965[%gather3A_971] in [0] : vector<16xf32>, vector<16xi32> -> vector<16xf32>
    %add3A_973 = arith.addf %add3A_965, %gather3A_972 : vector<16xf32>
    %iota3A_974 = tpu.iota {dimensions = array<i32: 0>} : vector<16xi32>
    %xor3A_975 = arith.constant 1 : i32
    %xor3A_976 = vector.broadcast %xor3A_975 : i32 to vector<16xi32>
    %xor3A_977 = arith.xori %iota3A_974, %xor3A_976 : vector<16xi32>
    %broadcast_in_dim3A_978 = vector.shape_cast %xor3A_977 : vector<16xi32> to vector<16x1xi32>
    %gather3A_979 = vector.shape_cast %broadcast_in_dim3A_978 : vector<16x1xi32> to vector<16xi32>
    %gather3A_980 = tpu.dynamic_gather %add3A_973[%gather3A_979] in [0] : vector<16xf32>, vector<16xi32> -> vector<16xf32>
    %add3A_981 = arith.addf %add3A_973, %gather3A_980 : vector<16xf32>
    %mul3A_982 = arith.mulf %select_n3A_944, %add3A_981 : vector<16xf32>
    %add3A_983 = arith.addf %add3A_901, %mul3A_982 : vector<16xf32>
    %get3A_984 = arith.constant 9 : i32
    %get3A_985 = arith.index_cast %get3A_984 : i32 to index
    %get3A_986 = arith.constant 0 : index
    %get3A_987 = tpu.vector_load %arg12[%get3A_985, %get3A_986] {strides = array<i32>} : memref<16x16xf32, #tpu.memory_space<vmem>>, vector<1x16xf32>,
    %get3A_988 = vector.shape_cast %get3A_987 : vector<1x16xf32> to vector<16xf32>
    %iota3A_989 = tpu.iota {dimensions = array<i32: 0>} : vector<16xi32>
    %xor3A_990 = arith.constant 8 : i32
    %xor3A_991 = vector.broadcast %xor3A_990 : i32 to vector<16xi32>
    %xor3A_992 = arith.xori %iota3A_989, %xor3A_991 : vector<16xi32>
    %broadcast_in_dim3A_993 = vector.shape_cast %xor3A_992 : vector<16xi32> to vector<16x1xi32>
    %gather3A_994 = vector.shape_cast %broadcast_in_dim3A_993 : vector<16x1xi32> to vector<16xi32>
    %gather3A_995 = tpu.dynamic_gather %get3A_988[%gather3A_994] in [0] : vector<16xf32>, vector<16xi32> -> vector<16xf32>
    %add3A_996 = arith.addf %get3A_988, %gather3A_995 : vector<16xf32>
    %iota3A_997 = tpu.iota {dimensions = array<i32: 0>} : vector<16xi32>
    %xor3A_998 = arith.constant 4 : i32
    %xor3A_999 = vector.broadcast %xor3A_998 : i32 to vector<16xi32>
    %xor3A_1000 = arith.xori %iota3A_997, %xor3A_999 : vector<16xi32>
    %broadcast_in_dim3A_1001 = vector.shape_cast %xor3A_1000 : vector<16xi32> to vector<16x1xi32>
    %gather3A_1002 = vector.shape_cast %broadcast_in_dim3A_1001 : vector<16x1xi32> to vector<16xi32>
    %gather3A_1003 = tpu.dynamic_gather %add3A_996[%gather3A_1002] in [0] : vector<16xf32>, vector<16xi32> -> vector<16xf32>
    %add3A_1004 = arith.addf %add3A_996, %gather3A_1003 : vector<16xf32>
    %iota3A_1005 = tpu.iota {dimensions = array<i32: 0>} : vector<16xi32>
    %xor3A_1006 = arith.constant 2 : i32
    %xor3A_1007 = vector.broadcast %xor3A_1006 : i32 to vector<16xi32>
    %xor3A_1008 = arith.xori %iota3A_1005, %xor3A_1007 : vector<16xi32>
    %broadcast_in_dim3A_1009 = vector.shape_cast %xor3A_1008 : vector<16xi32> to vector<16x1xi32>
    %gather3A_1010 = vector.shape_cast %broadcast_in_dim3A_1009 : vector<16x1xi32> to vector<16xi32>
    %gather3A_1011 = tpu.dynamic_gather %add3A_1004[%gather3A_1010] in [0] : vector<16xf32>, vector<16xi32> -> vector<16xf32>
    %add3A_1012 = arith.addf %add3A_1004, %gather3A_1011 : vector<16xf32>
    %iota3A_1013 = tpu.iota {dimensions = array<i32: 0>} : vector<16xi32>
    %xor3A_1014 = arith.constant 1 : i32
    %xor3A_1015 = vector.broadcast %xor3A_1014 : i32 to vector<16xi32>
    %xor3A_1016 = arith.xori %iota3A_1013, %xor3A_1015 : vector<16xi32>
    %broadcast_in_dim3A_1017 = vector.shape_cast %xor3A_1016 : vector<16xi32> to vector<16x1xi32>
    %gather3A_1018 = vector.shape_cast %broadcast_in_dim3A_1017 : vector<16x1xi32> to vector<16xi32>
    %gather3A_1019 = tpu.dynamic_gather %add3A_1012[%gather3A_1018] in [0] : vector<16xf32>, vector<16xi32> -> vector<16xf32>
    %add3A_1020 = arith.addf %add3A_1012, %gather3A_1019 : vector<16xf32>
    %mul3A_1021 = arith.mulf %select_n3A_944, %add3A_1020 : vector<16xf32>
    %add3A_1022 = arith.addf %add3A_940, %mul3A_1021 : vector<16xf32>
    %eq3A_1023 = arith.constant 10 : i32
    %eq3A_1024 = vector.broadcast %eq3A_1023 : i32 to vector<16xi32>
    %eq3A_1025 = arith.cmpi eq, %iota3A, %eq3A_1024 : vector<16xi32>
    %select_n3A_1026 = arith.select %eq3A_1025, %broadcast_in_dim3A_202, %broadcast_in_dim3A_204 : vector<16xi1>, vector<16xf32>
    %get3A_1027 = arith.constant 10 : i32
    %get3A_1028 = arith.index_cast %get3A_1027 : i32 to index
    %get3A_1029 = arith.constant 0 : index
    %get3A_1030 = tpu.vector_load %arg11[%get3A_1028, %get3A_1029] {strides = array<i32>} : memref<16x16xf32, #tpu.memory_space<vmem>>, vector<1x16xf32>,
    %get3A_1031 = vector.shape_cast %get3A_1030 : vector<1x16xf32> to vector<16xf32>
    %iota3A_1032 = tpu.iota {dimensions = array<i32: 0>} : vector<16xi32>
    %xor3A_1033 = arith.constant 8 : i32
    %xor3A_1034 = vector.broadcast %xor3A_1033 : i32 to vector<16xi32>
    %xor3A_1035 = arith.xori %iota3A_1032, %xor3A_1034 : vector<16xi32>
    %broadcast_in_dim3A_1036 = vector.shape_cast %xor3A_1035 : vector<16xi32> to vector<16x1xi32>
    %gather3A_1037 = vector.shape_cast %broadcast_in_dim3A_1036 : vector<16x1xi32> to vector<16xi32>
    %gather3A_1038 = tpu.dynamic_gather %get3A_1031[%gather3A_1037] in [0] : vector<16xf32>, vector<16xi32> -> vector<16xf32>
    %add3A_1039 = arith.addf %get3A_1031, %gather3A_1038 : vector<16xf32>
    %iota3A_1040 = tpu.iota {dimensions = array<i32: 0>} : vector<16xi32>
    %xor3A_1041 = arith.constant 4 : i32
    %xor3A_1042 = vector.broadcast %xor3A_1041 : i32 to vector<16xi32>
    %xor3A_1043 = arith.xori %iota3A_1040, %xor3A_1042 : vector<16xi32>
    %broadcast_in_dim3A_1044 = vector.shape_cast %xor3A_1043 : vector<16xi32> to vector<16x1xi32>
    %gather3A_1045 = vector.shape_cast %broadcast_in_dim3A_1044 : vector<16x1xi32> to vector<16xi32>
    %gather3A_1046 = tpu.dynamic_gather %add3A_1039[%gather3A_1045] in [0] : vector<16xf32>, vector<16xi32> -> vector<16xf32>
    %add3A_1047 = arith.addf %add3A_1039, %gather3A_1046 : vector<16xf32>
    %iota3A_1048 = tpu.iota {dimensions = array<i32: 0>} : vector<16xi32>
    %xor3A_1049 = arith.constant 2 : i32
    %xor3A_1050 = vector.broadcast %xor3A_1049 : i32 to vector<16xi32>
    %xor3A_1051 = arith.xori %iota3A_1048, %xor3A_1050 : vector<16xi32>
    %broadcast_in_dim3A_1052 = vector.shape_cast %xor3A_1051 : vector<16xi32> to vector<16x1xi32>
    %gather3A_1053 = vector.shape_cast %broadcast_in_dim3A_1052 : vector<16x1xi32> to vector<16xi32>
    %gather3A_1054 = tpu.dynamic_gather %add3A_1047[%gather3A_1053] in [0] : vector<16xf32>, vector<16xi32> -> vector<16xf32>
    %add3A_1055 = arith.addf %add3A_1047, %gather3A_1054 : vector<16xf32>
    %iota3A_1056 = tpu.iota {dimensions = array<i32: 0>} : vector<16xi32>
    %xor3A_1057 = arith.constant 1 : i32
    %xor3A_1058 = vector.broadcast %xor3A_1057 : i32 to vector<16xi32>
    %xor3A_1059 = arith.xori %iota3A_1056, %xor3A_1058 : vector<16xi32>
    %broadcast_in_dim3A_1060 = vector.shape_cast %xor3A_1059 : vector<16xi32> to vector<16x1xi32>
    %gather3A_1061 = vector.shape_cast %broadcast_in_dim3A_1060 : vector<16x1xi32> to vector<16xi32>
    %gather3A_1062 = tpu.dynamic_gather %add3A_1055[%gather3A_1061] in [0] : vector<16xf32>, vector<16xi32> -> vector<16xf32>
    %add3A_1063 = arith.addf %add3A_1055, %gather3A_1062 : vector<16xf32>
    %mul3A_1064 = arith.mulf %select_n3A_1026, %add3A_1063 : vector<16xf32>
    %add3A_1065 = arith.addf %add3A_983, %mul3A_1064 : vector<16xf32>
    %get3A_1066 = arith.constant 10 : i32
    %get3A_1067 = arith.index_cast %get3A_1066 : i32 to index
    %get3A_1068 = arith.constant 0 : index
    %get3A_1069 = tpu.vector_load %arg12[%get3A_1067, %get3A_1068] {strides = array<i32>} : memref<16x16xf32, #tpu.memory_space<vmem>>, vector<1x16xf32>,
    %get3A_1070 = vector.shape_cast %get3A_1069 : vector<1x16xf32> to vector<16xf32>
    %iota3A_1071 = tpu.iota {dimensions = array<i32: 0>} : vector<16xi32>
    %xor3A_1072 = arith.constant 8 : i32
    %xor3A_1073 = vector.broadcast %xor3A_1072 : i32 to vector<16xi32>
    %xor3A_1074 = arith.xori %iota3A_1071, %xor3A_1073 : vector<16xi32>
    %broadcast_in_dim3A_1075 = vector.shape_cast %xor3A_1074 : vector<16xi32> to vector<16x1xi32>
    %gather3A_1076 = vector.shape_cast %broadcast_in_dim3A_1075 : vector<16x1xi32> to vector<16xi32>
    %gather3A_1077 = tpu.dynamic_gather %get3A_1070[%gather3A_1076] in [0] : vector<16xf32>, vector<16xi32> -> vector<16xf32>
    %add3A_1078 = arith.addf %get3A_1070, %gather3A_1077 : vector<16xf32>
    %iota3A_1079 = tpu.iota {dimensions = array<i32: 0>} : vector<16xi32>
    %xor3A_1080 = arith.constant 4 : i32
    %xor3A_1081 = vector.broadcast %xor3A_1080 : i32 to vector<16xi32>
    %xor3A_1082 = arith.xori %iota3A_1079, %xor3A_1081 : vector<16xi32>
    %broadcast_in_dim3A_1083 = vector.shape_cast %xor3A_1082 : vector<16xi32> to vector<16x1xi32>
    %gather3A_1084 = vector.shape_cast %broadcast_in_dim3A_1083 : vector<16x1xi32> to vector<16xi32>
    %gather3A_1085 = tpu.dynamic_gather %add3A_1078[%gather3A_1084] in [0] : vector<16xf32>, vector<16xi32> -> vector<16xf32>
    %add3A_1086 = arith.addf %add3A_1078, %gather3A_1085 : vector<16xf32>
    %iota3A_1087 = tpu.iota {dimensions = array<i32: 0>} : vector<16xi32>
    %xor3A_1088 = arith.constant 2 : i32
    %xor3A_1089 = vector.broadcast %xor3A_1088 : i32 to vector<16xi32>
    %xor3A_1090 = arith.xori %iota3A_1087, %xor3A_1089 : vector<16xi32>
    %broadcast_in_dim3A_1091 = vector.shape_cast %xor3A_1090 : vector<16xi32> to vector<16x1xi32>
    %gather3A_1092 = vector.shape_cast %broadcast_in_dim3A_1091 : vector<16x1xi32> to vector<16xi32>
    %gather3A_1093 = tpu.dynamic_gather %add3A_1086[%gather3A_1092] in [0] : vector<16xf32>, vector<16xi32> -> vector<16xf32>
    %add3A_1094 = arith.addf %add3A_1086, %gather3A_1093 : vector<16xf32>
    %iota3A_1095 = tpu.iota {dimensions = array<i32: 0>} : vector<16xi32>
    %xor3A_1096 = arith.constant 1 : i32
    %xor3A_1097 = vector.broadcast %xor3A_1096 : i32 to vector<16xi32>
    %xor3A_1098 = arith.xori %iota3A_1095, %xor3A_1097 : vector<16xi32>
    %broadcast_in_dim3A_1099 = vector.shape_cast %xor3A_1098 : vector<16xi32> to vector<16x1xi32>
    %gather3A_1100 = vector.shape_cast %broadcast_in_dim3A_1099 : vector<16x1xi32> to vector<16xi32>
    %gather3A_1101 = tpu.dynamic_gather %add3A_1094[%gather3A_1100] in [0] : vector<16xf32>, vector<16xi32> -> vector<16xf32>
    %add3A_1102 = arith.addf %add3A_1094, %gather3A_1101 : vector<16xf32>
    %mul3A_1103 = arith.mulf %select_n3A_1026, %add3A_1102 : vector<16xf32>
    %add3A_1104 = arith.addf %add3A_1022, %mul3A_1103 : vector<16xf32>
    %eq3A_1105 = arith.constant 11 : i32
    %eq3A_1106 = vector.broadcast %eq3A_1105 : i32 to vector<16xi32>
    %eq3A_1107 = arith.cmpi eq, %iota3A, %eq3A_1106 : vector<16xi32>
    %select_n3A_1108 = arith.select %eq3A_1107, %broadcast_in_dim3A_202, %broadcast_in_dim3A_204 : vector<16xi1>, vector<16xf32>
    %get3A_1109 = arith.constant 11 : i32
    %get3A_1110 = arith.index_cast %get3A_1109 : i32 to index
    %get3A_1111 = arith.constant 0 : index
    %get3A_1112 = tpu.vector_load %arg11[%get3A_1110, %get3A_1111] {strides = array<i32>} : memref<16x16xf32, #tpu.memory_space<vmem>>, vector<1x16xf32>,
    %get3A_1113 = vector.shape_cast %get3A_1112 : vector<1x16xf32> to vector<16xf32>
    %iota3A_1114 = tpu.iota {dimensions = array<i32: 0>} : vector<16xi32>
    %xor3A_1115 = arith.constant 8 : i32
    %xor3A_1116 = vector.broadcast %xor3A_1115 : i32 to vector<16xi32>
    %xor3A_1117 = arith.xori %iota3A_1114, %xor3A_1116 : vector<16xi32>
    %broadcast_in_dim3A_1118 = vector.shape_cast %xor3A_1117 : vector<16xi32> to vector<16x1xi32>
    %gather3A_1119 = vector.shape_cast %broadcast_in_dim3A_1118 : vector<16x1xi32> to vector<16xi32>
    %gather3A_1120 = tpu.dynamic_gather %get3A_1113[%gather3A_1119] in [0] : vector<16xf32>, vector<16xi32> -> vector<16xf32>
    %add3A_1121 = arith.addf %get3A_1113, %gather3A_1120 : vector<16xf32>
    %iota3A_1122 = tpu.iota {dimensions = array<i32: 0>} : vector<16xi32>
    %xor3A_1123 = arith.constant 4 : i32
    %xor3A_1124 = vector.broadcast %xor3A_1123 : i32 to vector<16xi32>
    %xor3A_1125 = arith.xori %iota3A_1122, %xor3A_1124 : vector<16xi32>
    %broadcast_in_dim3A_1126 = vector.shape_cast %xor3A_1125 : vector<16xi32> to vector<16x1xi32>
    %gather3A_1127 = vector.shape_cast %broadcast_in_dim3A_1126 : vector<16x1xi32> to vector<16xi32>
    %gather3A_1128 = tpu.dynamic_gather %add3A_1121[%gather3A_1127] in [0] : vector<16xf32>, vector<16xi32> -> vector<16xf32>
    %add3A_1129 = arith.addf %add3A_1121, %gather3A_1128 : vector<16xf32>
    %iota3A_1130 = tpu.iota {dimensions = array<i32: 0>} : vector<16xi32>
    %xor3A_1131 = arith.constant 2 : i32
    %xor3A_1132 = vector.broadcast %xor3A_1131 : i32 to vector<16xi32>
    %xor3A_1133 = arith.xori %iota3A_1130, %xor3A_1132 : vector<16xi32>
    %broadcast_in_dim3A_1134 = vector.shape_cast %xor3A_1133 : vector<16xi32> to vector<16x1xi32>
    %gather3A_1135 = vector.shape_cast %broadcast_in_dim3A_1134 : vector<16x1xi32> to vector<16xi32>
    %gather3A_1136 = tpu.dynamic_gather %add3A_1129[%gather3A_1135] in [0] : vector<16xf32>, vector<16xi32> -> vector<16xf32>
    %add3A_1137 = arith.addf %add3A_1129, %gather3A_1136 : vector<16xf32>
    %iota3A_1138 = tpu.iota {dimensions = array<i32: 0>} : vector<16xi32>
    %xor3A_1139 = arith.constant 1 : i32
    %xor3A_1140 = vector.broadcast %xor3A_1139 : i32 to vector<16xi32>
    %xor3A_1141 = arith.xori %iota3A_1138, %xor3A_1140 : vector<16xi32>
    %broadcast_in_dim3A_1142 = vector.shape_cast %xor3A_1141 : vector<16xi32> to vector<16x1xi32>
    %gather3A_1143 = vector.shape_cast %broadcast_in_dim3A_1142 : vector<16x1xi32> to vector<16xi32>
    %gather3A_1144 = tpu.dynamic_gather %add3A_1137[%gather3A_1143] in [0] : vector<16xf32>, vector<16xi32> -> vector<16xf32>
    %add3A_1145 = arith.addf %add3A_1137, %gather3A_1144 : vector<16xf32>
    %mul3A_1146 = arith.mulf %select_n3A_1108, %add3A_1145 : vector<16xf32>
    %add3A_1147 = arith.addf %add3A_1065, %mul3A_1146 : vector<16xf32>
    %get3A_1148 = arith.constant 11 : i32
    %get3A_1149 = arith.index_cast %get3A_1148 : i32 to index
    %get3A_1150 = arith.constant 0 : index
    %get3A_1151 = tpu.vector_load %arg12[%get3A_1149, %get3A_1150] {strides = array<i32>} : memref<16x16xf32, #tpu.memory_space<vmem>>, vector<1x16xf32>,
    %get3A_1152 = vector.shape_cast %get3A_1151 : vector<1x16xf32> to vector<16xf32>
    %iota3A_1153 = tpu.iota {dimensions = array<i32: 0>} : vector<16xi32>
    %xor3A_1154 = arith.constant 8 : i32
    %xor3A_1155 = vector.broadcast %xor3A_1154 : i32 to vector<16xi32>
    %xor3A_1156 = arith.xori %iota3A_1153, %xor3A_1155 : vector<16xi32>
    %broadcast_in_dim3A_1157 = vector.shape_cast %xor3A_1156 : vector<16xi32> to vector<16x1xi32>
    %gather3A_1158 = vector.shape_cast %broadcast_in_dim3A_1157 : vector<16x1xi32> to vector<16xi32>
    %gather3A_1159 = tpu.dynamic_gather %get3A_1152[%gather3A_1158] in [0] : vector<16xf32>, vector<16xi32> -> vector<16xf32>
    %add3A_1160 = arith.addf %get3A_1152, %gather3A_1159 : vector<16xf32>
    %iota3A_1161 = tpu.iota {dimensions = array<i32: 0>} : vector<16xi32>
    %xor3A_1162 = arith.constant 4 : i32
    %xor3A_1163 = vector.broadcast %xor3A_1162 : i32 to vector<16xi32>
    %xor3A_1164 = arith.xori %iota3A_1161, %xor3A_1163 : vector<16xi32>
    %broadcast_in_dim3A_1165 = vector.shape_cast %xor3A_1164 : vector<16xi32> to vector<16x1xi32>
    %gather3A_1166 = vector.shape_cast %broadcast_in_dim3A_1165 : vector<16x1xi32> to vector<16xi32>
    %gather3A_1167 = tpu.dynamic_gather %add3A_1160[%gather3A_1166] in [0] : vector<16xf32>, vector<16xi32> -> vector<16xf32>
    %add3A_1168 = arith.addf %add3A_1160, %gather3A_1167 : vector<16xf32>
    %iota3A_1169 = tpu.iota {dimensions = array<i32: 0>} : vector<16xi32>
    %xor3A_1170 = arith.constant 2 : i32
    %xor3A_1171 = vector.broadcast %xor3A_1170 : i32 to vector<16xi32>
    %xor3A_1172 = arith.xori %iota3A_1169, %xor3A_1171 : vector<16xi32>
    %broadcast_in_dim3A_1173 = vector.shape_cast %xor3A_1172 : vector<16xi32> to vector<16x1xi32>
    %gather3A_1174 = vector.shape_cast %broadcast_in_dim3A_1173 : vector<16x1xi32> to vector<16xi32>
    %gather3A_1175 = tpu.dynamic_gather %add3A_1168[%gather3A_1174] in [0] : vector<16xf32>, vector<16xi32> -> vector<16xf32>
    %add3A_1176 = arith.addf %add3A_1168, %gather3A_1175 : vector<16xf32>
    %iota3A_1177 = tpu.iota {dimensions = array<i32: 0>} : vector<16xi32>
    %xor3A_1178 = arith.constant 1 : i32
    %xor3A_1179 = vector.broadcast %xor3A_1178 : i32 to vector<16xi32>
    %xor3A_1180 = arith.xori %iota3A_1177, %xor3A_1179 : vector<16xi32>
    %broadcast_in_dim3A_1181 = vector.shape_cast %xor3A_1180 : vector<16xi32> to vector<16x1xi32>
    %gather3A_1182 = vector.shape_cast %broadcast_in_dim3A_1181 : vector<16x1xi32> to vector<16xi32>
    %gather3A_1183 = tpu.dynamic_gather %add3A_1176[%gather3A_1182] in [0] : vector<16xf32>, vector<16xi32> -> vector<16xf32>
    %add3A_1184 = arith.addf %add3A_1176, %gather3A_1183 : vector<16xf32>
    %mul3A_1185 = arith.mulf %select_n3A_1108, %add3A_1184 : vector<16xf32>
    %add3A_1186 = arith.addf %add3A_1104, %mul3A_1185 : vector<16xf32>
    %eq3A_1187 = arith.constant 12 : i32
    %eq3A_1188 = vector.broadcast %eq3A_1187 : i32 to vector<16xi32>
    %eq3A_1189 = arith.cmpi eq, %iota3A, %eq3A_1188 : vector<16xi32>
    %select_n3A_1190 = arith.select %eq3A_1189, %broadcast_in_dim3A_202, %broadcast_in_dim3A_204 : vector<16xi1>, vector<16xf32>
    %get3A_1191 = arith.constant 12 : i32
    %get3A_1192 = arith.index_cast %get3A_1191 : i32 to index
    %get3A_1193 = arith.constant 0 : index
    %get3A_1194 = tpu.vector_load %arg11[%get3A_1192, %get3A_1193] {strides = array<i32>} : memref<16x16xf32, #tpu.memory_space<vmem>>, vector<1x16xf32>,
    %get3A_1195 = vector.shape_cast %get3A_1194 : vector<1x16xf32> to vector<16xf32>
    %iota3A_1196 = tpu.iota {dimensions = array<i32: 0>} : vector<16xi32>
    %xor3A_1197 = arith.constant 8 : i32
    %xor3A_1198 = vector.broadcast %xor3A_1197 : i32 to vector<16xi32>
    %xor3A_1199 = arith.xori %iota3A_1196, %xor3A_1198 : vector<16xi32>
    %broadcast_in_dim3A_1200 = vector.shape_cast %xor3A_1199 : vector<16xi32> to vector<16x1xi32>
    %gather3A_1201 = vector.shape_cast %broadcast_in_dim3A_1200 : vector<16x1xi32> to vector<16xi32>
    %gather3A_1202 = tpu.dynamic_gather %get3A_1195[%gather3A_1201] in [0] : vector<16xf32>, vector<16xi32> -> vector<16xf32>
    %add3A_1203 = arith.addf %get3A_1195, %gather3A_1202 : vector<16xf32>
    %iota3A_1204 = tpu.iota {dimensions = array<i32: 0>} : vector<16xi32>
    %xor3A_1205 = arith.constant 4 : i32
    %xor3A_1206 = vector.broadcast %xor3A_1205 : i32 to vector<16xi32>
    %xor3A_1207 = arith.xori %iota3A_1204, %xor3A_1206 : vector<16xi32>
    %broadcast_in_dim3A_1208 = vector.shape_cast %xor3A_1207 : vector<16xi32> to vector<16x1xi32>
    %gather3A_1209 = vector.shape_cast %broadcast_in_dim3A_1208 : vector<16x1xi32> to vector<16xi32>
    %gather3A_1210 = tpu.dynamic_gather %add3A_1203[%gather3A_1209] in [0] : vector<16xf32>, vector<16xi32> -> vector<16xf32>
    %add3A_1211 = arith.addf %add3A_1203, %gather3A_1210 : vector<16xf32>
    %iota3A_1212 = tpu.iota {dimensions = array<i32: 0>} : vector<16xi32>
    %xor3A_1213 = arith.constant 2 : i32
    %xor3A_1214 = vector.broadcast %xor3A_1213 : i32 to vector<16xi32>
    %xor3A_1215 = arith.xori %iota3A_1212, %xor3A_1214 : vector<16xi32>
    %broadcast_in_dim3A_1216 = vector.shape_cast %xor3A_1215 : vector<16xi32> to vector<16x1xi32>
    %gather3A_1217 = vector.shape_cast %broadcast_in_dim3A_1216 : vector<16x1xi32> to vector<16xi32>
    %gather3A_1218 = tpu.dynamic_gather %add3A_1211[%gather3A_1217] in [0] : vector<16xf32>, vector<16xi32> -> vector<16xf32>
    %add3A_1219 = arith.addf %add3A_1211, %gather3A_1218 : vector<16xf32>
    %iota3A_1220 = tpu.iota {dimensions = array<i32: 0>} : vector<16xi32>
    %xor3A_1221 = arith.constant 1 : i32
    %xor3A_1222 = vector.broadcast %xor3A_1221 : i32 to vector<16xi32>
    %xor3A_1223 = arith.xori %iota3A_1220, %xor3A_1222 : vector<16xi32>
    %broadcast_in_dim3A_1224 = vector.shape_cast %xor3A_1223 : vector<16xi32> to vector<16x1xi32>
    %gather3A_1225 = vector.shape_cast %broadcast_in_dim3A_1224 : vector<16x1xi32> to vector<16xi32>
    %gather3A_1226 = tpu.dynamic_gather %add3A_1219[%gather3A_1225] in [0] : vector<16xf32>, vector<16xi32> -> vector<16xf32>
    %add3A_1227 = arith.addf %add3A_1219, %gather3A_1226 : vector<16xf32>
    %mul3A_1228 = arith.mulf %select_n3A_1190, %add3A_1227 : vector<16xf32>
    %add3A_1229 = arith.addf %add3A_1147, %mul3A_1228 : vector<16xf32>
    %get3A_1230 = arith.constant 12 : i32
    %get3A_1231 = arith.index_cast %get3A_1230 : i32 to index
    %get3A_1232 = arith.constant 0 : index
    %get3A_1233 = tpu.vector_load %arg12[%get3A_1231, %get3A_1232] {strides = array<i32>} : memref<16x16xf32, #tpu.memory_space<vmem>>, vector<1x16xf32>,
    %get3A_1234 = vector.shape_cast %get3A_1233 : vector<1x16xf32> to vector<16xf32>
    %iota3A_1235 = tpu.iota {dimensions = array<i32: 0>} : vector<16xi32>
    %xor3A_1236 = arith.constant 8 : i32
    %xor3A_1237 = vector.broadcast %xor3A_1236 : i32 to vector<16xi32>
    %xor3A_1238 = arith.xori %iota3A_1235, %xor3A_1237 : vector<16xi32>
    %broadcast_in_dim3A_1239 = vector.shape_cast %xor3A_1238 : vector<16xi32> to vector<16x1xi32>
    %gather3A_1240 = vector.shape_cast %broadcast_in_dim3A_1239 : vector<16x1xi32> to vector<16xi32>
    %gather3A_1241 = tpu.dynamic_gather %get3A_1234[%gather3A_1240] in [0] : vector<16xf32>, vector<16xi32> -> vector<16xf32>
    %add3A_1242 = arith.addf %get3A_1234, %gather3A_1241 : vector<16xf32>
    %iota3A_1243 = tpu.iota {dimensions = array<i32: 0>} : vector<16xi32>
    %xor3A_1244 = arith.constant 4 : i32
    %xor3A_1245 = vector.broadcast %xor3A_1244 : i32 to vector<16xi32>
    %xor3A_1246 = arith.xori %iota3A_1243, %xor3A_1245 : vector<16xi32>
    %broadcast_in_dim3A_1247 = vector.shape_cast %xor3A_1246 : vector<16xi32> to vector<16x1xi32>
    %gather3A_1248 = vector.shape_cast %broadcast_in_dim3A_1247 : vector<16x1xi32> to vector<16xi32>
    %gather3A_1249 = tpu.dynamic_gather %add3A_1242[%gather3A_1248] in [0] : vector<16xf32>, vector<16xi32> -> vector<16xf32>
    %add3A_1250 = arith.addf %add3A_1242, %gather3A_1249 : vector<16xf32>
    %iota3A_1251 = tpu.iota {dimensions = array<i32: 0>} : vector<16xi32>
    %xor3A_1252 = arith.constant 2 : i32
    %xor3A_1253 = vector.broadcast %xor3A_1252 : i32 to vector<16xi32>
    %xor3A_1254 = arith.xori %iota3A_1251, %xor3A_1253 : vector<16xi32>
    %broadcast_in_dim3A_1255 = vector.shape_cast %xor3A_1254 : vector<16xi32> to vector<16x1xi32>
    %gather3A_1256 = vector.shape_cast %broadcast_in_dim3A_1255 : vector<16x1xi32> to vector<16xi32>
    %gather3A_1257 = tpu.dynamic_gather %add3A_1250[%gather3A_1256] in [0] : vector<16xf32>, vector<16xi32> -> vector<16xf32>
    %add3A_1258 = arith.addf %add3A_1250, %gather3A_1257 : vector<16xf32>
    %iota3A_1259 = tpu.iota {dimensions = array<i32: 0>} : vector<16xi32>
    %xor3A_1260 = arith.constant 1 : i32
    %xor3A_1261 = vector.broadcast %xor3A_1260 : i32 to vector<16xi32>
    %xor3A_1262 = arith.xori %iota3A_1259, %xor3A_1261 : vector<16xi32>
    %broadcast_in_dim3A_1263 = vector.shape_cast %xor3A_1262 : vector<16xi32> to vector<16x1xi32>
    %gather3A_1264 = vector.shape_cast %broadcast_in_dim3A_1263 : vector<16x1xi32> to vector<16xi32>
    %gather3A_1265 = tpu.dynamic_gather %add3A_1258[%gather3A_1264] in [0] : vector<16xf32>, vector<16xi32> -> vector<16xf32>
    %add3A_1266 = arith.addf %add3A_1258, %gather3A_1265 : vector<16xf32>
    %mul3A_1267 = arith.mulf %select_n3A_1190, %add3A_1266 : vector<16xf32>
    %add3A_1268 = arith.addf %add3A_1186, %mul3A_1267 : vector<16xf32>
    %eq3A_1269 = arith.constant 13 : i32
    %eq3A_1270 = vector.broadcast %eq3A_1269 : i32 to vector<16xi32>
    %eq3A_1271 = arith.cmpi eq, %iota3A, %eq3A_1270 : vector<16xi32>
    %select_n3A_1272 = arith.select %eq3A_1271, %broadcast_in_dim3A_202, %broadcast_in_dim3A_204 : vector<16xi1>, vector<16xf32>
    %get3A_1273 = arith.constant 13 : i32
    %get3A_1274 = arith.index_cast %get3A_1273 : i32 to index
    %get3A_1275 = arith.constant 0 : index
    %get3A_1276 = tpu.vector_load %arg11[%get3A_1274, %get3A_1275] {strides = array<i32>} : memref<16x16xf32, #tpu.memory_space<vmem>>, vector<1x16xf32>,
    %get3A_1277 = vector.shape_cast %get3A_1276 : vector<1x16xf32> to vector<16xf32>
    %iota3A_1278 = tpu.iota {dimensions = array<i32: 0>} : vector<16xi32>
    %xor3A_1279 = arith.constant 8 : i32
    %xor3A_1280 = vector.broadcast %xor3A_1279 : i32 to vector<16xi32>
    %xor3A_1281 = arith.xori %iota3A_1278, %xor3A_1280 : vector<16xi32>
    %broadcast_in_dim3A_1282 = vector.shape_cast %xor3A_1281 : vector<16xi32> to vector<16x1xi32>
    %gather3A_1283 = vector.shape_cast %broadcast_in_dim3A_1282 : vector<16x1xi32> to vector<16xi32>
    %gather3A_1284 = tpu.dynamic_gather %get3A_1277[%gather3A_1283] in [0] : vector<16xf32>, vector<16xi32> -> vector<16xf32>
    %add3A_1285 = arith.addf %get3A_1277, %gather3A_1284 : vector<16xf32>
    %iota3A_1286 = tpu.iota {dimensions = array<i32: 0>} : vector<16xi32>
    %xor3A_1287 = arith.constant 4 : i32
    %xor3A_1288 = vector.broadcast %xor3A_1287 : i32 to vector<16xi32>
    %xor3A_1289 = arith.xori %iota3A_1286, %xor3A_1288 : vector<16xi32>
    %broadcast_in_dim3A_1290 = vector.shape_cast %xor3A_1289 : vector<16xi32> to vector<16x1xi32>
    %gather3A_1291 = vector.shape_cast %broadcast_in_dim3A_1290 : vector<16x1xi32> to vector<16xi32>
    %gather3A_1292 = tpu.dynamic_gather %add3A_1285[%gather3A_1291] in [0] : vector<16xf32>, vector<16xi32> -> vector<16xf32>
    %add3A_1293 = arith.addf %add3A_1285, %gather3A_1292 : vector<16xf32>
    %iota3A_1294 = tpu.iota {dimensions = array<i32: 0>} : vector<16xi32>
    %xor3A_1295 = arith.constant 2 : i32
    %xor3A_1296 = vector.broadcast %xor3A_1295 : i32 to vector<16xi32>
    %xor3A_1297 = arith.xori %iota3A_1294, %xor3A_1296 : vector<16xi32>
    %broadcast_in_dim3A_1298 = vector.shape_cast %xor3A_1297 : vector<16xi32> to vector<16x1xi32>
    %gather3A_1299 = vector.shape_cast %broadcast_in_dim3A_1298 : vector<16x1xi32> to vector<16xi32>
    %gather3A_1300 = tpu.dynamic_gather %add3A_1293[%gather3A_1299] in [0] : vector<16xf32>, vector<16xi32> -> vector<16xf32>
    %add3A_1301 = arith.addf %add3A_1293, %gather3A_1300 : vector<16xf32>
    %iota3A_1302 = tpu.iota {dimensions = array<i32: 0>} : vector<16xi32>
    %xor3A_1303 = arith.constant 1 : i32
    %xor3A_1304 = vector.broadcast %xor3A_1303 : i32 to vector<16xi32>
    %xor3A_1305 = arith.xori %iota3A_1302, %xor3A_1304 : vector<16xi32>
    %broadcast_in_dim3A_1306 = vector.shape_cast %xor3A_1305 : vector<16xi32> to vector<16x1xi32>
    %gather3A_1307 = vector.shape_cast %broadcast_in_dim3A_1306 : vector<16x1xi32> to vector<16xi32>
    %gather3A_1308 = tpu.dynamic_gather %add3A_1301[%gather3A_1307] in [0] : vector<16xf32>, vector<16xi32> -> vector<16xf32>
    %add3A_1309 = arith.addf %add3A_1301, %gather3A_1308 : vector<16xf32>
    %mul3A_1310 = arith.mulf %select_n3A_1272, %add3A_1309 : vector<16xf32>
    %add3A_1311 = arith.addf %add3A_1229, %mul3A_1310 : vector<16xf32>
    %get3A_1312 = arith.constant 13 : i32
    %get3A_1313 = arith.index_cast %get3A_1312 : i32 to index
    %get3A_1314 = arith.constant 0 : index
    %get3A_1315 = tpu.vector_load %arg12[%get3A_1313, %get3A_1314] {strides = array<i32>} : memref<16x16xf32, #tpu.memory_space<vmem>>, vector<1x16xf32>,
    %get3A_1316 = vector.shape_cast %get3A_1315 : vector<1x16xf32> to vector<16xf32>
    %iota3A_1317 = tpu.iota {dimensions = array<i32: 0>} : vector<16xi32>
    %xor3A_1318 = arith.constant 8 : i32
    %xor3A_1319 = vector.broadcast %xor3A_1318 : i32 to vector<16xi32>
    %xor3A_1320 = arith.xori %iota3A_1317, %xor3A_1319 : vector<16xi32>
    %broadcast_in_dim3A_1321 = vector.shape_cast %xor3A_1320 : vector<16xi32> to vector<16x1xi32>
    %gather3A_1322 = vector.shape_cast %broadcast_in_dim3A_1321 : vector<16x1xi32> to vector<16xi32>
    %gather3A_1323 = tpu.dynamic_gather %get3A_1316[%gather3A_1322] in [0] : vector<16xf32>, vector<16xi32> -> vector<16xf32>
    %add3A_1324 = arith.addf %get3A_1316, %gather3A_1323 : vector<16xf32>
    %iota3A_1325 = tpu.iota {dimensions = array<i32: 0>} : vector<16xi32>
    %xor3A_1326 = arith.constant 4 : i32
    %xor3A_1327 = vector.broadcast %xor3A_1326 : i32 to vector<16xi32>
    %xor3A_1328 = arith.xori %iota3A_1325, %xor3A_1327 : vector<16xi32>
    %broadcast_in_dim3A_1329 = vector.shape_cast %xor3A_1328 : vector<16xi32> to vector<16x1xi32>
    %gather3A_1330 = vector.shape_cast %broadcast_in_dim3A_1329 : vector<16x1xi32> to vector<16xi32>
    %gather3A_1331 = tpu.dynamic_gather %add3A_1324[%gather3A_1330] in [0] : vector<16xf32>, vector<16xi32> -> vector<16xf32>
    %add3A_1332 = arith.addf %add3A_1324, %gather3A_1331 : vector<16xf32>
    %iota3A_1333 = tpu.iota {dimensions = array<i32: 0>} : vector<16xi32>
    %xor3A_1334 = arith.constant 2 : i32
    %xor3A_1335 = vector.broadcast %xor3A_1334 : i32 to vector<16xi32>
    %xor3A_1336 = arith.xori %iota3A_1333, %xor3A_1335 : vector<16xi32>
    %broadcast_in_dim3A_1337 = vector.shape_cast %xor3A_1336 : vector<16xi32> to vector<16x1xi32>
    %gather3A_1338 = vector.shape_cast %broadcast_in_dim3A_1337 : vector<16x1xi32> to vector<16xi32>
    %gather3A_1339 = tpu.dynamic_gather %add3A_1332[%gather3A_1338] in [0] : vector<16xf32>, vector<16xi32> -> vector<16xf32>
    %add3A_1340 = arith.addf %add3A_1332, %gather3A_1339 : vector<16xf32>
    %iota3A_1341 = tpu.iota {dimensions = array<i32: 0>} : vector<16xi32>
    %xor3A_1342 = arith.constant 1 : i32
    %xor3A_1343 = vector.broadcast %xor3A_1342 : i32 to vector<16xi32>
    %xor3A_1344 = arith.xori %iota3A_1341, %xor3A_1343 : vector<16xi32>
    %broadcast_in_dim3A_1345 = vector.shape_cast %xor3A_1344 : vector<16xi32> to vector<16x1xi32>
    %gather3A_1346 = vector.shape_cast %broadcast_in_dim3A_1345 : vector<16x1xi32> to vector<16xi32>
    %gather3A_1347 = tpu.dynamic_gather %add3A_1340[%gather3A_1346] in [0] : vector<16xf32>, vector<16xi32> -> vector<16xf32>
    %add3A_1348 = arith.addf %add3A_1340, %gather3A_1347 : vector<16xf32>
    %mul3A_1349 = arith.mulf %select_n3A_1272, %add3A_1348 : vector<16xf32>
    %add3A_1350 = arith.addf %add3A_1268, %mul3A_1349 : vector<16xf32>
    %eq3A_1351 = arith.constant 14 : i32
    %eq3A_1352 = vector.broadcast %eq3A_1351 : i32 to vector<16xi32>
    %eq3A_1353 = arith.cmpi eq, %iota3A, %eq3A_1352 : vector<16xi32>
    %select_n3A_1354 = arith.select %eq3A_1353, %broadcast_in_dim3A_202, %broadcast_in_dim3A_204 : vector<16xi1>, vector<16xf32>
    %get3A_1355 = arith.constant 14 : i32
    %get3A_1356 = arith.index_cast %get3A_1355 : i32 to index
    %get3A_1357 = arith.constant 0 : index
    %get3A_1358 = tpu.vector_load %arg11[%get3A_1356, %get3A_1357] {strides = array<i32>} : memref<16x16xf32, #tpu.memory_space<vmem>>, vector<1x16xf32>,
    %get3A_1359 = vector.shape_cast %get3A_1358 : vector<1x16xf32> to vector<16xf32>
    %iota3A_1360 = tpu.iota {dimensions = array<i32: 0>} : vector<16xi32>
    %xor3A_1361 = arith.constant 8 : i32
    %xor3A_1362 = vector.broadcast %xor3A_1361 : i32 to vector<16xi32>
    %xor3A_1363 = arith.xori %iota3A_1360, %xor3A_1362 : vector<16xi32>
    %broadcast_in_dim3A_1364 = vector.shape_cast %xor3A_1363 : vector<16xi32> to vector<16x1xi32>
    %gather3A_1365 = vector.shape_cast %broadcast_in_dim3A_1364 : vector<16x1xi32> to vector<16xi32>
    %gather3A_1366 = tpu.dynamic_gather %get3A_1359[%gather3A_1365] in [0] : vector<16xf32>, vector<16xi32> -> vector<16xf32>
    %add3A_1367 = arith.addf %get3A_1359, %gather3A_1366 : vector<16xf32>
    %iota3A_1368 = tpu.iota {dimensions = array<i32: 0>} : vector<16xi32>
    %xor3A_1369 = arith.constant 4 : i32
    %xor3A_1370 = vector.broadcast %xor3A_1369 : i32 to vector<16xi32>
    %xor3A_1371 = arith.xori %iota3A_1368, %xor3A_1370 : vector<16xi32>
    %broadcast_in_dim3A_1372 = vector.shape_cast %xor3A_1371 : vector<16xi32> to vector<16x1xi32>
    %gather3A_1373 = vector.shape_cast %broadcast_in_dim3A_1372 : vector<16x1xi32> to vector<16xi32>
    %gather3A_1374 = tpu.dynamic_gather %add3A_1367[%gather3A_1373] in [0] : vector<16xf32>, vector<16xi32> -> vector<16xf32>
    %add3A_1375 = arith.addf %add3A_1367, %gather3A_1374 : vector<16xf32>
    %iota3A_1376 = tpu.iota {dimensions = array<i32: 0>} : vector<16xi32>
    %xor3A_1377 = arith.constant 2 : i32
    %xor3A_1378 = vector.broadcast %xor3A_1377 : i32 to vector<16xi32>
    %xor3A_1379 = arith.xori %iota3A_1376, %xor3A_1378 : vector<16xi32>
    %broadcast_in_dim3A_1380 = vector.shape_cast %xor3A_1379 : vector<16xi32> to vector<16x1xi32>
    %gather3A_1381 = vector.shape_cast %broadcast_in_dim3A_1380 : vector<16x1xi32> to vector<16xi32>
    %gather3A_1382 = tpu.dynamic_gather %add3A_1375[%gather3A_1381] in [0] : vector<16xf32>, vector<16xi32> -> vector<16xf32>
    %add3A_1383 = arith.addf %add3A_1375, %gather3A_1382 : vector<16xf32>
    %iota3A_1384 = tpu.iota {dimensions = array<i32: 0>} : vector<16xi32>
    %xor3A_1385 = arith.constant 1 : i32
    %xor3A_1386 = vector.broadcast %xor3A_1385 : i32 to vector<16xi32>
    %xor3A_1387 = arith.xori %iota3A_1384, %xor3A_1386 : vector<16xi32>
    %broadcast_in_dim3A_1388 = vector.shape_cast %xor3A_1387 : vector<16xi32> to vector<16x1xi32>
    %gather3A_1389 = vector.shape_cast %broadcast_in_dim3A_1388 : vector<16x1xi32> to vector<16xi32>
    %gather3A_1390 = tpu.dynamic_gather %add3A_1383[%gather3A_1389] in [0] : vector<16xf32>, vector<16xi32> -> vector<16xf32>
    %add3A_1391 = arith.addf %add3A_1383, %gather3A_1390 : vector<16xf32>
    %mul3A_1392 = arith.mulf %select_n3A_1354, %add3A_1391 : vector<16xf32>
    %add3A_1393 = arith.addf %add3A_1311, %mul3A_1392 : vector<16xf32>
    %get3A_1394 = arith.constant 14 : i32
    %get3A_1395 = arith.index_cast %get3A_1394 : i32 to index
    %get3A_1396 = arith.constant 0 : index
    %get3A_1397 = tpu.vector_load %arg12[%get3A_1395, %get3A_1396] {strides = array<i32>} : memref<16x16xf32, #tpu.memory_space<vmem>>, vector<1x16xf32>,
    %get3A_1398 = vector.shape_cast %get3A_1397 : vector<1x16xf32> to vector<16xf32>
    %iota3A_1399 = tpu.iota {dimensions = array<i32: 0>} : vector<16xi32>
    %xor3A_1400 = arith.constant 8 : i32
    %xor3A_1401 = vector.broadcast %xor3A_1400 : i32 to vector<16xi32>
    %xor3A_1402 = arith.xori %iota3A_1399, %xor3A_1401 : vector<16xi32>
    %broadcast_in_dim3A_1403 = vector.shape_cast %xor3A_1402 : vector<16xi32> to vector<16x1xi32>
    %gather3A_1404 = vector.shape_cast %broadcast_in_dim3A_1403 : vector<16x1xi32> to vector<16xi32>
    %gather3A_1405 = tpu.dynamic_gather %get3A_1398[%gather3A_1404] in [0] : vector<16xf32>, vector<16xi32> -> vector<16xf32>
    %add3A_1406 = arith.addf %get3A_1398, %gather3A_1405 : vector<16xf32>
    %iota3A_1407 = tpu.iota {dimensions = array<i32: 0>} : vector<16xi32>
    %xor3A_1408 = arith.constant 4 : i32
    %xor3A_1409 = vector.broadcast %xor3A_1408 : i32 to vector<16xi32>
    %xor3A_1410 = arith.xori %iota3A_1407, %xor3A_1409 : vector<16xi32>
    %broadcast_in_dim3A_1411 = vector.shape_cast %xor3A_1410 : vector<16xi32> to vector<16x1xi32>
    %gather3A_1412 = vector.shape_cast %broadcast_in_dim3A_1411 : vector<16x1xi32> to vector<16xi32>
    %gather3A_1413 = tpu.dynamic_gather %add3A_1406[%gather3A_1412] in [0] : vector<16xf32>, vector<16xi32> -> vector<16xf32>
    %add3A_1414 = arith.addf %add3A_1406, %gather3A_1413 : vector<16xf32>
    %iota3A_1415 = tpu.iota {dimensions = array<i32: 0>} : vector<16xi32>
    %xor3A_1416 = arith.constant 2 : i32
    %xor3A_1417 = vector.broadcast %xor3A_1416 : i32 to vector<16xi32>
    %xor3A_1418 = arith.xori %iota3A_1415, %xor3A_1417 : vector<16xi32>
    %broadcast_in_dim3A_1419 = vector.shape_cast %xor3A_1418 : vector<16xi32> to vector<16x1xi32>
    %gather3A_1420 = vector.shape_cast %broadcast_in_dim3A_1419 : vector<16x1xi32> to vector<16xi32>
    %gather3A_1421 = tpu.dynamic_gather %add3A_1414[%gather3A_1420] in [0] : vector<16xf32>, vector<16xi32> -> vector<16xf32>
    %add3A_1422 = arith.addf %add3A_1414, %gather3A_1421 : vector<16xf32>
    %iota3A_1423 = tpu.iota {dimensions = array<i32: 0>} : vector<16xi32>
    %xor3A_1424 = arith.constant 1 : i32
    %xor3A_1425 = vector.broadcast %xor3A_1424 : i32 to vector<16xi32>
    %xor3A_1426 = arith.xori %iota3A_1423, %xor3A_1425 : vector<16xi32>
    %broadcast_in_dim3A_1427 = vector.shape_cast %xor3A_1426 : vector<16xi32> to vector<16x1xi32>
    %gather3A_1428 = vector.shape_cast %broadcast_in_dim3A_1427 : vector<16x1xi32> to vector<16xi32>
    %gather3A_1429 = tpu.dynamic_gather %add3A_1422[%gather3A_1428] in [0] : vector<16xf32>, vector<16xi32> -> vector<16xf32>
    %add3A_1430 = arith.addf %add3A_1422, %gather3A_1429 : vector<16xf32>
    %mul3A_1431 = arith.mulf %select_n3A_1354, %add3A_1430 : vector<16xf32>
    %add3A_1432 = arith.addf %add3A_1350, %mul3A_1431 : vector<16xf32>
    %eq3A_1433 = arith.constant 15 : i32
    %eq3A_1434 = vector.broadcast %eq3A_1433 : i32 to vector<16xi32>
    %eq3A_1435 = arith.cmpi eq, %iota3A, %eq3A_1434 : vector<16xi32>
    %select_n3A_1436 = arith.select %eq3A_1435, %broadcast_in_dim3A_202, %broadcast_in_dim3A_204 : vector<16xi1>, vector<16xf32>
    %get3A_1437 = arith.constant 15 : i32
    %get3A_1438 = arith.index_cast %get3A_1437 : i32 to index
    %get3A_1439 = arith.constant 0 : index
    %get3A_1440 = tpu.vector_load %arg11[%get3A_1438, %get3A_1439] {strides = array<i32>} : memref<16x16xf32, #tpu.memory_space<vmem>>, vector<1x16xf32>,
    %get3A_1441 = vector.shape_cast %get3A_1440 : vector<1x16xf32> to vector<16xf32>
    %iota3A_1442 = tpu.iota {dimensions = array<i32: 0>} : vector<16xi32>
    %xor3A_1443 = arith.constant 8 : i32
    %xor3A_1444 = vector.broadcast %xor3A_1443 : i32 to vector<16xi32>
    %xor3A_1445 = arith.xori %iota3A_1442, %xor3A_1444 : vector<16xi32>
    %broadcast_in_dim3A_1446 = vector.shape_cast %xor3A_1445 : vector<16xi32> to vector<16x1xi32>
    %gather3A_1447 = vector.shape_cast %broadcast_in_dim3A_1446 : vector<16x1xi32> to vector<16xi32>
    %gather3A_1448 = tpu.dynamic_gather %get3A_1441[%gather3A_1447] in [0] : vector<16xf32>, vector<16xi32> -> vector<16xf32>
    %add3A_1449 = arith.addf %get3A_1441, %gather3A_1448 : vector<16xf32>
    %iota3A_1450 = tpu.iota {dimensions = array<i32: 0>} : vector<16xi32>
    %xor3A_1451 = arith.constant 4 : i32
    %xor3A_1452 = vector.broadcast %xor3A_1451 : i32 to vector<16xi32>
    %xor3A_1453 = arith.xori %iota3A_1450, %xor3A_1452 : vector<16xi32>
    %broadcast_in_dim3A_1454 = vector.shape_cast %xor3A_1453 : vector<16xi32> to vector<16x1xi32>
    %gather3A_1455 = vector.shape_cast %broadcast_in_dim3A_1454 : vector<16x1xi32> to vector<16xi32>
    %gather3A_1456 = tpu.dynamic_gather %add3A_1449[%gather3A_1455] in [0] : vector<16xf32>, vector<16xi32> -> vector<16xf32>
    %add3A_1457 = arith.addf %add3A_1449, %gather3A_1456 : vector<16xf32>
    %iota3A_1458 = tpu.iota {dimensions = array<i32: 0>} : vector<16xi32>
    %xor3A_1459 = arith.constant 2 : i32
    %xor3A_1460 = vector.broadcast %xor3A_1459 : i32 to vector<16xi32>
    %xor3A_1461 = arith.xori %iota3A_1458, %xor3A_1460 : vector<16xi32>
    %broadcast_in_dim3A_1462 = vector.shape_cast %xor3A_1461 : vector<16xi32> to vector<16x1xi32>
    %gather3A_1463 = vector.shape_cast %broadcast_in_dim3A_1462 : vector<16x1xi32> to vector<16xi32>
    %gather3A_1464 = tpu.dynamic_gather %add3A_1457[%gather3A_1463] in [0] : vector<16xf32>, vector<16xi32> -> vector<16xf32>
    %add3A_1465 = arith.addf %add3A_1457, %gather3A_1464 : vector<16xf32>
    %iota3A_1466 = tpu.iota {dimensions = array<i32: 0>} : vector<16xi32>
    %xor3A_1467 = arith.constant 1 : i32
    %xor3A_1468 = vector.broadcast %xor3A_1467 : i32 to vector<16xi32>
    %xor3A_1469 = arith.xori %iota3A_1466, %xor3A_1468 : vector<16xi32>
    %broadcast_in_dim3A_1470 = vector.shape_cast %xor3A_1469 : vector<16xi32> to vector<16x1xi32>
    %gather3A_1471 = vector.shape_cast %broadcast_in_dim3A_1470 : vector<16x1xi32> to vector<16xi32>
    %gather3A_1472 = tpu.dynamic_gather %add3A_1465[%gather3A_1471] in [0] : vector<16xf32>, vector<16xi32> -> vector<16xf32>
    %add3A_1473 = arith.addf %add3A_1465, %gather3A_1472 : vector<16xf32>
    %mul3A_1474 = arith.mulf %select_n3A_1436, %add3A_1473 : vector<16xf32>
    %add3A_1475 = arith.addf %add3A_1393, %mul3A_1474 : vector<16xf32>
    %get3A_1476 = arith.constant 15 : i32
    %get3A_1477 = arith.index_cast %get3A_1476 : i32 to index
    %get3A_1478 = arith.constant 0 : index
    %get3A_1479 = tpu.vector_load %arg12[%get3A_1477, %get3A_1478] {strides = array<i32>} : memref<16x16xf32, #tpu.memory_space<vmem>>, vector<1x16xf32>,
    %get3A_1480 = vector.shape_cast %get3A_1479 : vector<1x16xf32> to vector<16xf32>
    %iota3A_1481 = tpu.iota {dimensions = array<i32: 0>} : vector<16xi32>
    %xor3A_1482 = arith.constant 8 : i32
    %xor3A_1483 = vector.broadcast %xor3A_1482 : i32 to vector<16xi32>
    %xor3A_1484 = arith.xori %iota3A_1481, %xor3A_1483 : vector<16xi32>
    %broadcast_in_dim3A_1485 = vector.shape_cast %xor3A_1484 : vector<16xi32> to vector<16x1xi32>
    %gather3A_1486 = vector.shape_cast %broadcast_in_dim3A_1485 : vector<16x1xi32> to vector<16xi32>
    %gather3A_1487 = tpu.dynamic_gather %get3A_1480[%gather3A_1486] in [0] : vector<16xf32>, vector<16xi32> -> vector<16xf32>
    %add3A_1488 = arith.addf %get3A_1480, %gather3A_1487 : vector<16xf32>
    %iota3A_1489 = tpu.iota {dimensions = array<i32: 0>} : vector<16xi32>
    %xor3A_1490 = arith.constant 4 : i32
    %xor3A_1491 = vector.broadcast %xor3A_1490 : i32 to vector<16xi32>
    %xor3A_1492 = arith.xori %iota3A_1489, %xor3A_1491 : vector<16xi32>
    %broadcast_in_dim3A_1493 = vector.shape_cast %xor3A_1492 : vector<16xi32> to vector<16x1xi32>
    %gather3A_1494 = vector.shape_cast %broadcast_in_dim3A_1493 : vector<16x1xi32> to vector<16xi32>
    %gather3A_1495 = tpu.dynamic_gather %add3A_1488[%gather3A_1494] in [0] : vector<16xf32>, vector<16xi32> -> vector<16xf32>
    %add3A_1496 = arith.addf %add3A_1488, %gather3A_1495 : vector<16xf32>
    %iota3A_1497 = tpu.iota {dimensions = array<i32: 0>} : vector<16xi32>
    %xor3A_1498 = arith.constant 2 : i32
    %xor3A_1499 = vector.broadcast %xor3A_1498 : i32 to vector<16xi32>
    %xor3A_1500 = arith.xori %iota3A_1497, %xor3A_1499 : vector<16xi32>
    %broadcast_in_dim3A_1501 = vector.shape_cast %xor3A_1500 : vector<16xi32> to vector<16x1xi32>
    %gather3A_1502 = vector.shape_cast %broadcast_in_dim3A_1501 : vector<16x1xi32> to vector<16xi32>
    %gather3A_1503 = tpu.dynamic_gather %add3A_1496[%gather3A_1502] in [0] : vector<16xf32>, vector<16xi32> -> vector<16xf32>
    %add3A_1504 = arith.addf %add3A_1496, %gather3A_1503 : vector<16xf32>
    %iota3A_1505 = tpu.iota {dimensions = array<i32: 0>} : vector<16xi32>
    %xor3A_1506 = arith.constant 1 : i32
    %xor3A_1507 = vector.broadcast %xor3A_1506 : i32 to vector<16xi32>
    %xor3A_1508 = arith.xori %iota3A_1505, %xor3A_1507 : vector<16xi32>
    %broadcast_in_dim3A_1509 = vector.shape_cast %xor3A_1508 : vector<16xi32> to vector<16x1xi32>
    %gather3A_1510 = vector.shape_cast %broadcast_in_dim3A_1509 : vector<16x1xi32> to vector<16xi32>
    %gather3A_1511 = tpu.dynamic_gather %add3A_1504[%gather3A_1510] in [0] : vector<16xf32>, vector<16xi32> -> vector<16xf32>
    %add3A_1512 = arith.addf %add3A_1504, %gather3A_1511 : vector<16xf32>
    %mul3A_1513 = arith.mulf %select_n3A_1436, %add3A_1512 : vector<16xf32>
    %add3A_1514 = arith.addf %add3A_1432, %mul3A_1513 : vector<16xf32>
    %swap3A_1515 = arith.constant 0 : i32
    %swap3A_1516 = arith.index_cast %swap3A_1515 : i32 to index
    %swap3A_1517 = arith.constant 0 : index
    %swap3A_1518 = tpu.vector_load %arg13[%swap3A_1516, %swap3A_1517] {strides = array<i32>} : memref<2x16xf32, #tpu.memory_space<vmem>>, vector<1x16xf32>,
    %swap3A_1519 = vector.shape_cast %swap3A_1518 : vector<1x16xf32> to vector<16xf32>
    %swap3A_1520 = vector.shape_cast %add3A_1475 : vector<16xf32> to vector<1x16xf32>
    tpu.vector_store %arg13[%swap3A_1516, %swap3A_1517], %swap3A_1520 {strides = array<i32>} : memref<2x16xf32, #tpu.memory_space<vmem>>, vector<1x16xf32>,
    %swap3A_1521 = arith.constant 1 : i32
    %swap3A_1522 = arith.index_cast %swap3A_1521 : i32 to index
    %swap3A_1523 = arith.constant 0 : index
    %swap3A_1524 = tpu.vector_load %arg13[%swap3A_1522, %swap3A_1523] {strides = array<i32>} : memref<2x16xf32, #tpu.memory_space<vmem>>, vector<1x16xf32>,
    %swap3A_1525 = vector.shape_cast %swap3A_1524 : vector<1x16xf32> to vector<16xf32>
    %swap3A_1526 = vector.shape_cast %add3A_1514 : vector<16xf32> to vector<1x16xf32>
    tpu.vector_store %arg13[%swap3A_1522, %swap3A_1523], %swap3A_1526 {strides = array<i32>} : memref<2x16xf32, #tpu.memory_space<vmem>>, vector<1x16xf32>,
    "tpu.region"() ({
      %run_scoped3A_1527 = tpu.sem_alloc : memref<!tpu.dma_semaphore, #tpu.memory_space<semaphore_mem>>
      %dma_start3A = arith.constant 0 : i32
      %dma_start3A_1528 = arith.constant 0 : i32
      %dma_start3A_1529 = tpu.memref_slice %arg5[%arg1, %dma_start3A, %dma_start3A_1528] : memref<16x2x16xf32, #tpu.memory_space<hbm>> -> memref<1x2x16xf32, #tpu.memory_space<hbm>>
      %dma_start3A_1530 = tpu.memref_squeeze %dma_start3A_1529 : memref<1x2x16xf32, #tpu.memory_space<hbm>> -> memref<2x16xf32, #tpu.memory_space<hbm>>
      %dma_start3A_1531 = arith.constant 0 : i32
      %dma_start3A_1532 = arith.constant 0 : i32
      %dma_start3A_1533 = tpu.memref_slice %arg5[%arg1, %dma_start3A_1531, %dma_start3A_1532] : memref<16x2x16xf32, #tpu.memory_space<hbm>> -> memref<1x2x16xf32, #tpu.memory_space<hbm>>
      %dma_start3A_1534 = tpu.memref_squeeze %dma_start3A_1533 : memref<1x2x16xf32, #tpu.memory_space<hbm>> -> memref<2x16xf32, #tpu.memory_space<hbm>>
      tpu.enqueue_dma source(%arg13 : memref<2x16xf32, #tpu.memory_space<vmem>>) target(%dma_start3A_1534 : memref<2x16xf32, #tpu.memory_space<hbm>>) target_semaphore(%run_scoped3A_1527 : memref<!tpu.dma_semaphore, #tpu.memory_space<semaphore_mem>>)
      %dma_wait3A = arith.constant 0 : i32
      %dma_wait3A_1535 = arith.constant 0 : i32
      %dma_wait3A_1536 = tpu.memref_slice %arg5[%arg1, %dma_wait3A, %dma_wait3A_1535] : memref<16x2x16xf32, #tpu.memory_space<hbm>> -> memref<1x2x16xf32, #tpu.memory_space<hbm>>
      %dma_wait3A_1537 = tpu.memref_squeeze %dma_wait3A_1536 : memref<1x2x16xf32, #tpu.memory_space<hbm>> -> memref<2x16xf32, #tpu.memory_space<hbm>>
      %dma_wait3A_1538 = arith.constant 0 : i32
      %dma_wait3A_1539 = arith.constant 0 : i32
      %dma_wait3A_1540 = tpu.memref_slice %arg5[%arg1, %dma_wait3A_1538, %dma_wait3A_1539] : memref<16x2x16xf32, #tpu.memory_space<hbm>> -> memref<1x2x16xf32, #tpu.memory_space<hbm>>
      %dma_wait3A_1541 = tpu.memref_squeeze %dma_wait3A_1540 : memref<1x2x16xf32, #tpu.memory_space<hbm>> -> memref<2x16xf32, #tpu.memory_space<hbm>>
      tpu.wait_dma2 semaphore(%run_scoped3A_1527 : memref<!tpu.dma_semaphore, #tpu.memory_space<semaphore_mem>>) src(%arg13 : memref<2x16xf32, #tpu.memory_space<vmem>>) dst(%dma_wait3A_1541 : memref<2x16xf32, #tpu.memory_space<hbm>>)
      tpu.yield
    }) : () -> ()
    return
  }
}

module attributes {stable_mosaic.version = 14 : i64} {
  func.func @_loss_body(%arg0: memref<16x2x16xf32, #tpu.memory_space<vmem>>, %arg1: memref<1x1xf32, #tpu.memory_space<vmem>>) attributes {dimension_semantics = [], scalar_prefetch = 0 : i64, scratch_operands = 0 : i64, tpu.core_type = #tpu.core_type<tc>} {
    %get3A = arith.constant 0 : index
    %get3A_0 = arith.constant 0 : index
    %get3A_1 = arith.constant 0 : index
    %get3A_2 = vector.load %arg0[%get3A, %get3A_0, %get3A_1] : memref<16x2x16xf32, #tpu.memory_space<vmem>>, vector<16x2x16xf32>
    %slice3A = vector.extract_strided_slice %get3A_2 {offsets = [0, 0, 0], sizes = [16, 1, 16], strides = [1, 1, 1]} : vector<16x2x16xf32> to vector<16x1x16xf32>
    %squeeze3A = vector.shape_cast %slice3A : vector<16x1x16xf32> to vector<16x16xf32>
    %reduce_sum3A = arith.constant dense<0.000000e+00> : vector<16xf32>
    %reduce_sum3A_3 = vector.multi_reduction <add>, %squeeze3A, %reduce_sum3A [0] : vector<16x16xf32> to vector<16xf32>
    %slice3A_4 = vector.extract_strided_slice %get3A_2 {offsets = [0, 1, 0], sizes = [16, 1, 16], strides = [1, 1, 1]} : vector<16x2x16xf32> to vector<16x1x16xf32>
    %squeeze3A_5 = vector.shape_cast %slice3A_4 : vector<16x1x16xf32> to vector<16x16xf32>
    %reduce_sum3A_6 = arith.constant dense<0.000000e+00> : vector<16xf32>
    %reduce_sum3A_7 = vector.multi_reduction <add>, %squeeze3A_5, %reduce_sum3A_6 [0] : vector<16x16xf32> to vector<16xf32>
    %mul3A = arith.mulf %reduce_sum3A_3, %reduce_sum3A_7 : vector<16xf32>
    %reduce_sum3A_8 = vector.shape_cast %mul3A : vector<16xf32> to vector<1x16xf32>
    %reduce_sum3A_9 = arith.constant dense<0.000000e+00> : vector<1xf32>
    %reduce_sum3A_10 = vector.multi_reduction <add>, %reduce_sum3A_8, %reduce_sum3A_9 [1] : vector<1x16xf32> to vector<1xf32>
    %reduce_sum3A_11 = vector.shape_cast %reduce_sum3A_10 : vector<1xf32> to vector<1x1xf32>
    %reduce_sum3A_12 = vector.extract %reduce_sum3A_11[0, 0] : f32 from vector<1x1xf32>
    %mul3A_13 = arith.constant 1.19209287E-9 : f32
    %mul3A_14 = arith.mulf %reduce_sum3A_12, %mul3A_13 : f32
    %reshape3A = vector.broadcast %mul3A_14 : f32 to vector<1x1xf32>
    %swap3A = arith.constant 0 : index
    %swap3A_15 = arith.constant 0 : index
    %swap3A_16 = vector.load %arg1[%swap3A, %swap3A_15] : memref<1x1xf32, #tpu.memory_space<vmem>>, vector<1x1xf32>
    tpu.vector_store %arg1[%swap3A, %swap3A_15], %reshape3A {strides = array<i32>} : memref<1x1xf32, #tpu.memory_space<vmem>>, vector<1x1xf32>,
    return
  }
}

module attributes {stable_mosaic.version = 14 : i64} {
  func.func @_logits_body(%arg0: i32, %arg1: memref<1024x2048xf32, #tpu.memory_space<vmem>>, %arg2: memref<16x2048xf32, #tpu.memory_space<vmem>>, %arg3: memref<16x1024xf32, #tpu.memory_space<vmem>>) attributes {dimension_semantics = [#tpu.dimension_semantics<arbitrary>], iteration_bounds = array<i64: 8>, scalar_prefetch = 0 : i64, scratch_operands = 0 : i64, tpu.core_type = #tpu.core_type<tc>, window_params = [{transform_indices = @transform_0, window_bounds = array<i64: 1024, 2048>}, {pipeline_mode = #tpu.pipeline_mode<synchronous>, transform_indices = @transform_1, window_bounds = array<i64: 16, 2048>}, {transform_indices = @transform_2, window_bounds = array<i64: 16, 1024>}]} {
    %get3A = arith.constant 0 : index
    %get3A_0 = arith.constant 0 : index
    %get3A_1 = vector.load %arg2[%get3A, %get3A_0] : memref<16x2048xf32, #tpu.memory_space<vmem>>, vector<16x2048xf32>
    %get3A_2 = arith.constant 0 : index
    %get3A_3 = arith.constant 0 : index
    %get3A_4 = vector.load %arg1[%get3A_2, %get3A_3] : memref<1024x2048xf32, #tpu.memory_space<vmem>>, vector<1024x2048xf32>
    %dot_general3A = arith.constant dense<0.000000e+00> : vector<16x1024xf32>
    %dot_general3A_5 = tpu.matmul %get3A_1, %get3A_4, %dot_general3A {dimension_numbers = #tpu.dot_dimension_numbers<[1], [1], [0], [0], [0, 0, 1, 0], [], []>, transpose_lhs_hint = false} : vector<16x2048xf32>, vector<1024x2048xf32>, vector<16x1024xf32> -> vector<16x1024xf32>
    %swap3A = arith.constant 0 : index
    %swap3A_6 = arith.constant 0 : index
    %swap3A_7 = vector.load %arg3[%swap3A, %swap3A_6] : memref<16x1024xf32, #tpu.memory_space<vmem>>, vector<16x1024xf32>
    tpu.vector_store %arg3[%swap3A, %swap3A_6], %dot_general3A_5 {strides = array<i32>} : memref<16x1024xf32, #tpu.memory_space<vmem>>, vector<16x1024xf32>,
    return
  }
  func.func @transform_0(%arg0: i32) -> (i32, i32) {
    %c0_i32 = arith.constant 0 : i32
    %c0_i32_0 = arith.constant 0 : i32
    return %arg0, %c0_i32 : i32, i32
  }
  func.func @transform_1(%arg0: i32) -> (i32, i32) {
    %c0_i32 = arith.constant 0 : i32
    %c0_i32_0 = arith.constant 0 : i32
    %c0_i32_1 = arith.constant 0 : i32
    return %c0_i32, %c0_i32_0 : i32, i32
  }
  func.func @transform_2(%arg0: i32) -> (i32, i32) {
    %c0_i32 = arith.constant 0 : i32
    %c0_i32_0 = arith.constant 0 : i32
    return %c0_i32, %arg0 : i32, i32
  }
}

</mosaic_0001>

<sc_bundles>
// kernel: kernel.5.cloned.1.call-start
scs
__scs_entry_jumppad:
0x0: {  	(pc) =	sbr.rel $0x88, $3  }
0x1: {  	(tag) =	ssettag $0x0;
	lr =	simm.s32 $0x1  }
0x2: {  	[smem:$0x3F9F] =	sst lr;
	_ =	strace $0xD0000000  }
0x3: {  	_ = 	snop  }
0x4: {  	_ = 	snop  }
0x5: {  	_ = 	snop  }
0x6: {  	_ = 	snop  }
0x7: {  	_ = 	snop  }
__scs_overlays_trampoline_lowered:
0x8: {  	[smem:$0x3FAE] =	sst s0  }
0x9: {  	[smem:$0x3FAF] =	sst s1  }
0xa: {  	[smem:$0x3FB0] =	sst s2  }
0xb: {  	[smem:$0x3FB1] =	sst s3  }
0xc: {  	[smem:$0x3FB2] =	sst s4  }
0xd: {  	[smem:$0x3FB3] =	sst s5  }
0xe: {  	[smem:$0x3FB4] =	sst s6  }
0xf: {  	[smem:$0x3FB5] =	sst s7  }
0x10: {  	[smem:$0x3FB6] =	sst s8  }
0x11: {  	[smem:$0x3FB7] =	sst s9;
	s0 =	simm.s32 @!p0 $0x0  }
0x12: {  	s1 =	sld [smem:$0x3F9D];
	s0 =	simm.s32 @p0 $0x1  }
0x13: {  	[smem:$0x3FB8] =	sst s0;
	s0 =	simm.s32 @!p1 $0x0  }
0x14: {  	s2 =	sld [smem:$0x3F9C];
	s0 =	simm.s32 @p1 $0x1  }
0x15: {  	[smem:$0x3FB9] =	sst s0;
	s0 =	simm.s32 @!p2 $0x0  }
0x16: {  	s3 =	sld [smem:$0x3FDB];
	s0 =	simm.s32 @p2 $0x1  }
0x17: {  	s4 =	simm.s32 $0x1BF5;
	[smem:$0x3FBB] =	sst s0  }
0x18: {  	s0 =	sld [smem:$0x3F9E];
	_ =	swait.ge [sflag:s4], $0x0  }
0x19: {  	s7 =	sld [smem:$0x3F9F]  }
0x1a: {  	s8 =	sadd.s32 $0xFFFFE003, lr  }
0x1b: {  	s9 =	sadd.s32 $0xFFFFFEF7, lr;
	s5 =	simm.s32 $0xFFFFFFFF;
	p2 =	slt.u32 s8, $0xFFFFF086  }
0x1c: {  	p1 =	slt.u32 s9, $0xF7A;
	s5 =	simm.s32 @!p2 $0x0  }
0x1d: {  	s5 =	simm.s32 @p1 $0x1;
	p0 =	seq.s32 s7, s2  }
0x1e: {  	s7 =	smul.u32 @!p0 $0xF7A, s2;
	p2 =	seq.s32 @!p0 s5, $0x0  }
0x1f: {  	s9 =	smul.u32 $0xF7A, s1;
	s8 =	simm.s32 @!p0 $0x1BF5;
	p2 =	por !p2, p0  }
0x20: {  	[sflag:s8] =	ssyncset.s32 @!p0 $0xFFFFF086;
	s6 =	sadd.s32 @!p0 s3, s7;
	s7 =	simm.s32 @!p0 $0x108  }
0x21: {  	s3 =	sadd.s32 s3, s9;
	s6 =	sadd.s32 @!p0 $0x88, s6;
	s7 =	simm.s32 @p2 $0x1082  }
0x22: {  	[simem:s7], [sflag:s8] =	dma.local @!p0 [hbm:s6], $0xF7A  }
0x23: {  	s9 =	sor.u32 $0xD0000000, s2;
	s6 =	simm.s32 $0x108;
	_ =	swait.ge @!p0 [sflag:s8], $0x0  }
0x24: {  	s3 =	sadd.s32 $0x88, s3;
	s6 =	simm.s32 @!p1 $0x1082;
	[sflag:s4] =	ssyncset.s32 $0xFFFFF086  }
0x25: {  	[simem:s6], [sflag:s4] =	dma.local [hbm:s3], $0xF7A  }
0x26: {  	[smem:$0x3F9F] =	sst s1;
	(tag) =	ssettag s2;
	_ =	strace s9  }
0x27: {  	s1 =	sld [smem:$0x3FAF]  }
0x28: {  	s2 =	sld [smem:$0x3FB0]  }
0x29: {  	s4 =	sld [smem:$0x3FB2]  }
0x2a: {  	p0 =	seq.s32 s5, $0x0;
	s5 =	sld [smem:$0x3FB3]  }
0x2b: {  	s6 =	sld [smem:$0x3FB4]  }
0x2c: {  	s7 =	sld [smem:$0x3FB5]  }
0x2d: {  	s3 =	simm.s32 $0x108;
	s8 =	sld [smem:$0x3FB6]  }
0x2e: {  	s3 =	simm.s32 @!p0 $0x1082;
	s9 =	sld [smem:$0x3FB7]  }
0x2f: {  	lr =	sadd.s32 s0, s3;
	s0 =	sld [smem:$0x3FAE]  }
0x30: {  	s3 =	sld [smem:$0x3FB1]  }
0x31: {  	[smem:$0x3FBA] =	sst s10  }
0x32: {  	s10 =	sld [smem:$0x3FB8];
	_ =	sdelay $0x3  }
0x33: {  	p0 =	seq.s32 s10, $0x1;
	s10 =	sld [smem:$0x3FBA];
	_ =	sdelay $0x3  }
0x34: {  	[smem:$0x3FBA] =	sst s10  }
0x35: {  	s10 =	sld [smem:$0x3FB9];
	_ =	sdelay $0x3  }
0x36: {  	p1 =	seq.s32 s10, $0x1;
	s10 =	sld [smem:$0x3FBA];
	_ =	sdelay $0x3  }
0x37: {  	[smem:$0x3FBA] =	sst s10  }
0x38: {  	s10 =	sld [smem:$0x3FBB]  }
0x39: {  	_ = 	snop;
	(pc) =	sbr.ind lr, $3  }
0x3a: {  	_ = 	snop  }
0x3b: {  	_ = 	snop  }
0x3c: {  	p2 =	seq.s32 s10, $0x1;
	s10 =	sld [smem:$0x3FBA]  }
0x3d: {  	_ =	shalt  }
0x3e: {  	_ =	shalt  }
0x3f: {  	_ =	shalt  }
0x40: {  	_ =	shalt  }
0x41: {  	_ =	shalt  }
0x42: {  	_ =	shalt  }
0x43: {  	_ =	shalt  }
0x44: {  	_ =	shalt  }
0x45: {  	_ =	shalt  }
0x46: {  	_ =	shalt  }
0x47: {  	_ =	shalt  }
0x48: {  	_ =	shalt  }
0x49: {  	_ =	shalt  }
0x4a: {  	_ =	shalt  }
0x4b: {  	_ =	shalt  }
0x4c: {  	_ =	shalt  }
0x4d: {  	_ =	shalt  }
0x4e: {  	_ =	shalt  }
0x4f: {  	_ =	shalt  }
0x50: {  	_ =	shalt  }
0x51: {  	_ =	shalt  }
0x52: {  	_ =	shalt  }
0x53: {  	_ =	shalt  }
0x54: {  	_ =	shalt  }
0x55: {  	_ =	shalt  }
0x56: {  	_ =	shalt  }
0x57: {  	_ =	shalt  }
0x58: {  	_ =	shalt  }
0x59: {  	_ =	shalt  }
0x5a: {  	_ =	shalt  }
0x5b: {  	_ =	shalt  }
0x5c: {  	_ =	shalt  }
0x5d: {  	_ =	shalt  }
0x5e: {  	_ =	shalt  }
0x5f: {  	_ =	shalt  }
0x60: {  	_ =	shalt  }
0x61: {  	_ =	shalt  }
0x62: {  	_ =	shalt  }
0x63: {  	_ =	shalt  }
0x64: {  	_ =	shalt  }
0x65: {  	_ =	shalt  }
0x66: {  	_ =	shalt  }
0x67: {  	_ =	shalt  }
0x68: {  	_ =	shalt  }
0x69: {  	_ =	shalt  }
0x6a: {  	_ =	shalt  }
0x6b: {  	_ =	shalt  }
0x6c: {  	_ =	shalt  }
0x6d: {  	_ =	shalt  }
0x6e: {  	_ =	shalt  }
0x6f: {  	_ =	shalt  }
0x70: {  	_ =	shalt  }
0x71: {  	_ =	shalt  }
0x72: {  	_ =	shalt  }
0x73: {  	_ =	shalt  }
0x74: {  	_ =	shalt  }
0x75: {  	_ =	shalt  }
0x76: {  	_ =	shalt  }
0x77: {  	_ =	shalt  }
0x78: {  	_ =	shalt  }
0x79: {  	_ =	shalt  }
0x7a: {  	_ =	shalt  }
0x7b: {  	_ =	shalt  }
0x7c: {  	_ =	shalt  }
0x7d: {  	_ =	shalt  }
0x7e: {  	_ =	shalt  }
0x7f: {  	_ =	shalt  }
0x80: {  	_ =	shalt  }
0x81: {  	_ =	shalt  }
0x82: {  	_ =	shalt  }
0x83: {  	_ =	shalt  }
0x84: {  	_ =	shalt  }
0x85: {  	_ =	shalt  }
0x86: {  	_ =	shalt  }
0x87: {  	_ =	shalt  }
.Lfunc_end0:
.L_simem_size_0:
called_computation_lowered:
.L_overlay_start_0:
0x88: {  	s0 =	sld [smem:$0x3FD9]  }
0x89: {  	s1 =	sld [smem:$0x3FFE];
	_ =	sdelay $0x3  }
0x8a: {  	s0 =	sadd.s32 s1, s0  }
0x8b: {  	[smem:$0x3FC6] =	sst s0  }
0x8c: {  	_ = 	snop  }
0x8d: {  	s0 =	sld [smem:$0x3FD0];
	_ =	sdelay $0x2  }
0x8e: {  	s13 =	simm.s32 $0xA;
	s2 =	simm.s32 $0x10  }
0x8f: {  	[smem:s2], [sflag:s13] =	dma.local [hbm:s0], $0x1  }
0x90: {  	_ =	swait.eq [sflag:s13], $0x1  }
0x91: {  	[sflag:s13] =	ssyncset.done $0x0  }
0x92: {  	s14 =	sld [smem:$0x10];
	[sflag:s13] =	ssyncadd.s32 $0xFFFFFFFF  }
0x93: {  	s15 =	sld [smem:$0x11];
	(tm) =	ssettm $0x1  }
0x94: {  	s16 =	sld [smem:$0x3FFB];
	_ =	sdelay $0x3  }
0x95: {  	_ =	strace s16  }
0x96: {  	s2 =	sld [smem:$0x3FFC];
	_ =	sdelay $0x3  }
0x97: {  	_ =	strace s2  }
0x98: {  	s2 =	sld [smem:$0x3FFD];
	_ =	sdelay $0x3  }
0x99: {  	_ =	strace s2  }
0x9a: {  	_ =	strace $0x8FFFFFFF  }
0x9b: {  	s17 =	sld [smem:$0x3FDB];
	_ =	sdelay $0x1  }
0x9c: {  	s3 =	simm.s32 $_scs_section_size  }
0x9d: {  	s4 =	simm.s32 $_size__tile_overlayer_lowered;
	s5 =	simm.s32 $_tile_overlayer_lowered  }
0x9e: {  	s20 =	simm.s32 $0x1BFF;
	s19 =	sshll.u32 s5, $0x1;
	s2 =	sadd.s32 s3, s17  }
0x9f: {  	s6 =	simm.s32 $0x0;
	s18 =	sshll.u32 s4, $0x1;
	s4 =	sadd.s32 s19, s2  }
0xa0: {  	[timem:s6], [sflag:s20] =	dma.local [hbm:s4], s18  }
0xa1: {  	_ =	swait.ge [sflag:s20], s18  }
0xa2: {  	s3 =	ssub.s32 $0x0, s18;
	[sflag:s20] =	ssyncset.done $0x0  }
0xa3: {  	[sflag:s20] =	ssyncadd.s32 s3;
	_ =	sdelay $0x1  }
0xa4: {  	s21 =	simm.s32 $0x1B8B  }
0xa5: {  	_ =	swait.ge [sflag:s21], $0x1  }
0xa6: {  	[sflag:s21] =	ssyncset.done $0x0  }
0xa7: {  	s23 =	simm.s32 $0x1B8E;
	s22 =	sld [smem:$0x3FFE];
	[sflag:s21] =	ssyncadd.s32 $0xFFFFFFFF  }
0xa8: {  	s24 =	simm.s32 $execute0_lowered;
	[smem:$0x3FD2] =	sst s23  }
0xa9: {  	s4 =	sshll.u32 s24, $0x1;
	_ =	strace $0x80000046;
	[dreg:$0x1] =	wrdreg $0xFFFFFFFF  }
0xaa: {  	s25 =	simm.s32 $_size_execute0_lowered;
	s2 =	sadd.s32 s2, s4;
	[dreg:$0x0] =	wrdreg $0x0  }
0xab: {  	s4 =	sshll.u32 s25, $0x1;
	[dreg:$0x2] =	wrdreg s2  }
0xac: {  	[dreg:$0x3] =	wrdreg s4  }
0xad: {  	[dreg:$0x4] =	wrdreg $0xC0  }
0xae: {  	_ =	task [dreg:s6], $0x5FFFF  }
0xaf: {  	[dreg:$0x1] =	wrdreg $0xFFFFFFFF  }
0xb0: {  	[dreg:$0x0] =	wrdreg $0x60  }
0xb1: {  	[dreg:$0x2] =	wrdreg s22  }
0xb2: {  	[dreg:$0x3] =	wrdreg s14  }
0xb3: {  	[dreg:$0x4] =	wrdreg s15  }
0xb4: {  	[dreg:$0x5] =	wrdreg $0x9  }
0xb5: {  	_ =	task.clear_ibuf [dreg:s6], $0x6FFFF;
	_ =	strace $0x90000046  }
0xb6: {  	s26 =	simm.s32 $0x9;
	_ =	strace $0x80000048  }
0xb7: {  	_ =	swait.ge [sflag:s26], $0x1  }
0xb8: {  	[sflag:s26] =	ssyncadd.s32 $0xFFFFFFFF  }
0xb9: {  	_ =	strace $0x90000048  }
0xba: {  	_ =	sfence  }
0xbb: {  	s28 =	sld [smem:$0x0];
	_ =	sdelay $0x1  }
0xbc: {  	s29 =	srdreg.scid  }
0xbd: {  	s30 =	sshll.u32 s29, $0xD;
	s31 =	sshrl.u32 s29, $0x2  }
0xbe: {  	s1 =	sand.u32 $0x1, s29;
	s2 =	sand.u32 $0x4000, s30;
	s0 =	sadd.s32 s31, s28  }
0xbf: {  	s1 =	sor.u32 s2, s1;
	s0 =	sshll.u32 s0, $0x11  }
0xc0: {  	s0 =	sor.u32 s0, s1  }
0xc1: {  	s0 =	sadd.s32 $0x8F2B, s0  }
0xc2: {  	[sflag:s0] =	ssyncadd.remote.s32 $0x1  }
0xc3: {  	_ =	sfence.sel $0xFFFF  }
0xc4: {  	[dreg:$0x0] =	wrdreg $0xFFFFFFFF;
	(pc) =	sbr.abs _section_cstart, $3  }
0xc5: {  	[dreg:$0x1] =	wrdreg $0xFFFFFFFF  }
0xc6: {  	_ =	task.clear_ibuf [dreg:s6], $0x2FFFF;
	_ =	strace $0x9FFFFFFF  }
0xc7: {  	(tm) =	ssettm $0x7FFFFFFF  }
tec
execute0_lowered:
.L_overlay_start_1:
0x0: {  	(tag) =	ssettag $0x1  }
0x1: {  	s2 =	rddreg [dreg:$0x0]  }
0x2: {  	s4 =	rddreg [dreg:$0x1]  }
0x3: {  	s3 =	rddreg [dreg:$0x2]  }
0x4: {  	s0 =	rddreg [dreg:$0x3];
	s1 =	stileid.u32  }
0x5: {  	s5 =	simm.s32 $0x0;
	s7 =	simm.s32 $0x1000;
	s6 =	sshll.u32 s1, $0x9  }
0x6: {  	s8 =	simm.s32 $0x10000;
	[smem:$0x7FF] =	sst s5;
	s6 =	sadd.s32 s6, s2  }
0x7: {  	s31 =	simm.s32 $0x1;
	_ =	strace $0x80000047;
	s6 =	sadd.s32 $0xE00, s6  }
0x8: {  	[tilespmem:s5], [sflag:$0x1] =	stream.strided.gather [hbm4b:s6+s7], $0x2000, s8, s7, $0x38;
	[tilespmem:$0x3900] =	vst v63  }
0x9: {  	_ =	swait.ge [sflag:s31], $0x2000  }
0xa: {  	[sflag:s31] =	ssyncset.done $0x0  }
0xb: {  	v0 =	vimm.f32 $0.0e+00;
	[sflag:s31] =	ssyncadd.s32 $0xFFFFE000  }
0xc: {  	[tilespmem:$0x2800] =	vst v0  }
0xd: {  	[tilespmem:$0x3000] =	vst v0  }
0xe: {  	[tilespmem:$0x2880] =	vst v0  }
0xf: {  	[tilespmem:$0x3080] =	vst v0  }
0x10: {  	[tilespmem:$0x2900] =	vst v0  }
0x11: {  	[tilespmem:$0x3100] =	vst v0  }
0x12: {  	[tilespmem:$0x2980] =	vst v0  }
0x13: {  	[tilespmem:$0x3180] =	vst v0  }
0x14: {  	[tilespmem:$0x2A00] =	vst v0  }
0x15: {  	[tilespmem:$0x3200] =	vst v0  }
0x16: {  	[tilespmem:$0x2A80] =	vst v0  }
0x17: {  	[tilespmem:$0x3280] =	vst v0  }
0x18: {  	[tilespmem:$0x2B00] =	vst v0  }
0x19: {  	[tilespmem:$0x3300] =	vst v0  }
0x1a: {  	[tilespmem:$0x2B80] =	vst v0  }
0x1b: {  	[tilespmem:$0x3380] =	vst v0  }
0x1c: {  	[tilespmem:$0x2C00] =	vst v0  }
0x1d: {  	[tilespmem:$0x3400] =	vst v0  }
0x1e: {  	[tilespmem:$0x2C80] =	vst v0  }
0x1f: {  	[tilespmem:$0x3480] =	vst v0  }
0x20: {  	[tilespmem:$0x2D00] =	vst v0  }
0x21: {  	[tilespmem:$0x3500] =	vst v0  }
0x22: {  	[tilespmem:$0x2D80] =	vst v0  }
0x23: {  	[tilespmem:$0x3580] =	vst v0  }
0x24: {  	[tilespmem:$0x2E00] =	vst v0  }
0x25: {  	[tilespmem:$0x3600] =	vst v0  }
0x26: {  	[tilespmem:$0x2E80] =	vst v0  }
0x27: {  	[tilespmem:$0x3680] =	vst v0  }
0x28: {  	[tilespmem:$0x2F00] =	vst v0  }
0x29: {  	[tilespmem:$0x3700] =	vst v0  }
0x2a: {  	s9 =	simm.s32 $0x2600;
	s10 =	simm.s32 $0x0;
	s2 =	sadd.s32 $0x4E00, s2;
	[tilespmem:$0x2F80] =	vst v0  }
0x2b: {  	v1 =	vimm.s32 $0x0;
	s6 =	simm.s32 $0x2000;
	s7 =	simm.s32 $0x2200;
	s8 =	simm.s32 $0x2400;
	[tilespmem:$0x3780] =	vst v0  }
.LBB2_1:
0x2c: {  	s11 =	sand.u32 $0x70, s10;
	s12 =	sand.u32 $0xC00, s5  }
0x2d: {  	s11 =	sor.u32 s11, s12  }
0x2e: {  	v12 =	vld [tilespmem:s11+$0x0]  }
0x2f: {  	v14 =	vld [tilespmem:s11+$0x80];
	_ =	sdelay $0x2  }
0x30: {  	v15 =	vld [tilespmem:s11+$0x100];
	_ =	sdelay $0x1  }
0x31: {  	v16 =	vld [tilespmem:s11+$0x180];
	vm14 =	vgt.f32 v14, v12  }
0x32: {  	vm15 =	vmneg vm14  }
0x33: {  	v19 =	vld [tilespmem:s11+$0x200];
	v20 =	vsel vm15, v12, v14  }
0x34: {  	vm13 =	vgt.f32 v15, v20  }
0x35: {  	v22 =	vld [tilespmem:s11+$0x280];
	v23 =	vsel vm13, v15, v20  }
0x36: {  	vm12 =	vgt.f32 v16, v23  }
0x37: {  	v29 =	vld [tilespmem:s11+$0x300];
	v27 =	vsel vm12, v16, v23  }
0x38: {  	vm11 =	vgt.f32 v19, v27  }
0x39: {  	v30 =	vld [tilespmem:s11+$0x380];
	v31 =	vsel vm11, v19, v27  }
0x3a: {  	vm10 =	vgt.f32 v22, v31  }
0x3b: {  	v11 =	vld [tilespmem:s11+$0x1000];
	v32 =	vsel vm10, v22, v31  }
0x3c: {  	vm9 =	vgt.f32 v29, v32  }
0x3d: {  	v7 =	vld [tilespmem:s11+$0x1080];
	v33 =	vsel vm9, v29, v32  }
0x3e: {  	vm8 =	vgt.f32 v30, v33  }
0x3f: {  	v6 =	vld [tilespmem:s11+$0x1100];
	v34 =	vsel vm8, v30, v33  }
0x40: {  	vm7 =	vgt.f32 v11, v34  }
0x41: {  	v5 =	vld [tilespmem:s11+$0x1180];
	v10 =	vsel vm7, v11, v34  }
0x42: {  	vm6 =	vgt.f32 v7, v10  }
0x43: {  	v18 =	vld [tilespmem:s11+$0x1200];
	v28 =	vsel vm6, v7, v10  }
0x44: {  	vm5 =	vgt.f32 v6, v28  }
0x45: {  	v9 =	vld [tilespmem:s11+$0x1280];
	v25 =	vsel vm5, v6, v28  }
0x46: {  	vm4 =	vgt.f32 v5, v25  }
0x47: {  	v8 =	vld [tilespmem:s11+$0x1300];
	v21 =	vsel vm4, v5, v25  }
0x48: {  	vm3 =	vgt.f32 v18, v21  }
0x49: {  	v4 =	vld [tilespmem:s11+$0x1380];
	v17 =	vsel vm3, v18, v21  }
0x4a: {  	v2 =	vimm.s32 $0x0;
	vm0 =	vgt.f32 v9, v17  }
0x4b: {  	v2 =	vsel vm0, $0xFFFFFFFF, v2;
	v13 =	vsel vm0, v9, v17  }
0x4c: {  	[tilespmem:$0x1FFD0] =	vst v2;
	vm0 =	vgt.f32 v8, v13;
	v2 =	vimm.s32 $0x0  }
0x4d: {  	v2 =	vsel vm0, $0xFFFFFFFF, v2;
	v3 =	vsel vm0, v8, v13  }
0x4e: {  	[tilespmem:$0x1FFE0] =	vst v2;
	vm0 =	vgt.f32 v4, v3;
	v2 =	vimm.s32 $0x0  }
0x4f: {  	v2 =	vsel vm0, $0xFFFFFFFF, v2  }
0x50: {  	[tilespmem:$0x1FFF0] =	vst v2;
	v2 =	vsel vm0, v4, v3  }
0x51: {  	v24 =	vsub.f32 v12, v2  }
0x52: {  	v26 =	vsub.f32 v14, v2;
	v55 =	vsub.f32 v15, v2  }
0x53: {  	v57 =	vsub.f32 v16, v2;
	v58 =	vsub.f32 v19, v2  }
0x54: {  	vm1 =	vgt.f32 v14, $-Inf;
	v60 =	vsub.f32 v22, v2;
	v62 =	vsub.f32 v29, v2  }
0x55: {  	v63 =	vsel vm14, $0x1, v1;
	v36 =	vsub.f32 v30, v2;
	v38 =	vsub.f32 v11, v2  }
0x56: {  	vm0 =	vlt.f32 v14, $-Inf;
	v41 =	vsub.f32 v7, v2;
	v42 =	vsub.f32 v6, v2  }
0x57: {  	vm0 =	vmor vm1, vm0;
	v45 =	vsub.f32 v5, v2;
	v47 =	vsub.f32 v18, v2  }
0x58: {  	v49 =	vsub.f32 v9, v2;
	v52 =	vsub.f32 v8, v2;
	v24 =	vmul.f32 $1.442695020e+00, v24  }
0x59: {  	v14 =	vnsel vm0, $0xFF800000, v14;
	vm0 =	vmand vm15, vm0;
	v54 =	vmul.f32 $1.442695020e+00, v26  }
0x5a: {  	v12 =	vsel vm15, v14, v12;
	v56 =	vmul.f32 $1.442695020e+00, v55;
	(erf) = vpow2.f32 v24  }
0x5b: {  	v59 =	vmul.f32 $1.442695020e+00, v57;
	v61 =	vsel vm0, $0x1, v1;
	v14 =	vmul.f32 $1.442695020e+00, v60  }
0x5c: {  	v35 =	vmul.f32 $1.442695020e+00, v62;
	vm1 =	vgt.f32 v15, v12;
	(erf) = vpow2.f32 v54  }
0x5d: {  	v37 =	vmul.f32 $1.442695020e+00, v36;
	v39 =	vmul.f32 $1.442695020e+00, v38;
	v12 =	vsel vm1, v15, v12  }
0x5e: {  	v43 =	vmul.f32 $1.442695020e+00, v41;
	v12 =	vsel vm13, v20, v12;
	(erf) = vpow2.f32 v56  }
0x5f: {  	v46 =	vmul.f32 $1.442695020e+00, v45;
	v55 =	vsub.f32 v4, v2;
	vm2 =	vgt.f32 v16, v12  }
0x60: {  	v51 =	vmul.f32 $1.442695020e+00, v49;
	v12 =	vsel vm2, v16, v12;
	(erf) = vpow2.f32 v59  }
0x61: {  	v15 =	vmul.f32 $1.442695020e+00, v58;
	v57 =	vmul.f32 $1.442695020e+00, v55;
	v12 =	vsel vm12, v23, v12  }
0x62: {  	v54 =	vmul.f32 $1.442695020e+00, v52;
	v16 =	vsel vm1, $0x2, v61;
	vm15 =	vgt.f32 v19, v12  }
0x63: {  	(erf) = vpow2.f32 v15;
	v16 =	vsel vm13, v63, v16;
	v12 =	vsel vm15, v19, v12;
	v26 =	vpop (erf)  }
0x64: {  	v12 =	vsel vm11, v27, v12;
	(erf) = vpow2.f32 v14;
	v23 =	vadd.f32 $0.0e+00, v26  }
0x65: {  	v24 =	vpop (erf);
	(erf) = vpow2.f32 v35;
	v35 =	vsel vm13, $0x2, v63;
	vm13 =	vgt.f32 v22, v12  }
0x66: {  	v40 =	vsel vm2, $0x3, v16;
	v14 =	vmul.f32 $1.442695020e+00, v42;
	v12 =	vsel vm13, v22, v12  }
0x67: {  	v27 =	vpop (erf);
	(erf) = vpow2.f32 v37;
	v19 =	vadd.f32 v23, v24;
	v12 =	vsel vm10, v31, v12  }
0x68: {  	v36 =	vsel vm12, v35, v40;
	v48 =	vsel vm12, $0x3, v35;
	vm14 =	vgt.f32 v29, v12  }
0x69: {  	v22 =	vpop (erf);
	(erf) = vpow2.f32 v39;
	v19 =	vadd.f32 v19, v27;
	v12 =	vsel vm14, v29, v12  }
0x6a: {  	v50 =	vsel vm15, $0x4, v36;
	v31 =	vsel vm11, $0x4, v48;
	v12 =	vsel vm9, v32, v12  }
0x6b: {  	v32 =	vsel vm11, v48, v50;
	v19 =	vadd.f32 v19, v22;
	vm0 =	vgt.f32 v30, v12  }
0x6c: {  	v23 =	vpop (erf);
	v29 =	vmul.f32 $1.442695020e+00, v47;
	v32 =	vsel vm13, $0x5, v32;
	v12 =	vsel vm0, v30, v12  }
0x6d: {  	v58 =	vsel vm10, v31, v32;
	v31 =	vsel vm10, $0x5, v31;
	v44 =	vadd.f32 v19, v23  }
0x6e: {  	v20 =	vpop (erf);
	(erf) = vpow2.f32 v43;
	v12 =	vsel vm8, v33, v12;
	v30 =	vsel vm14, $0x6, v58  }
0x6f: {  	(erf) = vpow2.f32 v14;
	vm12 =	vgt.f32 v11, v12;
	v30 =	vsel vm9, v31, v30  }
0x70: {  	v31 =	vsel vm9, $0x6, v31;
	v16 =	vadd.f32 v44, v20;
	v11 =	vsel vm12, v11, v12  }
0x71: {  	v19 =	vpop (erf);
	(erf) = vpow2.f32 v46;
	v30 =	vsel vm0, $0x7, v30;
	v59 =	vsel vm7, v34, v11  }
0x72: {  	v15 =	vpop (erf);
	(erf) = vpow2.f32 v29;
	v16 =	vadd.f32 v16, v19;
	vm15 =	vgt.f32 v7, v59  }
0x73: {  	v45 =	vld [tilespmem:$0x1FFE0];
	v30 =	vsel vm8, v31, v30;
	v31 =	vsel vm8, $0x7, v31;
	v7 =	vsel vm15, v7, v59  }
0x74: {  	v14 =	vpop (erf);
	(erf) = vpow2.f32 v51;
	v16 =	vadd.f32 v16, v15;
	v7 =	vsel vm6, v10, v7  }
0x75: {  	v30 =	vsel vm12, $0x8, v30;
	v62 =	vsel vm7, $0x8, v31;
	vm11 =	vgt.f32 v6, v7  }
0x76: {  	v61 =	vsel vm7, v31, v30;
	v34 =	vsel vm6, $0x9, v62;
	v6 =	vsel vm11, v6, v7  }
0x77: {  	v63 =	vsel vm15, $0x9, v61;
	v53 =	vadd.f32 v16, v14;
	v28 =	vsel vm5, v28, v6  }
0x78: {  	vm7 =	vnez.u8 v45;
	v32 =	vsel vm6, v62, v63;
	v16 =	vpop (erf);
	vm13 =	vgt.f32 v5, v28  }
0x79: {  	v42 =	vld [tilespmem:$0x1FFD0];
	(erf) = vpow2.f32 v54;
	v56 =	vadd.f32 v53, v16;
	v5 =	vsel vm13, v5, v28  }
0x7a: {  	v37 =	vsel vm5, $0xA, v34;
	v35 =	vsel vm11, $0xA, v32;
	v11 =	vpop (erf);
	v25 =	vsel vm4, v25, v5  }
0x7b: {  	(erf) = vpow2.f32 v57;
	v60 =	vadd.f32 v56, v11;
	vm14 =	vgt.f32 v18, v25  }
0x7c: {  	v40 =	vsel vm4, $0xB, v37;
	v30 =	vsel vm5, v34, v35;
	v12 =	vpop (erf);
	v18 =	vsel vm14, v18, v25  }
0x7d: {  	v38 =	vsel vm13, $0xB, v30;
	v29 =	vadd.f32 v60, v12;
	v18 =	vsel vm3, v21, v18  }
0x7e: {  	vm5 =	vnez.u8 v42;
	v39 =	vsel vm4, v37, v38;
	v10 =	vpop (erf);
	vm15 =	vgt.f32 v9, v18  }
0x7f: {  	v48 =	vld [tilespmem:$0x1FFF0];
	v21 =	vsel vm14, $0xC, v39;
	v29 =	vadd.f32 v29, v10;
	v9 =	vsel vm15, v9, v18  }
0x80: {  	v43 =	vsel vm3, $0xC, v40;
	v7 =	vpop (erf);
	v41 =	vsel vm3, v40, v21;
	v9 =	vsel vm5, v17, v9  }
0x81: {  	v18 =	vsel vm15, $0xD, v41;
	v29 =	vadd.f32 v29, v7;
	vm6 =	vgt.f32 v8, v9  }
0x82: {  	v44 =	vsel vm5, $0xD, v43;
	v18 =	vsel vm5, v43, v18;
	v6 =	vpop (erf);
	v8 =	vsel vm6, v8, v9  }
0x83: {  	v46 =	vsel vm6, $0xE, v18;
	v33 =	vadd.f32 v29, v6;
	v17 =	vsel vm7, v13, v8  }
0x84: {  	vm3 =	vnez.u8 v48;
	v5 =	vpop (erf);
	v8 =	vsel vm7, v44, v46;
	vm2 =	vgt.f32 v4, v17  }
0x85: {  	v9 =	vsel vm7, $0xE, v44;
	v36 =	vadd.f32 v33, v5;
	v8 =	vsel vm2, $0xF, v8  }
0x86: {  	v4 =	vsel vm2, v4, v17;
	v8 =	vsel vm3, v9, v8;
	v9 =	vsel vm3, $0xF, v9  }
0x87: {  	v3 =	vsel vm3, v3, v4;
	(erf) = vrcp.f32 v36;
	vm8 =	veq.s32 v9, $0x0  }
0x88: {  	vm9 =	veq.s32 v8, $0x0;
	vm10 =	veq.s32 v9, $0x1;
	vm11 =	veq.s32 v8, $0x1  }
0x89: {  	vm12 =	veq.s32 v9, $0x2;
	vm13 =	veq.s32 v8, $0x2;
	vm14 =	veq.s32 v9, $0x3  }
0x8a: {  	vm15 =	veq.s32 v8, $0x3;
	vm4 =	veq.s32 v9, $0x4;
	vm5 =	veq.s32 v8, $0x4  }
0x8b: {  	vm6 =	veq.s32 v9, $0x5;
	vm7 =	veq.s32 v8, $0x5;
	v2 =	vsub.f32 v3, v2  }
0x8c: {  	v51 =	vsel vm8, $0x3F800000, v0;
	v52 =	vsel vm9, $0x3F800000, v0;
	v56 =	vsel vm10, $0x3F800000, v0  }
0x8d: {  	v57 =	vsel vm11, $0x3F800000, v0;
	v59 =	vsel vm12, $0x3F800000, v0;
	v60 =	vsel vm13, $0x3F800000, v0  }
0x8e: {  	v37 =	vsel vm14, $0x3F800000, v0;
	v38 =	vsel vm15, $0x3F800000, v0;
	v40 =	vsel vm4, $0x3F800000, v0  }
0x8f: {  	v41 =	vsel vm5, $0x3F800000, v0;
	v46 =	vsel vm6, $0x3F800000, v0;
	vm8 =	veq.s32 v9, $0x6  }
0x90: {  	v49 =	vld [tilespmem:$0x3000];
	vm9 =	veq.s32 v8, $0x6;
	vm10 =	veq.s32 v9, $0x7;
	vm11 =	veq.s32 v8, $0x7  }
0x91: {  	v54 =	vld [tilespmem:$0x3080];
	vm12 =	veq.s32 v9, $0x8;
	vm13 =	veq.s32 v8, $0x8;
	vm14 =	veq.s32 v9, $0x9  }
0x92: {  	v58 =	vld [tilespmem:$0x3100];
	vm15 =	veq.s32 v8, $0x9;
	vm4 =	veq.s32 v9, $0xA;
	vm5 =	veq.s32 v8, $0xA  }
0x93: {  	v39 =	vld [tilespmem:$0x3200];
	vm6 =	veq.s32 v9, $0xB;
	v29 =	vadd.f32 v57, v56;
	v61 =	vadd.f32 v60, v59  }
0x94: {  	v47 =	vld [tilespmem:$0x2800];
	v31 =	vadd.f32 v38, v37;
	v42 =	vadd.f32 v41, v40;
	v59 =	vsel vm11, $0x3F800000, v0  }
0x95: {  	v55 =	vld [tilespmem:$0x2900];
	v37 =	vsel vm14, $0x3F800000, v0;
	v38 =	vsel vm15, $0x3F800000, v0;
	v2 =	vmul.f32 $1.442695020e+00, v2  }
0x96: {  	v53 =	vld [tilespmem:$0x2880];
	vm11 =	veq.s32 v8, $0xD;
	vm14 =	veq.s32 v9, $0xF;
	v25 =	vadd.f32 v29, v54;
	v13 =	vpop (erf)  }
0x97: {  	v45 =	vld [tilespmem:$0x2B00];
	v40 =	vadd.f32 v38, v37;
	v28 =	vadd.f32 v61, v58;
	v50 =	vmul.f32 v13, v26  }
0x98: {  	v62 =	vld [tilespmem:$0x2980];
	vm15 =	veq.s32 v8, $0xF;
	v30 =	vadd.f32 v42, v39;
	[tilespmem:$0x3080] =	vst v25;
	v26 =	vadd.f32 v52, v51  }
0x99: {  	v63 =	vld [tilespmem:$0x3180];
	v58 =	vsel vm10, $0x3F800000, v0;
	[tilespmem:$0x3100] =	vst v28;
	v24 =	vmul.f32 v13, v24;
	v18 =	vadd.f32 v50, v47  }
0x9a: {  	v36 =	vld [tilespmem:$0x2A00];
	v42 =	vsel vm4, $0x3F800000, v0;
	[tilespmem:$0x3200] =	vst v30;
	v27 =	vmul.f32 v13, v27;
	v21 =	vadd.f32 v26, v49  }
0x9b: {  	v43 =	vld [tilespmem:$0x2A80];
	vm10 =	veq.s32 v9, $0xD;
	v22 =	vmul.f32 v13, v22;
	v24 =	vadd.f32 v24, v53;
	[tilespmem:$0x2800] =	vst v18  }
0x9c: {  	v35 =	vld [tilespmem:$0x3480];
	(erf) = vpow2.f32 v2;
	v23 =	vmul.f32 v13, v23;
	v26 =	vadd.f32 v27, v55;
	[tilespmem:$0x3000] =	vst v21  }
0x9d: {  	v57 =	vld [tilespmem:$0x2C00];
	v20 =	vmul.f32 v13, v20;
	v19 =	vmul.f32 v13, v19;
	v22 =	vadd.f32 v22, v62;
	[tilespmem:$0x2880] =	vst v24  }
0x9e: {  	v61 =	vld [tilespmem:$0x2C80];
	v15 =	vmul.f32 v13, v15;
	v14 =	vmul.f32 v13, v14;
	v27 =	vadd.f32 v31, v63;
	[tilespmem:$0x2900] =	vst v26  }
0x9f: {  	v41 =	vld [tilespmem:$0x2D80];
	v16 =	vmul.f32 v13, v16;
	v11 =	vmul.f32 v13, v11;
	v23 =	vadd.f32 v23, v36;
	[tilespmem:$0x2980] =	vst v22  }
0xa0: {  	v48 =	vld [tilespmem:$0x3300];
	v12 =	vmul.f32 v13, v12;
	v10 =	vmul.f32 v13, v10;
	v20 =	vadd.f32 v20, v43;
	[tilespmem:$0x3180] =	vst v27  }
0xa1: {  	v44 =	vld [tilespmem:$0x3280];
	v7 =	vmul.f32 v13, v7;
	v47 =	vsel vm7, $0x3F800000, v0;
	v54 =	vadd.f32 v19, v45;
	[tilespmem:$0x2A00] =	vst v23  }
0xa2: {  	v60 =	vld [tilespmem:$0x3400];
	v49 =	vsel vm8, $0x3F800000, v0;
	v50 =	vsel vm9, $0x3F800000, v0;
	v14 =	vadd.f32 v14, v57;
	[tilespmem:$0x2A80] =	vst v20  }
0xa3: {  	v52 =	vld [tilespmem:$0x2B80];
	v62 =	vsel vm12, $0x3F800000, v0;
	v63 =	vsel vm13, $0x3F800000, v0;
	v3 =	vadd.f32 v16, v61;
	[tilespmem:$0x2B00] =	vst v54  }
0xa4: {  	v39 =	vld [tilespmem:$0x3500];
	v43 =	vsel vm5, $0x3F800000, v0;
	v12 =	vadd.f32 v41, v12;
	v33 =	vadd.f32 v47, v46;
	[tilespmem:$0x2C00] =	vst v14  }
0xa5: {  	v2 =	vld [tilespmem:$0x3580];
	vm7 =	veq.s32 v8, $0xB;
	v51 =	vadd.f32 v50, v49;
	v46 =	vadd.f32 v35, v40;
	[tilespmem:$0x2C80] =	vst v3  }
0xa6: {  	v36 =	vld [tilespmem:$0x2D00];
	vm8 =	veq.s32 v9, $0xC;
	vm9 =	veq.s32 v8, $0xC;
	[tilespmem:$0x2D80] =	vst v12;
	v53 =	vadd.f32 v33, v44  }
0xa7: {  	v55 =	vld [tilespmem:$0x3380];
	vm12 =	veq.s32 v9, $0xE;
	v34 =	vadd.f32 v63, v62;
	v56 =	vadd.f32 v51, v48;
	[tilespmem:$0x3480] =	vst v46  }
0xa8: {  	v57 =	vld [tilespmem:$0x3700];
	vm13 =	veq.s32 v8, $0xE;
	v17 =	vadd.f32 v43, v42;
	v33 =	vadd.f32 v15, v52;
	[tilespmem:$0x3280] =	vst v53  }
0xa9: {  	v45 =	vsel vm7, $0x3F800000, v0;
	v49 =	vld [tilespmem:$0x3600];
	v24 =	vadd.f32 v59, v58;
	v15 =	vadd.f32 v60, v34;
	[tilespmem:$0x3300] =	vst v56  }
0xaa: {  	v47 =	vld [tilespmem:$0x2E00];
	v3 =	vsel vm9, $0x3F800000, v0;
	v44 =	vsel vm6, $0x3F800000, v0;
	v48 =	vadd.f32 v39, v17;
	[tilespmem:$0x2B80] =	vst v33  }
0xab: {  	v50 =	vld [tilespmem:$0x2E80];
	v51 =	vsel vm8, $0x3F800000, v0;
	v18 =	vadd.f32 v45, v44;
	v11 =	vadd.f32 v36, v11;
	[tilespmem:$0x3400] =	vst v15  }
0xac: {  	v54 =	vsel vm11, $0x3F800000, v0;
	v52 =	vld [tilespmem:$0x3680];
	v3 =	vadd.f32 v3, v51;
	v19 =	vadd.f32 v24, v55;
	[tilespmem:$0x3500] =	vst v48;
	v56 =	vpop (erf)  }
0xad: {  	v58 =	vsel vm12, $0x3F800000, v0;
	v60 =	vld [tilespmem:$0x3780];
	v2 =	vadd.f32 v2, v18;
	[tilespmem:$0x2D00] =	vst v11;
	v11 =	vadd.f32 $1.000000000e+00, v56  }
0xae: {  	v59 =	vsel vm13, $0x3F800000, v0;
	v53 =	vsel vm10, $0x3F800000, v0;
	v55 =	vld [tilespmem:$0x2F00];
	v3 =	vadd.f32 v49, v3;
	[tilespmem:$0x3380] =	vst v19  }
0xaf: {  	v10 =	vadd.f32 v47, v10;
	v4 =	vadd.f32 v54, v53;
	[tilespmem:$0x3580] =	vst v2;
	v2 =	vld [tilespmem:$0x2F80];
	(erf) = vrcp.f32 v11  }
0xb0: {  	v6 =	vmul.f32 v13, v6;
	v7 =	vadd.f32 v50, v7;
	[tilespmem:$0x3600] =	vst v3;
	v3 =	vadd.f32 v59, v58  }
0xb1: {  	v61 =	vsel vm14, $0x3F800000, v0;
	v62 =	vsel vm15, $0x3F800000, v0;
	v4 =	vadd.f32 v52, v4;
	[tilespmem:$0x2E00] =	vst v10  }
0xb2: {  	v5 =	vmul.f32 v13, v5;
	v63 =	vadd.f32 v62, v61;
	[tilespmem:$0x2E80] =	vst v7;
	v3 =	vadd.f32 v57, v3  }
0xb3: {  	v6 =	vadd.f32 v55, v6;
	[tilespmem:$0x3680] =	vst v4  }
0xb4: {  	[tilespmem:$0x3700] =	vst v3;
	v3 =	vadd.f32 v60, v63;
	v2 =	vadd.f32 v2, v5  }
0xb5: {  	[tilespmem:$0x2F00] =	vst v6  }
0xb6: {  	p0 =	sne.s32 s10, $0x1F0;
	[tilespmem:$0x3780] =	vst v3  }
.Ltmp0:
0xb7: {  	[tilespmem:$0x2F80] =	vst v2;
	(pc) =	sbr.rel @p0 .LBB2_1-.Ltmp0, $4  }
0xb8: {  	[tilespmem:s6+$0x0] =	vst v9;
	v2 =	vpop (erf)  }
0xb9: {  	[tilespmem:s7+$0x0] =	vst v8;
	v3 =	vsub.f32 $1.000000000e+00, v2  }
0xba: {  	s5 =	sadd.s32 $0x80, s5;
	s10 =	sadd.s32 $0x10, s10;
	s6 =	sadd.s32 $0x10, s6;
	[tilespmem:s8+$0x0] =	vst v2  }
0xbb: {  	s7 =	sadd.s32 $0x10, s7;
	s8 =	sadd.s32 $0x10, s8;
	[tilespmem:s9+$0x0] =	vst v3;
	s9 =	sadd.s32 $0x10, s9  }
0xbc: {  	s6 =	sshll.u32 s1, $0x7;
	s7 =	simm.s32 $0x80;
	s8 =	simm.s32 $0x100  }
0xbd: {  	s9 =	simm.s32 $0x2000;
	s21 =	simm.s32 $0x1;
	s5 =	sadd.s32 s4, s6  }
0xbe: {  	[hbm4b:s5+s7] =	stream.strided.scatter [tilespmem:s9], [sflag:$0x1], $0x200, s8, s7, $0x38;
	[tilespmem:$0x3900] =	vst v63  }
0xbf: {  	_ =	swait.ge [sflag:s21], $0x200  }
0xc0: {  	s22 =	sor.u32 $0x10, s6;
	[sflag:s21] =	ssyncset.done $0x0  }
0xc1: {  	s10 =	simm.s32 $0x2200;
	s23 =	sadd.s32 s4, s22;
	[sflag:s21] =	ssyncadd.s32 $0xFFFFFE00  }
0xc2: {  	[hbm4b:s23+s7] =	stream.strided.scatter [tilespmem:s10], [sflag:$0x1], $0x200, s8, s7, $0x38;
	[tilespmem:$0x3900] =	vst v63  }
0xc3: {  	_ =	swait.ge [sflag:s21], $0x200  }
0xc4: {  	[sflag:s21] =	ssyncset.done $0x0  }
0xc5: {  	s25 =	simm.s32 $0x2400;
	s24 =	sadd.s32 s3, s6;
	[sflag:s21] =	ssyncadd.s32 $0xFFFFFE00  }
0xc6: {  	[hbm4b:s24+s7] =	stream.strided.scatter [tilespmem:s25], [sflag:$0x1], $0x200, s8, s7, $0x38;
	[tilespmem:$0x3900] =	vst v63  }
0xc7: {  	_ =	swait.ge [sflag:s21], $0x200  }
0xc8: {  	[sflag:s21] =	ssyncset.done $0x0  }
0xc9: {  	s28 =	simm.s32 $0x2600;
	v0 =	vimm.s32 $0xFEDCBA98;
	v1 =	vimm.s32 $0x76543210;
	s26 =	sadd.s32 s3, s22;
	[sflag:s21] =	ssyncadd.s32 $0xFFFFFE00  }
0xca: {  	v3 =	vimm.s32 $0xBA98FEDC;
	[hbm4b:s26+s7] =	stream.strided.scatter [tilespmem:s28], [sflag:$0x1], $0x200, s8, s7, $0x38;
	[tilespmem:$0x3900] =	vst v63  }
0xcb: {  	v4 =	vimm.s32 $0x32107654;
	v5 =	vimm.s32 $0xDCFE98BA;
	_ =	swait.ge [sflag:s21], $0x200  }
0xcc: {  	v6 =	vimm.s32 $0x54761032;
	v17 =	vimm.s32 $0xEFCDAB89;
	v9 =	vimm.s32 $0x67452301;
	[sflag:s21] =	ssyncset.done $0x0  }
0xcd: {  	vm0 =	vcmask $0x300;
	vm13 =	vcmask $0x704;
	vm14 =	vcmask $0xB08;
	[sflag:s21] =	ssyncadd.s32 $0xFFFFFE00  }
0xce: {  	vm15 =	vcmask $0xF0C;
	vm4 =	vcmask $0x1310;
	v0 =	vunpack.c.l.s4.s8 v0;
	v2 =	vld [tilespmem:$0x2800]  }
0xcf: {  	v1 =	vunpack.c.l.s4.s8 v1;
	v3 =	vunpack.c.l.s4.s8 v3;
	v4 =	vunpack.c.l.s4.s8 v4;
	v12 =	vld [tilespmem:$0x3000]  }
0xd0: {  	v5 =	vunpack.c.l.s4.s8 v5;
	v6 =	vunpack.c.l.s4.s8 v6;
	v0 =	vunpack.c.0.s8.s32 v0;
	v16 =	vld [tilespmem:$0x2880]  }
0xd1: {  	v1 =	vunpack.c.0.s8.s32 v1;
	v11 =	vunpack.c.0.s8.s32 v3;
	v4 =	vunpack.c.0.s8.s32 v4;
	v18 =	vld [tilespmem:$0x3080]  }
0xd2: {  	v13 =	vunpack.c.0.s8.s32 v5;
	v14 =	vunpack.c.0.s8.s32 v6;
	v0 =	vand.u32 $0xF, v0;
	v24 =	vld [tilespmem:$0x2900]  }
0xd3: {  	v9 =	vunpack.c.l.s4.s8 v9;
	v5 =	vunpack.c.l.s4.s8 v17;
	v0 =	vcombine.low v0, v1;
	v27 =	vld [tilespmem:$0x3100]  }
0xd4: {  	vm5 =	vcmask $0x1714;
	v1 =	vcombine.low v4, v11;
	v4 =	vcombine.low v14, v13;
	v14 =	vld [tilespmem:$0x2980]  }
0xd5: {  	vm6 =	vcmask $0x1B18;
	v9 =	vunpack.c.0.s8.s32 v9;
	v5 =	vunpack.c.0.s8.s32 v5;
	v37 =	vld [tilespmem:$0x2A00]  }
0xd6: {  	vm7 =	vcmask $0x1F1C;
	vm8 =	vcmask $0x2320;
	vm9 =	vcmask $0x2724;
	v41 =	vld [tilespmem:$0x3200]  }
0xd7: {  	vm10 =	vcmask $0x2B28;
	v20 =	vcombine.low v9, v5;
	v52 =	vld [tilespmem:$0x2A80];
	v7 =	vperm.xlane v2, v0  }
0xd8: {  	vm11 =	vcmask $0x2F2C;
	v53 =	vld [tilespmem:$0x3280];
	v15 =	vperm.xlane v12, v0;
	v10 =	vperm.xlane v16, v0  }
0xd9: {  	vm12 =	vcmask $0x3330;
	v22 =	vperm.xlane v18, v0;
	v28 =	vperm.xlane v24, v0  }
0xda: {  	v1 =	vand.u32 $0xF, v1;
	v31 =	vperm.xlane v27, v0;
	v34 =	vperm.xlane v14, v0  }
0xdb: {  	v44 =	vperm.xlane v37, v0;
	v48 =	vperm.xlane v41, v0;
	v2 =	vadd.f32 v7, v2  }
0xdc: {  	v60 =	vperm.xlane v52, v0;
	v3 =	vadd.f32 v15, v12;
	v21 =	vadd.f32 v10, v16  }
0xdd: {  	v62 =	vperm.xlane v53, v0;
	v6 =	vadd.f32 v22, v18;
	v7 =	vadd.f32 v28, v24  }
0xde: {  	v47 =	vadd.f32 v44, v37;
	v8 =	vperm.xlane v2, v1;
	v19 =	vperm.xlane v3, v1  }
0xdf: {  	v15 =	vld [tilespmem:$0x3180];
	v22 =	vadd.f32 v62, v53;
	v10 =	vperm.xlane v21, v1;
	v25 =	vperm.xlane v6, v1  }
0xe0: {  	v32 =	vperm.xlane v7, v1;
	v50 =	vperm.xlane v47, v1;
	v8 =	vadd.f32 v8, v2  }
0xe1: {  	v2 =	vand.u32 $0xF, v4;
	v4 =	vadd.f32 v19, v3;
	v5 =	vadd.f32 v10, v21  }
0xe2: {  	v3 =	vand.u32 $0xF, v20;
	v6 =	vadd.f32 v25, v6;
	v11 =	vperm.xlane v8, v2  }
0xe3: {  	v7 =	vadd.f32 v32, v7;
	v23 =	vperm.xlane v4, v2;
	v12 =	vperm.xlane v5, v2  }
0xe4: {  	v21 =	vld [tilespmem:$0x3300];
	v38 =	vperm.xlane v15, v0;
	v29 =	vperm.xlane v6, v2;
	v8 =	vadd.f32 v11, v8  }
0xe5: {  	v16 =	vperm.xlane v7, v2;
	v9 =	vadd.f32 v23, v4;
	v5 =	vadd.f32 v12, v5  }
0xe6: {  	v4 =	vimm.f32 $0.0e+00;
	v6 =	vadd.f32 v29, v6;
	v12 =	vadd.f32 v34, v14  }
0xe7: {  	v7 =	vadd.f32 v16, v7;
	v14 =	vperm.xlane v22, v1;
	v13 =	vsel vm0, $0x3F800000, v4  }
0xe8: {  	v35 =	vsel vm13, $0x3F800000, v4;
	v45 =	vsel vm14, $0x3F800000, v4;
	v55 =	vsel vm15, $0x3F800000, v4  }
0xe9: {  	v63 =	vld [tilespmem:$0x2B00];
	v28 =	vperm.xlane v21, v0;
	vm13 =	vcmask $0x3734;
	v11 =	vperm.xlane v8, v3  }
0xea: {  	vm14 =	vcmask $0x3B38;
	v26 =	vperm.xlane v9, v3;
	v30 =	vperm.xlane v5, v3  }
0xeb: {  	vm15 =	vcmask $0x3B00;
	v33 =	vperm.xlane v6, v3;
	v8 =	vadd.f32 v11, v8  }
0xec: {  	v42 =	vperm.xlane v7, v3;
	v9 =	vadd.f32 v26, v9;
	v5 =	vadd.f32 v30, v5  }
0xed: {  	v39 =	vperm.xlane v12, v1;
	v11 =	vadd.f32 v31, v27;
	v6 =	vadd.f32 v33, v6;
	v30 =	vld [tilespmem:$0x2B80]  }
0xee: {  	v7 =	vadd.f32 v42, v7;
	v27 =	vperm.xlane v63, v0;
	v8 =	vmul.f32 v13, v8  }
0xef: {  	v26 =	vsel vm4, $0x3F800000, v4;
	v9 =	vmul.f32 v13, v9;
	v36 =	vperm.xlane v11, v1  }
0xf0: {  	v5 =	vmul.f32 v35, v5;
	v6 =	vmul.f32 v35, v6;
	v8 =	vadd.f32 $0.0e+00, v8  }
0xf1: {  	v7 =	vmul.f32 v45, v7;
	v10 =	vadd.f32 v36, v11;
	v11 =	vadd.f32 v38, v15;
	v36 =	vld [tilespmem:$0x3380]  }
0xf2: {  	v9 =	vadd.f32 $0.0e+00, v9;
	v38 =	vperm.xlane v30, v0;
	v5 =	vadd.f32 v5, v8  }
0xf3: {  	v40 =	vperm.xlane v10, v2;
	v8 =	vadd.f32 v39, v12;
	v43 =	vperm.xlane v11, v1  }
0xf4: {  	v6 =	vadd.f32 v6, v9;
	v12 =	vadd.f32 v48, v41;
	v39 =	vsel vm5, $0x3F800000, v4  }
0xf5: {  	v53 =	vld [tilespmem:$0x2C80];
	v9 =	vadd.f32 v40, v10;
	v46 =	vperm.xlane v8, v2;
	v10 =	vadd.f32 v43, v11  }
0xf6: {  	v5 =	vadd.f32 v7, v5;
	v11 =	vadd.f32 v50, v47;
	v42 =	vperm.xlane v36, v0  }
0xf7: {  	v17 =	vperm.xlane v9, v3;
	v8 =	vadd.f32 v46, v8;
	v49 =	vperm.xlane v10, v2  }
0xf8: {  	v44 =	vld [tilespmem:$0x2C00];
	v54 =	vperm.xlane v12, v1;
	v57 =	vperm.xlane v11, v2;
	v13 =	vadd.f32 v42, v36  }
0xf9: {  	v46 =	vld [tilespmem:$0x3400];
	v9 =	vadd.f32 v17, v9;
	v51 =	vperm.xlane v8, v3;
	v10 =	vadd.f32 v49, v10  }
0xfa: {  	v59 =	vadd.f32 v57, v11;
	v11 =	vadd.f32 v60, v52;
	v60 =	vperm.xlane v53, v0  }
0xfb: {  	v49 =	vsel vm6, $0x3F800000, v4;
	v48 =	vperm.xlane v13, v1;
	v9 =	vmul.f32 v45, v9  }
0xfc: {  	v7 =	vadd.f32 v51, v8;
	v56 =	vperm.xlane v10, v3;
	v8 =	vadd.f32 v54, v12  }
0xfd: {  	v20 =	vperm.xlane v59, v3;
	v24 =	vperm.xlane v11, v1;
	v12 =	vadd.f32 v28, v21  }
0xfe: {  	v51 =	vperm.xlane v44, v0;
	v28 =	vsel vm8, $0x3F800000, v4;
	v52 =	vperm.xlane v46, v0  }
0xff: {  	v6 =	vadd.f32 v9, v6;
	v7 =	vmul.f32 v55, v7;
	v58 =	vadd.f32 v56, v10  }
0x100: {  	v61 =	vperm.xlane v8, v2;
	v23 =	vadd.f32 v20, v59;
	v10 =	vadd.f32 v24, v11  }
0x101: {  	v11 =	vadd.f32 v27, v63;
	v35 =	vperm.xlane v12, v1;
	v27 =	vld [tilespmem:$0x3500];
	v5 =	vadd.f32 v7, v5  }
0x102: {  	v9 =	vmul.f32 v55, v58;
	v7 =	vadd.f32 v61, v8;
	v8 =	vadd.f32 v14, v22;
	v55 =	vld [tilespmem:$0x3480]  }
0x103: {  	v29 =	vperm.xlane v10, v2;
	v33 =	vperm.xlane v11, v1;
	v58 =	vsel vm7, $0x3F800000, v4;
	v61 =	vld [tilespmem:$0x2D00]  }
0x104: {  	v6 =	vadd.f32 v9, v6;
	v25 =	vperm.xlane v7, v3;
	v9 =	vmul.f32 v26, v23  }
0x105: {  	v31 =	vperm.xlane v8, v2;
	v32 =	vadd.f32 v29, v10;
	v10 =	vadd.f32 v33, v11  }
0x106: {  	v36 =	vperm.xlane v27, v0;
	v7 =	vadd.f32 v25, v7;
	v5 =	vadd.f32 v9, v5  }
0x107: {  	v34 =	vadd.f32 v31, v8;
	v14 =	vperm.xlane v32, v3;
	v40 =	vperm.xlane v10, v2  }
0x108: {  	v8 =	vadd.f32 v35, v12;
	v62 =	vperm.xlane v55, v0;
	v23 =	vperm.xlane v61, v0  }
0x109: {  	v33 =	vld [tilespmem:$0x2D80];
	v12 =	vadd.f32 v38, v30;
	v7 =	vmul.f32 v26, v7;
	v37 =	vperm.xlane v34, v3  }
0x10a: {  	v9 =	vadd.f32 v14, v32;
	v41 =	vperm.xlane v8, v2;
	v10 =	vadd.f32 v40, v10  }
0x10b: {  	v43 =	vperm.xlane v12, v1;
	v19 =	vadd.f32 v62, v55;
	v26 =	vadd.f32 v23, v61  }
0x10c: {  	v40 =	vsel vm9, $0x3F800000, v4;
	v6 =	vadd.f32 v7, v6;
	v7 =	vadd.f32 v37, v34  }
0x10d: {  	v9 =	vmul.f32 v39, v9;
	v8 =	vadd.f32 v41, v8;
	v45 =	vperm.xlane v10, v3  }
0x10e: {  	v11 =	vadd.f32 v43, v12;
	v41 =	vperm.xlane v33, v0;
	v22 =	vperm.xlane v19, v1  }
0x10f: {  	v12 =	vadd.f32 v60, v53;
	v17 =	vperm.xlane v26, v1;
	v7 =	vmul.f32 v39, v7  }
0x110: {  	v5 =	vadd.f32 v9, v5;
	v47 =	vperm.xlane v8, v3;
	v9 =	vadd.f32 v45, v10  }
0x111: {  	v50 =	vperm.xlane v11, v2;
	v10 =	vadd.f32 v48, v13;
	v13 =	vadd.f32 v51, v44  }
0x112: {  	v21 =	vperm.xlane v12, v1;
	v39 =	vld [tilespmem:$0x3580];
	v34 =	vadd.f32 v17, v26;
	v6 =	vadd.f32 v7, v6  }
0x113: {  	v44 =	vld [tilespmem:$0x2E00];
	v7 =	vadd.f32 v47, v8;
	v9 =	vmul.f32 v49, v9;
	v8 =	vadd.f32 v50, v11  }
0x114: {  	v54 =	vperm.xlane v10, v2;
	v11 =	vadd.f32 v52, v46;
	v57 =	vperm.xlane v13, v1  }
0x115: {  	v46 =	vld [tilespmem:$0x3600];
	v52 =	vsel vm10, $0x3F800000, v4;
	v38 =	vperm.xlane v34, v2;
	v7 =	vmul.f32 v49, v7  }
0x116: {  	v5 =	vadd.f32 v9, v5;
	v56 =	vperm.xlane v8, v3;
	v9 =	vadd.f32 v54, v10  }
0x117: {  	v15 =	vperm.xlane v11, v1;
	v10 =	vadd.f32 v57, v13;
	v13 =	vadd.f32 v36, v27  }
0x118: {  	v57 =	vld [tilespmem:$0x2E80];
	v48 =	vperm.xlane v39, v0;
	v53 =	vperm.xlane v44, v0;
	v6 =	vadd.f32 v7, v6  }
0x119: {  	v7 =	vadd.f32 v56, v8;
	v59 =	vperm.xlane v9, v3;
	v63 =	vperm.xlane v10, v2  }
0x11a: {  	v11 =	vadd.f32 v15, v11;
	v43 =	vperm.xlane v13, v1;
	v55 =	vperm.xlane v46, v0  }
0x11b: {  	v7 =	vmul.f32 v58, v7;
	v9 =	vadd.f32 v59, v9;
	v20 =	vadd.f32 v63, v10  }
0x11c: {  	v18 =	vperm.xlane v11, v2;
	v10 =	vadd.f32 v21, v12;
	v12 =	vadd.f32 v38, v34  }
0x11d: {  	v47 =	vadd.f32 v43, v13;
	v21 =	vsel vm11, $0x3F800000, v4;
	v63 =	vperm.xlane v57, v0  }
0x11e: {  	v5 =	vadd.f32 v7, v5;
	v8 =	vmul.f32 v58, v9;
	v7 =	vadd.f32 v18, v11  }
0x11f: {  	v24 =	vperm.xlane v20, v3;
	v11 =	vadd.f32 v22, v19;
	v29 =	vperm.xlane v10, v2  }
0x120: {  	v45 =	vperm.xlane v12, v3;
	v51 =	vperm.xlane v47, v2;
	v58 =	vadd.f32 v55, v46  }
0x121: {  	v25 =	vperm.xlane v7, v3;
	v9 =	vadd.f32 v24, v20;
	v6 =	vadd.f32 v8, v6  }
0x122: {  	v30 =	vperm.xlane v11, v2;
	v32 =	vadd.f32 v29, v10;
	v10 =	vadd.f32 v41, v33  }
0x123: {  	v49 =	vadd.f32 v45, v12;
	v16 =	vperm.xlane v58, v1;
	v12 =	vadd.f32 v63, v57  }
0x124: {  	v27 =	vld [tilespmem:$0x2F00];
	v7 =	vadd.f32 v25, v7;
	v31 =	vmul.f32 v28, v9;
	v11 =	vadd.f32 v30, v11  }
0x125: {  	v35 =	vperm.xlane v32, v3;
	v50 =	vperm.xlane v10, v1;
	v62 =	vadd.f32 v16, v58  }
0x126: {  	v26 =	vperm.xlane v12, v1;
	v7 =	vmul.f32 v28, v7;
	v5 =	vadd.f32 v31, v5  }
0x127: {  	v25 =	vld [tilespmem:$0x3680];
	v37 =	vperm.xlane v11, v3;
	v8 =	vadd.f32 v35, v32;
	v10 =	vadd.f32 v50, v10  }
0x128: {  	v24 =	vperm.xlane v62, v2;
	v12 =	vadd.f32 v26, v12;
	v32 =	vsel vm12, $0x3F800000, v4  }
0x129: {  	v34 =	vld [tilespmem:$0x2F80];
	v35 =	vperm.xlane v27, v0;
	v11 =	vadd.f32 v37, v11;
	v6 =	vadd.f32 v7, v6  }
0x12a: {  	v31 =	vld [tilespmem:$0x3700];
	v42 =	vmul.f32 v40, v8;
	v8 =	vadd.f32 v48, v39;
	v7 =	vadd.f32 v51, v47  }
0x12b: {  	v36 =	vld [tilespmem:$0x3780];
	v56 =	vperm.xlane v10, v2;
	v9 =	vmul.f32 v40, v11;
	v11 =	vadd.f32 v53, v44  }
0x12c: {  	v33 =	vperm.xlane v12, v2;
	v30 =	vperm.xlane v25, v0;
	v5 =	vadd.f32 v42, v5  }
0x12d: {  	v54 =	vperm.xlane v8, v1;
	v59 =	vadd.f32 v56, v10;
	v60 =	vperm.xlane v11, v1  }
0x12e: {  	v18 =	vperm.xlane v7, v3;
	v38 =	vadd.f32 v33, v12;
	v40 =	vadd.f32 v35, v27  }
0x12f: {  	v44 =	vperm.xlane v34, v0;
	v42 =	vperm.xlane v31, v0;
	v10 =	vadd.f32 v60, v11  }
0x130: {  	v0 =	vperm.xlane v36, v0;
	v6 =	vadd.f32 v9, v6;
	v9 =	vmul.f32 v52, v49  }
0x131: {  	v8 =	vadd.f32 v54, v8;
	v17 =	vperm.xlane v59, v3;
	v22 =	vperm.xlane v10, v2  }
0x132: {  	v7 =	vadd.f32 v18, v7;
	v41 =	vperm.xlane v38, v3;
	v43 =	vperm.xlane v40, v1  }
0x133: {  	v47 =	vadd.f32 v44, v34;
	v49 =	vsel vm13, $0x3F800000, v4;
	v10 =	vadd.f32 v22, v10  }
0x134: {  	v4 =	vsel vm14, $0x3F800000, v4;
	v45 =	vadd.f32 v42, v31;
	v7 =	vmul.f32 v52, v7  }
0x135: {  	v5 =	vadd.f32 v9, v5;
	v9 =	vadd.f32 v17, v59;
	v28 =	vperm.xlane v10, v3  }
0x136: {  	v0 =	vadd.f32 v0, v36;
	v61 =	vperm.xlane v8, v2;
	v6 =	vadd.f32 v7, v6  }
0x137: {  	v9 =	vmul.f32 v21, v9;
	v7 =	vadd.f32 v28, v10;
	v10 =	vadd.f32 v30, v25  }
0x138: {  	v11 =	vadd.f32 v24, v62;
	v14 =	vperm.xlane v47, v1;
	v8 =	vadd.f32 v61, v8  }
0x139: {  	v5 =	vadd.f32 v9, v5;
	v7 =	vmul.f32 v32, v7;
	v39 =	vperm.xlane v10, v1  }
0x13a: {  	v59 =	vimm.f32 $1.000000000e+00;
	v29 =	vperm.xlane v11, v3;
	v12 =	vadd.f32 v14, v47  }
0x13b: {  	v23 =	vperm.xlane v8, v3;
	v5 =	vadd.f32 v7, v5;
	v7 =	vadd.f32 v39, v10  }
0x13c: {  	v13 =	vperm.xlane v45, v1;
	v9 =	vadd.f32 v29, v11;
	v54 =	vperm.xlane v12, v2  }
0x13d: {  	v8 =	vadd.f32 v23, v8;
	v10 =	vadd.f32 v43, v40;
	v46 =	vperm.xlane v7, v2  }
0x13e: {  	v37 =	vmul.f32 v32, v9;
	v9 =	vadd.f32 v13, v45;
	v1 =	vperm.xlane v0, v1  }
0x13f: {  	v8 =	vmul.f32 v21, v8;
	v48 =	vperm.xlane v10, v2;
	v7 =	vadd.f32 v46, v7  }
0x140: {  	v56 =	vadd.f32 v54, v12;
	v51 =	vperm.xlane v9, v2;
	v0 =	vadd.f32 v1, v0  }
0x141: {  	v6 =	vadd.f32 v8, v6;
	v10 =	vadd.f32 v48, v10;
	v50 =	vperm.xlane v7, v3  }
0x142: {  	v8 =	vadd.f32 v41, v38;
	v55 =	vadd.f32 v51, v9;
	v2 =	vperm.xlane v0, v2  }
0x143: {  	v58 =	vperm.xlane v56, v3;
	v53 =	vperm.xlane v10, v3;
	v52 =	vadd.f32 v50, v7  }
0x144: {  	v8 =	vmul.f32 v49, v8;
	v57 =	vperm.xlane v55, v3;
	v0 =	vadd.f32 v2, v0  }
0x145: {  	v6 =	vadd.f32 v37, v6;
	v7 =	vadd.f32 v53, v10;
	v1 =	vmul.f32 v49, v52  }
0x146: {  	v5 =	vadd.f32 v8, v5;
	v2 =	vadd.f32 v57, v55;
	v3 =	vperm.xlane v0, v3  }
0x147: {  	v7 =	vmul.f32 v4, v7;
	v1 =	vadd.f32 v1, v6;
	v6 =	vadd.f32 v58, v56  }
0x148: {  	v60 =	vsel vm15, $0x0, v59;
	v2 =	vmul.f32 v4, v2;
	v0 =	vadd.f32 v3, v0  }
0x149: {  	v61 =	vadd.f32 v7, v5;
	v62 =	vmul.f32 v60, v6  }
0x14a: {  	v0 =	vmul.f32 v60, v0;
	v1 =	vadd.f32 v2, v1  }
0x14b: {  	v63 =	vadd.f32 v62, v61  }
0x14c: {  	v0 =	vadd.f32 v0, v1  }
0x14d: {  	s29 =	sshll.u32 s1, $0x5;
	[tilespmem:$0x3800] =	vst v63  }
0x14e: {  	s30 =	simm.s32 $0x0;
	s31 =	simm.s32 $0x3800;
	s2 =	sadd.s32 s2, s29;
	[tilespmem:$0x3880] =	vst v0  }
0x14f: {  	[hbm4b:s2+s30] =	stream.linear.scatter [tilespmem:s31], [sflag:$0x1], $0x100, $0x38;
	[tilespmem:$0x3900] =	vst v63  }
0x150: {  	_ =	swait.ge [sflag:s21], $0x100  }
0x151: {  	[sflag:s21] =	ssyncset.done $0x0  }
0x152: {  	[sflag:s21] =	ssyncadd.s32 $0xFFFFFF00  }
0x153: {  	_ =	sfence.sel $0x180000  }
0x154: {  	[bflag:$0x0] =	sbarrier.arrive $0xFFFF  }
0x155: {  	p0 =	sne.s32 s1, $0x0;
	_ =	strace $0x90000047  }
0x156: {  	s0 =	sadd.s32 @!p0 $0x100000, s0;
	[bflag:$0x2] =	sbarrier.arrive $0xFFFF  }
0x157: {  	[sflag:s0] =	ssyncadd.tile.s32 @!p0 $0x1;
	_ =	shalt  }
.Lfunc_end2:
_tile_overlayer_lowered:
.L_overlay_start_2:
0x158: {  	(tag) =	ssettag $0x2  }
0x159: {  	s0 =	rddreg [dreg:$0x0];
	s2 =	stileid.u32  }
0x15a: {  	s1 =	rddreg [dreg:$0x1];
	p0 =	sne.s32 s2, $0x0  }
0x15b: {  	s3 =	rddreg [dreg:$0x2];
	[bflag:$0x3] =	sbarrier.arrive $0xFFFF;
	s2 =	simm.s32 @!p0 $0x1C01  }
0x15c: {  	[timem:s3], [sflag:s2] =	dma.local @!p0 [hbm:s0], s1  }
0x15d: {  	s0 =	simm.s32 @!p0 $0x1  }
0x15e: {  	_ =	swait.ge @!p0 [sflag:s0], s1  }
0x15f: {  	s1 =	ssub.s32 @!p0 $0x0, s1;
	[sflag:s0] =	ssyncset.done @!p0 $0x0  }
0x160: {  	[sflag:s0] =	ssyncadd.s32 @!p0 s1  }
0x161: {  	[bflag:$0x3] =	sbarrier.arrive $0xFFFF  }
0x162: {  	_ =	shalt  }

</sc_bundles>
